<compile_context>
chip_gen: v7x
topology: tpu7x:2x2x1
jax: 0.10.2.dev20260603
libtpu: 0.0.44.dev20260713+nightly
codegen_flags: <defaults>
</compile_context>

<pallas_src>
import functools
import math

import jax
import jax.numpy as jnp
from jax import lax
from jax.experimental import pallas as pl
from jax.experimental.pallas import tpu as pltpu
from jax.experimental.pallas import tpu_sc as plsc

EMB = 64
LANES = 16
GRP = 128
SCALE = math.sqrt(EMB) / 3.0


@functools.partial(jax.jit, static_argnames=("num_cores", "num_subcores", "chunk"))
def _three_hot_sc(idx3, emb_i, emb_v, emb_f,
                  num_cores=2, num_subcores=16, chunk=256):
    _, n_rows, grp = idx3.shape
    B = n_rows * GRP
    NW = num_cores * num_subcores
    per_w = B // NW
    groups = chunk // GRP
    n_chunks = per_w // chunk
    rows_per_w = per_w // GRP
    assert n_chunks % 2 == 0 and n_chunks >= 6

    mesh = plsc.VectorSubcoreMesh(core_axis_name="c", subcore_axis_name="s")

    idx_t = pltpu.VMEM((groups, GRP), jnp.int32)
    buf_t = pltpu.VMEM((chunk, EMB), jnp.float32)

    @functools.partial(
        pl.kernel,
        out_type=jax.ShapeDtypeStruct((B, EMB), jnp.float32),
        mesh=mesh,
        compiler_params=pltpu.CompilerParams(use_tc_tiling_on_sc=False),
        scratch_types=[
            [idx_t] * 3, [idx_t] * 3,
            [buf_t] * 3, [buf_t] * 3,
            [pltpu.SemaphoreType.DMA] * 2,
            [pltpu.SemaphoreType.DMA] * 2,
            pltpu.SemaphoreType.DMA,
        ],
    )
    def kern(ixs, ti, tv, tf, out, x0, x1, b0, b1, gsem, osem, isem):
        wid = lax.axis_index("s") * num_cores + lax.axis_index("c")
        xs = (x0, x1)
        bs = (b0, b1)
        tabs = (ti, tv, tf)

        def row0_of(c):
            return wid * rows_per_w + c * groups

        def fire_idx(c, p):
            for t, dst in enumerate(xs[p]):
                pltpu.async_copy(
                    ixs.at[t, pl.ds(row0_of(c), groups)], dst, isem)

        def wait_idx(p):
            for dst in xs[p]:
                pltpu.make_async_copy(
                    ixs.at[0, pl.ds(0, groups)], dst, isem).wait()

        def fire_gathers(p):
            for t in range(3):
                for j in range(groups):
                    pltpu.async_copy(
                        tabs[t].at[xs[p][t].at[j]],
                        bs[p][t].at[pl.ds(j * GRP, GRP)], gsem[p])

        def drain_gathers(p):
            for t in range(3):
                for j in range(groups):
                    pltpu.make_async_copy(
                        tabs[t].at[pl.ds(0, GRP)],
                        bs[p][t].at[pl.ds(j * GRP, GRP)], gsem[p]).wait()

        def compute(p):
            bi, bv, bf = bs[p]

            def row_body(r, _):
                for q in range(EMB // LANES):
                    s = pl.ds(q * LANES, LANES)
                    bi[r, s] = (bi[r, s] + bv[r, s] + bf[r, s]) * SCALE
                return ()

            lax.fori_loop(0, chunk, row_body, ())

        def fire_out(c, p):
            pltpu.async_copy(
                bs[p][0], out.at[pl.ds(row0_of(c) * GRP, chunk)], osem[p])

        def drain_out(p):
            pltpu.make_async_copy(
                bs[p][0], out.at[pl.ds(0, chunk)], osem[p]).wait()

        def iteration(c, p, *, first=False, fire_next=True, fire_idx2=True):
            q = p ^ 1
            if not first:
                drain_out(q)
            if fire_next:
                wait_idx(q)
                fire_gathers(q)
            drain_gathers(p)
            if fire_idx2:
                fire_idx(c + 2, p)
            compute(p)
            fire_out(c, p)

        for t, dst in enumerate(xs[0]):
            pltpu.sync_copy(ixs.at[t, pl.ds(row0_of(0), groups)], dst)
        fire_gathers(0)
        fire_idx(1, 1)

        iteration(0, 0, first=True)
        iteration(1, 1)

        @pl.loop(2, n_chunks - 2, step=2)
        def steady(g):
            for b in range(2):
                iteration(g + b, b)

        iteration(n_chunks - 2, 0, fire_idx2=False)
        iteration(n_chunks - 1, 1, fire_next=False, fire_idx2=False)
        drain_out(1)

    return kern(idx3, emb_i, emb_v, emb_f)


def kernel(tokens, emb_i, emb_v, emb_f):
    lead = tokens.shape[:-1]
    B = tokens.shape[0] * tokens.shape[1]
    idx3 = jnp.moveaxis(tokens, -1, 0).reshape(3, B // GRP, GRP)
    out = _three_hot_sc(idx3, emb_i, emb_v, emb_f)
    return out.reshape(lead + (EMB,))

# --- scband reference (transcript-rebuilt; emitter-appended) ---
"""Pipeline reference for scband-three-hot-embedding-21036749816428 (READ-ONLY COPY).

The authoritative reference and input builder live on the scoring server;
editing this copy changes nothing except your own understanding.
"""

import jax, jax.numpy as jnp
import numpy as np
import math

SIZE_I = 100000
SIZE_V = 100000
SIZE_F = 100000
PAD_I = 0
PAD_V = 0
PAD_F = 0
EMB_SIZE = 64


def setup_inputs(seed: int = 0) -> dict:
    key = jax.random.key(seed)
    k_tok, k_i, k_v, k_f = jax.random.split(key, 4)
    tokens = jax.random.randint(k_tok, (4096, 200, 3), 0, SIZE_I, dtype=jnp.int32)
    emb_i = jax.random.normal(k_i, (SIZE_I, EMB_SIZE), dtype=jnp.float32)
    emb_v = jax.random.normal(k_v, (SIZE_V, EMB_SIZE), dtype=jnp.float32)
    emb_f = jax.random.normal(k_f, (SIZE_F, EMB_SIZE), dtype=jnp.float32)
    # nn.Embedding zeroes the padding_idx row at init
    emb_i = emb_i.at[PAD_I].set(0.0)
    emb_v = emb_v.at[PAD_V].set(0.0)
    emb_f = emb_f.at[PAD_F].set(0.0)
    return {"tokens": tokens, "emb_i": emb_i, "emb_v": emb_v, "emb_f": emb_f}


def reference(tokens, emb_i, emb_v, emb_f):
    # tokens: int[..., 3] threehot; gather each sub-embedding and combine
    i = tokens[..., 0]
    v = tokens[..., 1]
    f = tokens[..., 2]
    ei = jnp.take(emb_i, i, axis=0)
    ev = jnp.take(emb_v, v, axis=0)
    ef = jnp.take(emb_f, f, axis=0)
    return (ei + ev + ef) * math.sqrt(EMB_SIZE) / 3.0

if __name__ == "__main__":
    import jax
    _d = setup_inputs()
    print(jax.jit(kernel)(*tuple(_d.values())))

</pallas_src>

<mosaic_0001>
#map = affine_map<(d0, d1) -> (0, 0, 0)>
#map1 = affine_map<(d0, d1) -> (0, 0)>
module attributes {stable_mosaic.version = 14 : i64} {
  func.func @kern(%arg0: i32, %arg1: i32, %arg2: memref<3x6400x128xi32, #tpu.memory_space<hbm>>, %arg3: memref<100000x64xf32, #tpu.memory_space<hbm>>, %arg4: memref<100000x64xf32, #tpu.memory_space<hbm>>, %arg5: memref<100000x64xf32, #tpu.memory_space<hbm>>, %arg6: memref<819200x64xf32, #tpu.memory_space<hbm>>, %arg7: memref<2x128xi32, #tpu.memory_space<vmem>>, %arg8: memref<2x128xi32, #tpu.memory_space<vmem>>, %arg9: memref<2x128xi32, #tpu.memory_space<vmem>>, %arg10: memref<2x128xi32, #tpu.memory_space<vmem>>, %arg11: memref<2x128xi32, #tpu.memory_space<vmem>>, %arg12: memref<2x128xi32, #tpu.memory_space<vmem>>, %arg13: memref<256x64xf32, #tpu.memory_space<vmem>>, %arg14: memref<256x64xf32, #tpu.memory_space<vmem>>, %arg15: memref<256x64xf32, #tpu.memory_space<vmem>>, %arg16: memref<256x64xf32, #tpu.memory_space<vmem>>, %arg17: memref<256x64xf32, #tpu.memory_space<vmem>>, %arg18: memref<256x64xf32, #tpu.memory_space<vmem>>, %arg19: memref<!tpu.dma_semaphore, #tpu.memory_space<semaphore_mem>>, %arg20: memref<!tpu.dma_semaphore, #tpu.memory_space<semaphore_mem>>, %arg21: memref<!tpu.dma_semaphore, #tpu.memory_space<semaphore_mem>>, %arg22: memref<!tpu.dma_semaphore, #tpu.memory_space<semaphore_mem>>, %arg23: memref<!tpu.dma_semaphore, #tpu.memory_space<semaphore_mem>>) attributes {dimension_semantics = [#tpu.dimension_semantics<core_parallel>, #tpu.dimension_semantics<subcore_parallel>], iteration_bounds = array<i64: 2, 16>, scalar_prefetch = 0 : i64, scratch_operands = 17 : i64, tpu.core_type = #tpu.core_type<sc_vector_subcore>, window_params = [{transform_indices = #map}, {transform_indices = #map1}, {transform_indices = #map1}, {transform_indices = #map1}, {transform_indices = #map1}]} {
    %mul3A = arith.constant 2 : i32
    %mul3A_0 = arith.muli %arg1, %mul3A : i32
    %add3A = arith.addi %mul3A_0, %arg0 : i32
    %mul3A_1 = arith.constant 200 : i32
    %mul3A_2 = arith.muli %add3A, %mul3A_1 : i32
    %add3A_3 = arith.constant 0 : i32
    %add3A_4 = arith.addi %mul3A_2, %add3A_3 : i32
    %run_scoped3A = arith.constant 0 : i32
    "tpu.region"() ({
      %run_scoped3A_809 = tpu.sem_alloc : memref<!tpu.dma_semaphore, #tpu.memory_space<semaphore_mem>>
      %dma_start3A_810 = arith.constant 0 : i32
      %dma_start3A_811 = tpu.memref_slice %arg2[%run_scoped3A, %add3A_4, %dma_start3A_810] : memref<3x6400x128xi32, #tpu.memory_space<hbm>> -> memref<1x2x128xi32, #tpu.memory_space<hbm>>
      %dma_start3A_812 = tpu.memref_squeeze %dma_start3A_811 : memref<1x2x128xi32, #tpu.memory_space<hbm>> -> memref<2x128xi32, #tpu.memory_space<hbm>>
      %dma_start3A_813 = arith.constant 0 : i32
      %dma_start3A_814 = tpu.memref_slice %arg2[%run_scoped3A, %add3A_4, %dma_start3A_813] : memref<3x6400x128xi32, #tpu.memory_space<hbm>> -> memref<1x2x128xi32, #tpu.memory_space<hbm>>
      %dma_start3A_815 = tpu.memref_squeeze %dma_start3A_814 : memref<1x2x128xi32, #tpu.memory_space<hbm>> -> memref<2x128xi32, #tpu.memory_space<hbm>>
      tpu.enqueue_dma source(%dma_start3A_815 : memref<2x128xi32, #tpu.memory_space<hbm>>) target(%arg7 : memref<2x128xi32, #tpu.memory_space<vmem>>) target_semaphore(%run_scoped3A_809 : memref<!tpu.dma_semaphore, #tpu.memory_space<semaphore_mem>>)
      %dma_wait3A_816 = arith.constant 0 : i32
      %dma_wait3A_817 = tpu.memref_slice %arg2[%run_scoped3A, %add3A_4, %dma_wait3A_816] : memref<3x6400x128xi32, #tpu.memory_space<hbm>> -> memref<1x2x128xi32, #tpu.memory_space<hbm>>
      %dma_wait3A_818 = tpu.memref_squeeze %dma_wait3A_817 : memref<1x2x128xi32, #tpu.memory_space<hbm>> -> memref<2x128xi32, #tpu.memory_space<hbm>>
      %dma_wait3A_819 = arith.constant 0 : i32
      %dma_wait3A_820 = tpu.memref_slice %arg2[%run_scoped3A, %add3A_4, %dma_wait3A_819] : memref<3x6400x128xi32, #tpu.memory_space<hbm>> -> memref<1x2x128xi32, #tpu.memory_space<hbm>>
      %dma_wait3A_821 = tpu.memref_squeeze %dma_wait3A_820 : memref<1x2x128xi32, #tpu.memory_space<hbm>> -> memref<2x128xi32, #tpu.memory_space<hbm>>
      tpu.wait_dma2 semaphore(%run_scoped3A_809 : memref<!tpu.dma_semaphore, #tpu.memory_space<semaphore_mem>>) src(%dma_wait3A_821 : memref<2x128xi32, #tpu.memory_space<hbm>>) dst(%arg7 : memref<2x128xi32, #tpu.memory_space<vmem>>)
      tpu.yield
    }) : () -> ()
    %mul3A_5 = arith.constant 200 : i32
    %mul3A_6 = arith.muli %add3A, %mul3A_5 : i32
    %add3A_7 = arith.constant 0 : i32
    %add3A_8 = arith.addi %mul3A_6, %add3A_7 : i32
    %run_scoped3A_9 = arith.constant 1 : i32
    "tpu.region"() ({
      %run_scoped3A_809 = tpu.sem_alloc : memref<!tpu.dma_semaphore, #tpu.memory_space<semaphore_mem>>
      %dma_start3A_810 = arith.constant 0 : i32
      %dma_start3A_811 = tpu.memref_slice %arg2[%run_scoped3A_9, %add3A_8, %dma_start3A_810] : memref<3x6400x128xi32, #tpu.memory_space<hbm>> -> memref<1x2x128xi32, #tpu.memory_space<hbm>>
      %dma_start3A_812 = tpu.memref_squeeze %dma_start3A_811 : memref<1x2x128xi32, #tpu.memory_space<hbm>> -> memref<2x128xi32, #tpu.memory_space<hbm>>
      %dma_start3A_813 = arith.constant 0 : i32
      %dma_start3A_814 = tpu.memref_slice %arg2[%run_scoped3A_9, %add3A_8, %dma_start3A_813] : memref<3x6400x128xi32, #tpu.memory_space<hbm>> -> memref<1x2x128xi32, #tpu.memory_space<hbm>>
      %dma_start3A_815 = tpu.memref_squeeze %dma_start3A_814 : memref<1x2x128xi32, #tpu.memory_space<hbm>> -> memref<2x128xi32, #tpu.memory_space<hbm>>
      tpu.enqueue_dma source(%dma_start3A_815 : memref<2x128xi32, #tpu.memory_space<hbm>>) target(%arg8 : memref<2x128xi32, #tpu.memory_space<vmem>>) target_semaphore(%run_scoped3A_809 : memref<!tpu.dma_semaphore, #tpu.memory_space<semaphore_mem>>)
      %dma_wait3A_816 = arith.constant 0 : i32
      %dma_wait3A_817 = tpu.memref_slice %arg2[%run_scoped3A_9, %add3A_8, %dma_wait3A_816] : memref<3x6400x128xi32, #tpu.memory_space<hbm>> -> memref<1x2x128xi32, #tpu.memory_space<hbm>>
      %dma_wait3A_818 = tpu.memref_squeeze %dma_wait3A_817 : memref<1x2x128xi32, #tpu.memory_space<hbm>> -> memref<2x128xi32, #tpu.memory_space<hbm>>
      %dma_wait3A_819 = arith.constant 0 : i32
      %dma_wait3A_820 = tpu.memref_slice %arg2[%run_scoped3A_9, %add3A_8, %dma_wait3A_819] : memref<3x6400x128xi32, #tpu.memory_space<hbm>> -> memref<1x2x128xi32, #tpu.memory_space<hbm>>
      %dma_wait3A_821 = tpu.memref_squeeze %dma_wait3A_820 : memref<1x2x128xi32, #tpu.memory_space<hbm>> -> memref<2x128xi32, #tpu.memory_space<hbm>>
      tpu.wait_dma2 semaphore(%run_scoped3A_809 : memref<!tpu.dma_semaphore, #tpu.memory_space<semaphore_mem>>) src(%dma_wait3A_821 : memref<2x128xi32, #tpu.memory_space<hbm>>) dst(%arg8 : memref<2x128xi32, #tpu.memory_space<vmem>>)
      tpu.yield
    }) : () -> ()
    %mul3A_10 = arith.constant 200 : i32
    %mul3A_11 = arith.muli %add3A, %mul3A_10 : i32
    %add3A_12 = arith.constant 0 : i32
    %add3A_13 = arith.addi %mul3A_11, %add3A_12 : i32
    %run_scoped3A_14 = arith.constant 2 : i32
    "tpu.region"() ({
      %run_scoped3A_809 = tpu.sem_alloc : memref<!tpu.dma_semaphore, #tpu.memory_space<semaphore_mem>>
      %dma_start3A_810 = arith.constant 0 : i32
      %dma_start3A_811 = tpu.memref_slice %arg2[%run_scoped3A_14, %add3A_13, %dma_start3A_810] : memref<3x6400x128xi32, #tpu.memory_space<hbm>> -> memref<1x2x128xi32, #tpu.memory_space<hbm>>
      %dma_start3A_812 = tpu.memref_squeeze %dma_start3A_811 : memref<1x2x128xi32, #tpu.memory_space<hbm>> -> memref<2x128xi32, #tpu.memory_space<hbm>>
      %dma_start3A_813 = arith.constant 0 : i32
      %dma_start3A_814 = tpu.memref_slice %arg2[%run_scoped3A_14, %add3A_13, %dma_start3A_813] : memref<3x6400x128xi32, #tpu.memory_space<hbm>> -> memref<1x2x128xi32, #tpu.memory_space<hbm>>
      %dma_start3A_815 = tpu.memref_squeeze %dma_start3A_814 : memref<1x2x128xi32, #tpu.memory_space<hbm>> -> memref<2x128xi32, #tpu.memory_space<hbm>>
      tpu.enqueue_dma source(%dma_start3A_815 : memref<2x128xi32, #tpu.memory_space<hbm>>) target(%arg9 : memref<2x128xi32, #tpu.memory_space<vmem>>) target_semaphore(%run_scoped3A_809 : memref<!tpu.dma_semaphore, #tpu.memory_space<semaphore_mem>>)
      %dma_wait3A_816 = arith.constant 0 : i32
      %dma_wait3A_817 = tpu.memref_slice %arg2[%run_scoped3A_14, %add3A_13, %dma_wait3A_816] : memref<3x6400x128xi32, #tpu.memory_space<hbm>> -> memref<1x2x128xi32, #tpu.memory_space<hbm>>
      %dma_wait3A_818 = tpu.memref_squeeze %dma_wait3A_817 : memref<1x2x128xi32, #tpu.memory_space<hbm>> -> memref<2x128xi32, #tpu.memory_space<hbm>>
      %dma_wait3A_819 = arith.constant 0 : i32
      %dma_wait3A_820 = tpu.memref_slice %arg2[%run_scoped3A_14, %add3A_13, %dma_wait3A_819] : memref<3x6400x128xi32, #tpu.memory_space<hbm>> -> memref<1x2x128xi32, #tpu.memory_space<hbm>>
      %dma_wait3A_821 = tpu.memref_squeeze %dma_wait3A_820 : memref<1x2x128xi32, #tpu.memory_space<hbm>> -> memref<2x128xi32, #tpu.memory_space<hbm>>
      tpu.wait_dma2 semaphore(%run_scoped3A_809 : memref<!tpu.dma_semaphore, #tpu.memory_space<semaphore_mem>>) src(%dma_wait3A_821 : memref<2x128xi32, #tpu.memory_space<hbm>>) dst(%arg9 : memref<2x128xi32, #tpu.memory_space<vmem>>)
      tpu.yield
    }) : () -> ()
    %dma_start3A = arith.constant 0 : i32
    %dma_start3A_15 = arith.constant 0 : i32
    %dma_start3A_16 = arith.constant 0 : i32
    %dma_start3A_17 = tpu.memref_slice %arg13[%dma_start3A_15, %dma_start3A_16] : memref<256x64xf32, #tpu.memory_space<vmem>> -> memref<128x64xf32, #tpu.memory_space<vmem>>
    %dma_start3A_18 = arith.constant 0 : i32
    %dma_start3A_19 = tpu.memref_slice %arg7[%dma_start3A, %dma_start3A_18] : memref<2x128xi32, #tpu.memory_space<vmem>> -> memref<1x128xi32, #tpu.memory_space<vmem>>
    %dma_start3A_20 = tpu.memref_squeeze %dma_start3A_19 : memref<1x128xi32, #tpu.memory_space<vmem>> -> memref<128xi32, #tpu.memory_space<vmem>>
    %dma_start3A_21 = arith.constant 0 : i32
    %dma_start3A_22 = arith.constant 0 : i32
    %dma_start3A_23 = tpu.memref_slice %arg3[%dma_start3A_21, %dma_start3A_22] : memref<100000x64xf32, #tpu.memory_space<hbm>> -> memref<100000x64xf32, #tpu.memory_space<hbm>>
    tpu.enqueue_indirect_dma source(%dma_start3A_23 : memref<100000x64xf32, #tpu.memory_space<hbm>>) target(%dma_start3A_17 : memref<128x64xf32, #tpu.memory_space<vmem>>) offsets(%dma_start3A_20 : memref<128xi32, #tpu.memory_space<vmem>>) semaphore(%arg19 : memref<!tpu.dma_semaphore, #tpu.memory_space<semaphore_mem>>)
    %dma_start3A_24 = arith.constant 1 : i32
    %dma_start3A_25 = arith.constant 128 : i32
    %dma_start3A_26 = arith.constant 0 : i32
    %dma_start3A_27 = tpu.memref_slice %arg13[%dma_start3A_25, %dma_start3A_26] : memref<256x64xf32, #tpu.memory_space<vmem>> -> memref<128x64xf32, #tpu.memory_space<vmem>>
    %dma_start3A_28 = arith.constant 0 : i32
    %dma_start3A_29 = tpu.memref_slice %arg7[%dma_start3A_24, %dma_start3A_28] : memref<2x128xi32, #tpu.memory_space<vmem>> -> memref<1x128xi32, #tpu.memory_space<vmem>>
    %dma_start3A_30 = tpu.memref_squeeze %dma_start3A_29 : memref<1x128xi32, #tpu.memory_space<vmem>> -> memref<128xi32, #tpu.memory_space<vmem>>
    %dma_start3A_31 = arith.constant 0 : i32
    %dma_start3A_32 = arith.constant 0 : i32
    %dma_start3A_33 = tpu.memref_slice %arg3[%dma_start3A_31, %dma_start3A_32] : memref<100000x64xf32, #tpu.memory_space<hbm>> -> memref<100000x64xf32, #tpu.memory_space<hbm>>
    tpu.enqueue_indirect_dma source(%dma_start3A_33 : memref<100000x64xf32, #tpu.memory_space<hbm>>) target(%dma_start3A_27 : memref<128x64xf32, #tpu.memory_space<vmem>>) offsets(%dma_start3A_30 : memref<128xi32, #tpu.memory_space<vmem>>) semaphore(%arg19 : memref<!tpu.dma_semaphore, #tpu.memory_space<semaphore_mem>>)
    %dma_start3A_34 = arith.constant 0 : i32
    %dma_start3A_35 = arith.constant 0 : i32
    %dma_start3A_36 = arith.constant 0 : i32
    %dma_start3A_37 = tpu.memref_slice %arg14[%dma_start3A_35, %dma_start3A_36] : memref<256x64xf32, #tpu.memory_space<vmem>> -> memref<128x64xf32, #tpu.memory_space<vmem>>
    %dma_start3A_38 = arith.constant 0 : i32
    %dma_start3A_39 = tpu.memref_slice %arg8[%dma_start3A_34, %dma_start3A_38] : memref<2x128xi32, #tpu.memory_space<vmem>> -> memref<1x128xi32, #tpu.memory_space<vmem>>
    %dma_start3A_40 = tpu.memref_squeeze %dma_start3A_39 : memref<1x128xi32, #tpu.memory_space<vmem>> -> memref<128xi32, #tpu.memory_space<vmem>>
    %dma_start3A_41 = arith.constant 0 : i32
    %dma_start3A_42 = arith.constant 0 : i32
    %dma_start3A_43 = tpu.memref_slice %arg4[%dma_start3A_41, %dma_start3A_42] : memref<100000x64xf32, #tpu.memory_space<hbm>> -> memref<100000x64xf32, #tpu.memory_space<hbm>>
    tpu.enqueue_indirect_dma source(%dma_start3A_43 : memref<100000x64xf32, #tpu.memory_space<hbm>>) target(%dma_start3A_37 : memref<128x64xf32, #tpu.memory_space<vmem>>) offsets(%dma_start3A_40 : memref<128xi32, #tpu.memory_space<vmem>>) semaphore(%arg19 : memref<!tpu.dma_semaphore, #tpu.memory_space<semaphore_mem>>)
    %dma_start3A_44 = arith.constant 1 : i32
    %dma_start3A_45 = arith.constant 128 : i32
    %dma_start3A_46 = arith.constant 0 : i32
    %dma_start3A_47 = tpu.memref_slice %arg14[%dma_start3A_45, %dma_start3A_46] : memref<256x64xf32, #tpu.memory_space<vmem>> -> memref<128x64xf32, #tpu.memory_space<vmem>>
    %dma_start3A_48 = arith.constant 0 : i32
    %dma_start3A_49 = tpu.memref_slice %arg8[%dma_start3A_44, %dma_start3A_48] : memref<2x128xi32, #tpu.memory_space<vmem>> -> memref<1x128xi32, #tpu.memory_space<vmem>>
    %dma_start3A_50 = tpu.memref_squeeze %dma_start3A_49 : memref<1x128xi32, #tpu.memory_space<vmem>> -> memref<128xi32, #tpu.memory_space<vmem>>
    %dma_start3A_51 = arith.constant 0 : i32
    %dma_start3A_52 = arith.constant 0 : i32
    %dma_start3A_53 = tpu.memref_slice %arg4[%dma_start3A_51, %dma_start3A_52] : memref<100000x64xf32, #tpu.memory_space<hbm>> -> memref<100000x64xf32, #tpu.memory_space<hbm>>
    tpu.enqueue_indirect_dma source(%dma_start3A_53 : memref<100000x64xf32, #tpu.memory_space<hbm>>) target(%dma_start3A_47 : memref<128x64xf32, #tpu.memory_space<vmem>>) offsets(%dma_start3A_50 : memref<128xi32, #tpu.memory_space<vmem>>) semaphore(%arg19 : memref<!tpu.dma_semaphore, #tpu.memory_space<semaphore_mem>>)
    %dma_start3A_54 = arith.constant 0 : i32
    %dma_start3A_55 = arith.constant 0 : i32
    %dma_start3A_56 = arith.constant 0 : i32
    %dma_start3A_57 = tpu.memref_slice %arg15[%dma_start3A_55, %dma_start3A_56] : memref<256x64xf32, #tpu.memory_space<vmem>> -> memref<128x64xf32, #tpu.memory_space<vmem>>
    %dma_start3A_58 = arith.constant 0 : i32
    %dma_start3A_59 = tpu.memref_slice %arg9[%dma_start3A_54, %dma_start3A_58] : memref<2x128xi32, #tpu.memory_space<vmem>> -> memref<1x128xi32, #tpu.memory_space<vmem>>
    %dma_start3A_60 = tpu.memref_squeeze %dma_start3A_59 : memref<1x128xi32, #tpu.memory_space<vmem>> -> memref<128xi32, #tpu.memory_space<vmem>>
    %dma_start3A_61 = arith.constant 0 : i32
    %dma_start3A_62 = arith.constant 0 : i32
    %dma_start3A_63 = tpu.memref_slice %arg5[%dma_start3A_61, %dma_start3A_62] : memref<100000x64xf32, #tpu.memory_space<hbm>> -> memref<100000x64xf32, #tpu.memory_space<hbm>>
    tpu.enqueue_indirect_dma source(%dma_start3A_63 : memref<100000x64xf32, #tpu.memory_space<hbm>>) target(%dma_start3A_57 : memref<128x64xf32, #tpu.memory_space<vmem>>) offsets(%dma_start3A_60 : memref<128xi32, #tpu.memory_space<vmem>>) semaphore(%arg19 : memref<!tpu.dma_semaphore, #tpu.memory_space<semaphore_mem>>)
    %dma_start3A_64 = arith.constant 1 : i32
    %dma_start3A_65 = arith.constant 128 : i32
    %dma_start3A_66 = arith.constant 0 : i32
    %dma_start3A_67 = tpu.memref_slice %arg15[%dma_start3A_65, %dma_start3A_66] : memref<256x64xf32, #tpu.memory_space<vmem>> -> memref<128x64xf32, #tpu.memory_space<vmem>>
    %dma_start3A_68 = arith.constant 0 : i32
    %dma_start3A_69 = tpu.memref_slice %arg9[%dma_start3A_64, %dma_start3A_68] : memref<2x128xi32, #tpu.memory_space<vmem>> -> memref<1x128xi32, #tpu.memory_space<vmem>>
    %dma_start3A_70 = tpu.memref_squeeze %dma_start3A_69 : memref<1x128xi32, #tpu.memory_space<vmem>> -> memref<128xi32, #tpu.memory_space<vmem>>
    %dma_start3A_71 = arith.constant 0 : i32
    %dma_start3A_72 = arith.constant 0 : i32
    %dma_start3A_73 = tpu.memref_slice %arg5[%dma_start3A_71, %dma_start3A_72] : memref<100000x64xf32, #tpu.memory_space<hbm>> -> memref<100000x64xf32, #tpu.memory_space<hbm>>
    tpu.enqueue_indirect_dma source(%dma_start3A_73 : memref<100000x64xf32, #tpu.memory_space<hbm>>) target(%dma_start3A_67 : memref<128x64xf32, #tpu.memory_space<vmem>>) offsets(%dma_start3A_70 : memref<128xi32, #tpu.memory_space<vmem>>) semaphore(%arg19 : memref<!tpu.dma_semaphore, #tpu.memory_space<semaphore_mem>>)
    %mul3A_74 = arith.constant 200 : i32
    %mul3A_75 = arith.muli %add3A, %mul3A_74 : i32
    %add3A_76 = arith.constant 2 : i32
    %add3A_77 = arith.addi %mul3A_75, %add3A_76 : i32
    %dma_start3A_78 = arith.constant 0 : i32
    %dma_start3A_79 = arith.constant 0 : i32
    %dma_start3A_80 = tpu.memref_slice %arg2[%dma_start3A_78, %add3A_77, %dma_start3A_79] : memref<3x6400x128xi32, #tpu.memory_space<hbm>> -> memref<1x2x128xi32, #tpu.memory_space<hbm>>
    %dma_start3A_81 = tpu.memref_squeeze %dma_start3A_80 : memref<1x2x128xi32, #tpu.memory_space<hbm>> -> memref<2x128xi32, #tpu.memory_space<hbm>>
    %dma_start3A_82 = arith.constant 0 : i32
    %dma_start3A_83 = tpu.memref_slice %arg2[%dma_start3A_78, %add3A_77, %dma_start3A_82] : memref<3x6400x128xi32, #tpu.memory_space<hbm>> -> memref<1x2x128xi32, #tpu.memory_space<hbm>>
    %dma_start3A_84 = tpu.memref_squeeze %dma_start3A_83 : memref<1x2x128xi32, #tpu.memory_space<hbm>> -> memref<2x128xi32, #tpu.memory_space<hbm>>
    tpu.enqueue_dma source(%dma_start3A_84 : memref<2x128xi32, #tpu.memory_space<hbm>>) target(%arg10 : memref<2x128xi32, #tpu.memory_space<vmem>>) target_semaphore(%arg23 : memref<!tpu.dma_semaphore, #tpu.memory_space<semaphore_mem>>)
    %mul3A_85 = arith.constant 200 : i32
    %mul3A_86 = arith.muli %add3A, %mul3A_85 : i32
    %add3A_87 = arith.constant 2 : i32
    %add3A_88 = arith.addi %mul3A_86, %add3A_87 : i32
    %dma_start3A_89 = arith.constant 1 : i32
    %dma_start3A_90 = arith.constant 0 : i32
    %dma_start3A_91 = tpu.memref_slice %arg2[%dma_start3A_89, %add3A_88, %dma_start3A_90] : memref<3x6400x128xi32, #tpu.memory_space<hbm>> -> memref<1x2x128xi32, #tpu.memory_space<hbm>>
    %dma_start3A_92 = tpu.memref_squeeze %dma_start3A_91 : memref<1x2x128xi32, #tpu.memory_space<hbm>> -> memref<2x128xi32, #tpu.memory_space<hbm>>
    %dma_start3A_93 = arith.constant 0 : i32
    %dma_start3A_94 = tpu.memref_slice %arg2[%dma_start3A_89, %add3A_88, %dma_start3A_93] : memref<3x6400x128xi32, #tpu.memory_space<hbm>> -> memref<1x2x128xi32, #tpu.memory_space<hbm>>
    %dma_start3A_95 = tpu.memref_squeeze %dma_start3A_94 : memref<1x2x128xi32, #tpu.memory_space<hbm>> -> memref<2x128xi32, #tpu.memory_space<hbm>>
    tpu.enqueue_dma source(%dma_start3A_95 : memref<2x128xi32, #tpu.memory_space<hbm>>) target(%arg11 : memref<2x128xi32, #tpu.memory_space<vmem>>) target_semaphore(%arg23 : memref<!tpu.dma_semaphore, #tpu.memory_space<semaphore_mem>>)
    %mul3A_96 = arith.constant 200 : i32
    %mul3A_97 = arith.muli %add3A, %mul3A_96 : i32
    %add3A_98 = arith.constant 2 : i32
    %add3A_99 = arith.addi %mul3A_97, %add3A_98 : i32
    %dma_start3A_100 = arith.constant 2 : i32
    %dma_start3A_101 = arith.constant 0 : i32
    %dma_start3A_102 = tpu.memref_slice %arg2[%dma_start3A_100, %add3A_99, %dma_start3A_101] : memref<3x6400x128xi32, #tpu.memory_space<hbm>> -> memref<1x2x128xi32, #tpu.memory_space<hbm>>
    %dma_start3A_103 = tpu.memref_squeeze %dma_start3A_102 : memref<1x2x128xi32, #tpu.memory_space<hbm>> -> memref<2x128xi32, #tpu.memory_space<hbm>>
    %dma_start3A_104 = arith.constant 0 : i32
    %dma_start3A_105 = tpu.memref_slice %arg2[%dma_start3A_100, %add3A_99, %dma_start3A_104] : memref<3x6400x128xi32, #tpu.memory_space<hbm>> -> memref<1x2x128xi32, #tpu.memory_space<hbm>>
    %dma_start3A_106 = tpu.memref_squeeze %dma_start3A_105 : memref<1x2x128xi32, #tpu.memory_space<hbm>> -> memref<2x128xi32, #tpu.memory_space<hbm>>
    tpu.enqueue_dma source(%dma_start3A_106 : memref<2x128xi32, #tpu.memory_space<hbm>>) target(%arg12 : memref<2x128xi32, #tpu.memory_space<vmem>>) target_semaphore(%arg23 : memref<!tpu.dma_semaphore, #tpu.memory_space<semaphore_mem>>)
    %dma_wait3A = arith.constant 0 : i32
    %dma_wait3A_107 = arith.constant 0 : i32
    %dma_wait3A_108 = arith.constant 0 : i32
    %dma_wait3A_109 = tpu.memref_slice %arg2[%dma_wait3A, %dma_wait3A_107, %dma_wait3A_108] : memref<3x6400x128xi32, #tpu.memory_space<hbm>> -> memref<1x2x128xi32, #tpu.memory_space<hbm>>
    %dma_wait3A_110 = tpu.memref_squeeze %dma_wait3A_109 : memref<1x2x128xi32, #tpu.memory_space<hbm>> -> memref<2x128xi32, #tpu.memory_space<hbm>>
    %dma_wait3A_111 = arith.constant 0 : i32
    %dma_wait3A_112 = arith.constant 0 : i32
    %dma_wait3A_113 = tpu.memref_slice %arg2[%dma_wait3A, %dma_wait3A_111, %dma_wait3A_112] : memref<3x6400x128xi32, #tpu.memory_space<hbm>> -> memref<1x2x128xi32, #tpu.memory_space<hbm>>
    %dma_wait3A_114 = tpu.memref_squeeze %dma_wait3A_113 : memref<1x2x128xi32, #tpu.memory_space<hbm>> -> memref<2x128xi32, #tpu.memory_space<hbm>>
    tpu.wait_dma2 semaphore(%arg23 : memref<!tpu.dma_semaphore, #tpu.memory_space<semaphore_mem>>) src(%dma_wait3A_114 : memref<2x128xi32, #tpu.memory_space<hbm>>) dst(%arg10 : memref<2x128xi32, #tpu.memory_space<vmem>>)
    %dma_wait3A_115 = arith.constant 0 : i32
    %dma_wait3A_116 = arith.constant 0 : i32
    %dma_wait3A_117 = arith.constant 0 : i32
    %dma_wait3A_118 = tpu.memref_slice %arg2[%dma_wait3A_115, %dma_wait3A_116, %dma_wait3A_117] : memref<3x6400x128xi32, #tpu.memory_space<hbm>> -> memref<1x2x128xi32, #tpu.memory_space<hbm>>
    %dma_wait3A_119 = tpu.memref_squeeze %dma_wait3A_118 : memref<1x2x128xi32, #tpu.memory_space<hbm>> -> memref<2x128xi32, #tpu.memory_space<hbm>>
    %dma_wait3A_120 = arith.constant 0 : i32
    %dma_wait3A_121 = arith.constant 0 : i32
    %dma_wait3A_122 = tpu.memref_slice %arg2[%dma_wait3A_115, %dma_wait3A_120, %dma_wait3A_121] : memref<3x6400x128xi32, #tpu.memory_space<hbm>> -> memref<1x2x128xi32, #tpu.memory_space<hbm>>
    %dma_wait3A_123 = tpu.memref_squeeze %dma_wait3A_122 : memref<1x2x128xi32, #tpu.memory_space<hbm>> -> memref<2x128xi32, #tpu.memory_space<hbm>>
    tpu.wait_dma2 semaphore(%arg23 : memref<!tpu.dma_semaphore, #tpu.memory_space<semaphore_mem>>) src(%dma_wait3A_123 : memref<2x128xi32, #tpu.memory_space<hbm>>) dst(%arg11 : memref<2x128xi32, #tpu.memory_space<vmem>>)
    %dma_wait3A_124 = arith.constant 0 : i32
    %dma_wait3A_125 = arith.constant 0 : i32
    %dma_wait3A_126 = arith.constant 0 : i32
    %dma_wait3A_127 = tpu.memref_slice %arg2[%dma_wait3A_124, %dma_wait3A_125, %dma_wait3A_126] : memref<3x6400x128xi32, #tpu.memory_space<hbm>> -> memref<1x2x128xi32, #tpu.memory_space<hbm>>
    %dma_wait3A_128 = tpu.memref_squeeze %dma_wait3A_127 : memref<1x2x128xi32, #tpu.memory_space<hbm>> -> memref<2x128xi32, #tpu.memory_space<hbm>>
    %dma_wait3A_129 = arith.constant 0 : i32
    %dma_wait3A_130 = arith.constant 0 : i32
    %dma_wait3A_131 = tpu.memref_slice %arg2[%dma_wait3A_124, %dma_wait3A_129, %dma_wait3A_130] : memref<3x6400x128xi32, #tpu.memory_space<hbm>> -> memref<1x2x128xi32, #tpu.memory_space<hbm>>
    %dma_wait3A_132 = tpu.memref_squeeze %dma_wait3A_131 : memref<1x2x128xi32, #tpu.memory_space<hbm>> -> memref<2x128xi32, #tpu.memory_space<hbm>>
    tpu.wait_dma2 semaphore(%arg23 : memref<!tpu.dma_semaphore, #tpu.memory_space<semaphore_mem>>) src(%dma_wait3A_132 : memref<2x128xi32, #tpu.memory_space<hbm>>) dst(%arg12 : memref<2x128xi32, #tpu.memory_space<vmem>>)
    %dma_start3A_133 = arith.constant 0 : i32
    %dma_start3A_134 = arith.constant 0 : i32
    %dma_start3A_135 = arith.constant 0 : i32
    %dma_start3A_136 = tpu.memref_slice %arg16[%dma_start3A_134, %dma_start3A_135] : memref<256x64xf32, #tpu.memory_space<vmem>> -> memref<128x64xf32, #tpu.memory_space<vmem>>
    %dma_start3A_137 = arith.constant 0 : i32
    %dma_start3A_138 = tpu.memref_slice %arg10[%dma_start3A_133, %dma_start3A_137] : memref<2x128xi32, #tpu.memory_space<vmem>> -> memref<1x128xi32, #tpu.memory_space<vmem>>
    %dma_start3A_139 = tpu.memref_squeeze %dma_start3A_138 : memref<1x128xi32, #tpu.memory_space<vmem>> -> memref<128xi32, #tpu.memory_space<vmem>>
    %dma_start3A_140 = arith.constant 0 : i32
    %dma_start3A_141 = arith.constant 0 : i32
    %dma_start3A_142 = tpu.memref_slice %arg3[%dma_start3A_140, %dma_start3A_141] : memref<100000x64xf32, #tpu.memory_space<hbm>> -> memref<100000x64xf32, #tpu.memory_space<hbm>>
    tpu.enqueue_indirect_dma source(%dma_start3A_142 : memref<100000x64xf32, #tpu.memory_space<hbm>>) target(%dma_start3A_136 : memref<128x64xf32, #tpu.memory_space<vmem>>) offsets(%dma_start3A_139 : memref<128xi32, #tpu.memory_space<vmem>>) semaphore(%arg20 : memref<!tpu.dma_semaphore, #tpu.memory_space<semaphore_mem>>)
    %dma_start3A_143 = arith.constant 1 : i32
    %dma_start3A_144 = arith.constant 128 : i32
    %dma_start3A_145 = arith.constant 0 : i32
    %dma_start3A_146 = tpu.memref_slice %arg16[%dma_start3A_144, %dma_start3A_145] : memref<256x64xf32, #tpu.memory_space<vmem>> -> memref<128x64xf32, #tpu.memory_space<vmem>>
    %dma_start3A_147 = arith.constant 0 : i32
    %dma_start3A_148 = tpu.memref_slice %arg10[%dma_start3A_143, %dma_start3A_147] : memref<2x128xi32, #tpu.memory_space<vmem>> -> memref<1x128xi32, #tpu.memory_space<vmem>>
    %dma_start3A_149 = tpu.memref_squeeze %dma_start3A_148 : memref<1x128xi32, #tpu.memory_space<vmem>> -> memref<128xi32, #tpu.memory_space<vmem>>
    %dma_start3A_150 = arith.constant 0 : i32
    %dma_start3A_151 = arith.constant 0 : i32
    %dma_start3A_152 = tpu.memref_slice %arg3[%dma_start3A_150, %dma_start3A_151] : memref<100000x64xf32, #tpu.memory_space<hbm>> -> memref<100000x64xf32, #tpu.memory_space<hbm>>
    tpu.enqueue_indirect_dma source(%dma_start3A_152 : memref<100000x64xf32, #tpu.memory_space<hbm>>) target(%dma_start3A_146 : memref<128x64xf32, #tpu.memory_space<vmem>>) offsets(%dma_start3A_149 : memref<128xi32, #tpu.memory_space<vmem>>) semaphore(%arg20 : memref<!tpu.dma_semaphore, #tpu.memory_space<semaphore_mem>>)
    %dma_start3A_153 = arith.constant 0 : i32
    %dma_start3A_154 = arith.constant 0 : i32
    %dma_start3A_155 = arith.constant 0 : i32
    %dma_start3A_156 = tpu.memref_slice %arg17[%dma_start3A_154, %dma_start3A_155] : memref<256x64xf32, #tpu.memory_space<vmem>> -> memref<128x64xf32, #tpu.memory_space<vmem>>
    %dma_start3A_157 = arith.constant 0 : i32
    %dma_start3A_158 = tpu.memref_slice %arg11[%dma_start3A_153, %dma_start3A_157] : memref<2x128xi32, #tpu.memory_space<vmem>> -> memref<1x128xi32, #tpu.memory_space<vmem>>
    %dma_start3A_159 = tpu.memref_squeeze %dma_start3A_158 : memref<1x128xi32, #tpu.memory_space<vmem>> -> memref<128xi32, #tpu.memory_space<vmem>>
    %dma_start3A_160 = arith.constant 0 : i32
    %dma_start3A_161 = arith.constant 0 : i32
    %dma_start3A_162 = tpu.memref_slice %arg4[%dma_start3A_160, %dma_start3A_161] : memref<100000x64xf32, #tpu.memory_space<hbm>> -> memref<100000x64xf32, #tpu.memory_space<hbm>>
    tpu.enqueue_indirect_dma source(%dma_start3A_162 : memref<100000x64xf32, #tpu.memory_space<hbm>>) target(%dma_start3A_156 : memref<128x64xf32, #tpu.memory_space<vmem>>) offsets(%dma_start3A_159 : memref<128xi32, #tpu.memory_space<vmem>>) semaphore(%arg20 : memref<!tpu.dma_semaphore, #tpu.memory_space<semaphore_mem>>)
    %dma_start3A_163 = arith.constant 1 : i32
    %dma_start3A_164 = arith.constant 128 : i32
    %dma_start3A_165 = arith.constant 0 : i32
    %dma_start3A_166 = tpu.memref_slice %arg17[%dma_start3A_164, %dma_start3A_165] : memref<256x64xf32, #tpu.memory_space<vmem>> -> memref<128x64xf32, #tpu.memory_space<vmem>>
    %dma_start3A_167 = arith.constant 0 : i32
    %dma_start3A_168 = tpu.memref_slice %arg11[%dma_start3A_163, %dma_start3A_167] : memref<2x128xi32, #tpu.memory_space<vmem>> -> memref<1x128xi32, #tpu.memory_space<vmem>>
    %dma_start3A_169 = tpu.memref_squeeze %dma_start3A_168 : memref<1x128xi32, #tpu.memory_space<vmem>> -> memref<128xi32, #tpu.memory_space<vmem>>
    %dma_start3A_170 = arith.constant 0 : i32
    %dma_start3A_171 = arith.constant 0 : i32
    %dma_start3A_172 = tpu.memref_slice %arg4[%dma_start3A_170, %dma_start3A_171] : memref<100000x64xf32, #tpu.memory_space<hbm>> -> memref<100000x64xf32, #tpu.memory_space<hbm>>
    tpu.enqueue_indirect_dma source(%dma_start3A_172 : memref<100000x64xf32, #tpu.memory_space<hbm>>) target(%dma_start3A_166 : memref<128x64xf32, #tpu.memory_space<vmem>>) offsets(%dma_start3A_169 : memref<128xi32, #tpu.memory_space<vmem>>) semaphore(%arg20 : memref<!tpu.dma_semaphore, #tpu.memory_space<semaphore_mem>>)
    %dma_start3A_173 = arith.constant 0 : i32
    %dma_start3A_174 = arith.constant 0 : i32
    %dma_start3A_175 = arith.constant 0 : i32
    %dma_start3A_176 = tpu.memref_slice %arg18[%dma_start3A_174, %dma_start3A_175] : memref<256x64xf32, #tpu.memory_space<vmem>> -> memref<128x64xf32, #tpu.memory_space<vmem>>
    %dma_start3A_177 = arith.constant 0 : i32
    %dma_start3A_178 = tpu.memref_slice %arg12[%dma_start3A_173, %dma_start3A_177] : memref<2x128xi32, #tpu.memory_space<vmem>> -> memref<1x128xi32, #tpu.memory_space<vmem>>
    %dma_start3A_179 = tpu.memref_squeeze %dma_start3A_178 : memref<1x128xi32, #tpu.memory_space<vmem>> -> memref<128xi32, #tpu.memory_space<vmem>>
    %dma_start3A_180 = arith.constant 0 : i32
    %dma_start3A_181 = arith.constant 0 : i32
    %dma_start3A_182 = tpu.memref_slice %arg5[%dma_start3A_180, %dma_start3A_181] : memref<100000x64xf32, #tpu.memory_space<hbm>> -> memref<100000x64xf32, #tpu.memory_space<hbm>>
    tpu.enqueue_indirect_dma source(%dma_start3A_182 : memref<100000x64xf32, #tpu.memory_space<hbm>>) target(%dma_start3A_176 : memref<128x64xf32, #tpu.memory_space<vmem>>) offsets(%dma_start3A_179 : memref<128xi32, #tpu.memory_space<vmem>>) semaphore(%arg20 : memref<!tpu.dma_semaphore, #tpu.memory_space<semaphore_mem>>)
    %dma_start3A_183 = arith.constant 1 : i32
    %dma_start3A_184 = arith.constant 128 : i32
    %dma_start3A_185 = arith.constant 0 : i32
    %dma_start3A_186 = tpu.memref_slice %arg18[%dma_start3A_184, %dma_start3A_185] : memref<256x64xf32, #tpu.memory_space<vmem>> -> memref<128x64xf32, #tpu.memory_space<vmem>>
    %dma_start3A_187 = arith.constant 0 : i32
    %dma_start3A_188 = tpu.memref_slice %arg12[%dma_start3A_183, %dma_start3A_187] : memref<2x128xi32, #tpu.memory_space<vmem>> -> memref<1x128xi32, #tpu.memory_space<vmem>>
    %dma_start3A_189 = tpu.memref_squeeze %dma_start3A_188 : memref<1x128xi32, #tpu.memory_space<vmem>> -> memref<128xi32, #tpu.memory_space<vmem>>
    %dma_start3A_190 = arith.constant 0 : i32
    %dma_start3A_191 = arith.constant 0 : i32
    %dma_start3A_192 = tpu.memref_slice %arg5[%dma_start3A_190, %dma_start3A_191] : memref<100000x64xf32, #tpu.memory_space<hbm>> -> memref<100000x64xf32, #tpu.memory_space<hbm>>
    tpu.enqueue_indirect_dma source(%dma_start3A_192 : memref<100000x64xf32, #tpu.memory_space<hbm>>) target(%dma_start3A_186 : memref<128x64xf32, #tpu.memory_space<vmem>>) offsets(%dma_start3A_189 : memref<128xi32, #tpu.memory_space<vmem>>) semaphore(%arg20 : memref<!tpu.dma_semaphore, #tpu.memory_space<semaphore_mem>>)
    %dma_wait3A_193 = arith.constant 0 : i32
    %dma_wait3A_194 = arith.constant 0 : i32
    %dma_wait3A_195 = tpu.memref_slice %arg13[%dma_wait3A_193, %dma_wait3A_194] : memref<256x64xf32, #tpu.memory_space<vmem>> -> memref<128x64xf32, #tpu.memory_space<vmem>>
    %dma_wait3A_196 = arith.constant 0 : i32
    %dma_wait3A_197 = arith.constant 0 : i32
    %dma_wait3A_198 = tpu.memref_slice %arg3[%dma_wait3A_196, %dma_wait3A_197] : memref<100000x64xf32, #tpu.memory_space<hbm>> -> memref<128x64xf32, #tpu.memory_space<hbm>>
    %dma_wait3A_199 = arith.constant 0 : i32
    %dma_wait3A_200 = arith.constant 0 : i32
    %dma_wait3A_201 = tpu.memref_slice %arg13[%dma_wait3A_199, %dma_wait3A_200] : memref<256x64xf32, #tpu.memory_space<vmem>> -> memref<128x64xf32, #tpu.memory_space<vmem>>
    %dma_wait3A_202 = arith.constant 0 : i32
    %dma_wait3A_203 = arith.constant 0 : i32
    %dma_wait3A_204 = tpu.memref_slice %arg3[%dma_wait3A_202, %dma_wait3A_203] : memref<100000x64xf32, #tpu.memory_space<hbm>> -> memref<128x64xf32, #tpu.memory_space<hbm>>
    tpu.wait_dma2 semaphore(%arg19 : memref<!tpu.dma_semaphore, #tpu.memory_space<semaphore_mem>>) src(%dma_wait3A_204 : memref<128x64xf32, #tpu.memory_space<hbm>>) dst(%dma_wait3A_201 : memref<128x64xf32, #tpu.memory_space<vmem>>)
    %dma_wait3A_205 = arith.constant 128 : i32
    %dma_wait3A_206 = arith.constant 0 : i32
    %dma_wait3A_207 = tpu.memref_slice %arg13[%dma_wait3A_205, %dma_wait3A_206] : memref<256x64xf32, #tpu.memory_space<vmem>> -> memref<128x64xf32, #tpu.memory_space<vmem>>
    %dma_wait3A_208 = arith.constant 0 : i32
    %dma_wait3A_209 = arith.constant 0 : i32
    %dma_wait3A_210 = tpu.memref_slice %arg3[%dma_wait3A_208, %dma_wait3A_209] : memref<100000x64xf32, #tpu.memory_space<hbm>> -> memref<128x64xf32, #tpu.memory_space<hbm>>
    %dma_wait3A_211 = arith.constant 128 : i32
    %dma_wait3A_212 = arith.constant 0 : i32
    %dma_wait3A_213 = tpu.memref_slice %arg13[%dma_wait3A_211, %dma_wait3A_212] : memref<256x64xf32, #tpu.memory_space<vmem>> -> memref<128x64xf32, #tpu.memory_space<vmem>>
    %dma_wait3A_214 = arith.constant 0 : i32
    %dma_wait3A_215 = arith.constant 0 : i32
    %dma_wait3A_216 = tpu.memref_slice %arg3[%dma_wait3A_214, %dma_wait3A_215] : memref<100000x64xf32, #tpu.memory_space<hbm>> -> memref<128x64xf32, #tpu.memory_space<hbm>>
    tpu.wait_dma2 semaphore(%arg19 : memref<!tpu.dma_semaphore, #tpu.memory_space<semaphore_mem>>) src(%dma_wait3A_216 : memref<128x64xf32, #tpu.memory_space<hbm>>) dst(%dma_wait3A_213 : memref<128x64xf32, #tpu.memory_space<vmem>>)
    %dma_wait3A_217 = arith.constant 0 : i32
    %dma_wait3A_218 = arith.constant 0 : i32
    %dma_wait3A_219 = tpu.memref_slice %arg14[%dma_wait3A_217, %dma_wait3A_218] : memref<256x64xf32, #tpu.memory_space<vmem>> -> memref<128x64xf32, #tpu.memory_space<vmem>>
    %dma_wait3A_220 = arith.constant 0 : i32
    %dma_wait3A_221 = arith.constant 0 : i32
    %dma_wait3A_222 = tpu.memref_slice %arg4[%dma_wait3A_220, %dma_wait3A_221] : memref<100000x64xf32, #tpu.memory_space<hbm>> -> memref<128x64xf32, #tpu.memory_space<hbm>>
    %dma_wait3A_223 = arith.constant 0 : i32
    %dma_wait3A_224 = arith.constant 0 : i32
    %dma_wait3A_225 = tpu.memref_slice %arg14[%dma_wait3A_223, %dma_wait3A_224] : memref<256x64xf32, #tpu.memory_space<vmem>> -> memref<128x64xf32, #tpu.memory_space<vmem>>
    %dma_wait3A_226 = arith.constant 0 : i32
    %dma_wait3A_227 = arith.constant 0 : i32
    %dma_wait3A_228 = tpu.memref_slice %arg4[%dma_wait3A_226, %dma_wait3A_227] : memref<100000x64xf32, #tpu.memory_space<hbm>> -> memref<128x64xf32, #tpu.memory_space<hbm>>
    tpu.wait_dma2 semaphore(%arg19 : memref<!tpu.dma_semaphore, #tpu.memory_space<semaphore_mem>>) src(%dma_wait3A_228 : memref<128x64xf32, #tpu.memory_space<hbm>>) dst(%dma_wait3A_225 : memref<128x64xf32, #tpu.memory_space<vmem>>)
    %dma_wait3A_229 = arith.constant 128 : i32
    %dma_wait3A_230 = arith.constant 0 : i32
    %dma_wait3A_231 = tpu.memref_slice %arg14[%dma_wait3A_229, %dma_wait3A_230] : memref<256x64xf32, #tpu.memory_space<vmem>> -> memref<128x64xf32, #tpu.memory_space<vmem>>
    %dma_wait3A_232 = arith.constant 0 : i32
    %dma_wait3A_233 = arith.constant 0 : i32
    %dma_wait3A_234 = tpu.memref_slice %arg4[%dma_wait3A_232, %dma_wait3A_233] : memref<100000x64xf32, #tpu.memory_space<hbm>> -> memref<128x64xf32, #tpu.memory_space<hbm>>
    %dma_wait3A_235 = arith.constant 128 : i32
    %dma_wait3A_236 = arith.constant 0 : i32
    %dma_wait3A_237 = tpu.memref_slice %arg14[%dma_wait3A_235, %dma_wait3A_236] : memref<256x64xf32, #tpu.memory_space<vmem>> -> memref<128x64xf32, #tpu.memory_space<vmem>>
    %dma_wait3A_238 = arith.constant 0 : i32
    %dma_wait3A_239 = arith.constant 0 : i32
    %dma_wait3A_240 = tpu.memref_slice %arg4[%dma_wait3A_238, %dma_wait3A_239] : memref<100000x64xf32, #tpu.memory_space<hbm>> -> memref<128x64xf32, #tpu.memory_space<hbm>>
    tpu.wait_dma2 semaphore(%arg19 : memref<!tpu.dma_semaphore, #tpu.memory_space<semaphore_mem>>) src(%dma_wait3A_240 : memref<128x64xf32, #tpu.memory_space<hbm>>) dst(%dma_wait3A_237 : memref<128x64xf32, #tpu.memory_space<vmem>>)
    %dma_wait3A_241 = arith.constant 0 : i32
    %dma_wait3A_242 = arith.constant 0 : i32
    %dma_wait3A_243 = tpu.memref_slice %arg15[%dma_wait3A_241, %dma_wait3A_242] : memref<256x64xf32, #tpu.memory_space<vmem>> -> memref<128x64xf32, #tpu.memory_space<vmem>>
    %dma_wait3A_244 = arith.constant 0 : i32
    %dma_wait3A_245 = arith.constant 0 : i32
    %dma_wait3A_246 = tpu.memref_slice %arg5[%dma_wait3A_244, %dma_wait3A_245] : memref<100000x64xf32, #tpu.memory_space<hbm>> -> memref<128x64xf32, #tpu.memory_space<hbm>>
    %dma_wait3A_247 = arith.constant 0 : i32
    %dma_wait3A_248 = arith.constant 0 : i32
    %dma_wait3A_249 = tpu.memref_slice %arg15[%dma_wait3A_247, %dma_wait3A_248] : memref<256x64xf32, #tpu.memory_space<vmem>> -> memref<128x64xf32, #tpu.memory_space<vmem>>
    %dma_wait3A_250 = arith.constant 0 : i32
    %dma_wait3A_251 = arith.constant 0 : i32
    %dma_wait3A_252 = tpu.memref_slice %arg5[%dma_wait3A_250, %dma_wait3A_251] : memref<100000x64xf32, #tpu.memory_space<hbm>> -> memref<128x64xf32, #tpu.memory_space<hbm>>
    tpu.wait_dma2 semaphore(%arg19 : memref<!tpu.dma_semaphore, #tpu.memory_space<semaphore_mem>>) src(%dma_wait3A_252 : memref<128x64xf32, #tpu.memory_space<hbm>>) dst(%dma_wait3A_249 : memref<128x64xf32, #tpu.memory_space<vmem>>)
    %dma_wait3A_253 = arith.constant 128 : i32
    %dma_wait3A_254 = arith.constant 0 : i32
    %dma_wait3A_255 = tpu.memref_slice %arg15[%dma_wait3A_253, %dma_wait3A_254] : memref<256x64xf32, #tpu.memory_space<vmem>> -> memref<128x64xf32, #tpu.memory_space<vmem>>
    %dma_wait3A_256 = arith.constant 0 : i32
    %dma_wait3A_257 = arith.constant 0 : i32
    %dma_wait3A_258 = tpu.memref_slice %arg5[%dma_wait3A_256, %dma_wait3A_257] : memref<100000x64xf32, #tpu.memory_space<hbm>> -> memref<128x64xf32, #tpu.memory_space<hbm>>
    %dma_wait3A_259 = arith.constant 128 : i32
    %dma_wait3A_260 = arith.constant 0 : i32
    %dma_wait3A_261 = tpu.memref_slice %arg15[%dma_wait3A_259, %dma_wait3A_260] : memref<256x64xf32, #tpu.memory_space<vmem>> -> memref<128x64xf32, #tpu.memory_space<vmem>>
    %dma_wait3A_262 = arith.constant 0 : i32
    %dma_wait3A_263 = arith.constant 0 : i32
    %dma_wait3A_264 = tpu.memref_slice %arg5[%dma_wait3A_262, %dma_wait3A_263] : memref<100000x64xf32, #tpu.memory_space<hbm>> -> memref<128x64xf32, #tpu.memory_space<hbm>>
    tpu.wait_dma2 semaphore(%arg19 : memref<!tpu.dma_semaphore, #tpu.memory_space<semaphore_mem>>) src(%dma_wait3A_264 : memref<128x64xf32, #tpu.memory_space<hbm>>) dst(%dma_wait3A_261 : memref<128x64xf32, #tpu.memory_space<vmem>>)
    %mul3A_265 = arith.constant 200 : i32
    %mul3A_266 = arith.muli %add3A, %mul3A_265 : i32
    %add3A_267 = arith.constant 4 : i32
    %add3A_268 = arith.addi %mul3A_266, %add3A_267 : i32
    %dma_start3A_269 = arith.constant 0 : i32
    %dma_start3A_270 = arith.constant 0 : i32
    %dma_start3A_271 = tpu.memref_slice %arg2[%dma_start3A_269, %add3A_268, %dma_start3A_270] : memref<3x6400x128xi32, #tpu.memory_space<hbm>> -> memref<1x2x128xi32, #tpu.memory_space<hbm>>
    %dma_start3A_272 = tpu.memref_squeeze %dma_start3A_271 : memref<1x2x128xi32, #tpu.memory_space<hbm>> -> memref<2x128xi32, #tpu.memory_space<hbm>>
    %dma_start3A_273 = arith.constant 0 : i32
    %dma_start3A_274 = tpu.memref_slice %arg2[%dma_start3A_269, %add3A_268, %dma_start3A_273] : memref<3x6400x128xi32, #tpu.memory_space<hbm>> -> memref<1x2x128xi32, #tpu.memory_space<hbm>>
    %dma_start3A_275 = tpu.memref_squeeze %dma_start3A_274 : memref<1x2x128xi32, #tpu.memory_space<hbm>> -> memref<2x128xi32, #tpu.memory_space<hbm>>
    tpu.enqueue_dma source(%dma_start3A_275 : memref<2x128xi32, #tpu.memory_space<hbm>>) target(%arg7 : memref<2x128xi32, #tpu.memory_space<vmem>>) target_semaphore(%arg23 : memref<!tpu.dma_semaphore, #tpu.memory_space<semaphore_mem>>)
    %mul3A_276 = arith.constant 200 : i32
    %mul3A_277 = arith.muli %add3A, %mul3A_276 : i32
    %add3A_278 = arith.constant 4 : i32
    %add3A_279 = arith.addi %mul3A_277, %add3A_278 : i32
    %dma_start3A_280 = arith.constant 1 : i32
    %dma_start3A_281 = arith.constant 0 : i32
    %dma_start3A_282 = tpu.memref_slice %arg2[%dma_start3A_280, %add3A_279, %dma_start3A_281] : memref<3x6400x128xi32, #tpu.memory_space<hbm>> -> memref<1x2x128xi32, #tpu.memory_space<hbm>>
    %dma_start3A_283 = tpu.memref_squeeze %dma_start3A_282 : memref<1x2x128xi32, #tpu.memory_space<hbm>> -> memref<2x128xi32, #tpu.memory_space<hbm>>
    %dma_start3A_284 = arith.constant 0 : i32
    %dma_start3A_285 = tpu.memref_slice %arg2[%dma_start3A_280, %add3A_279, %dma_start3A_284] : memref<3x6400x128xi32, #tpu.memory_space<hbm>> -> memref<1x2x128xi32, #tpu.memory_space<hbm>>
    %dma_start3A_286 = tpu.memref_squeeze %dma_start3A_285 : memref<1x2x128xi32, #tpu.memory_space<hbm>> -> memref<2x128xi32, #tpu.memory_space<hbm>>
    tpu.enqueue_dma source(%dma_start3A_286 : memref<2x128xi32, #tpu.memory_space<hbm>>) target(%arg8 : memref<2x128xi32, #tpu.memory_space<vmem>>) target_semaphore(%arg23 : memref<!tpu.dma_semaphore, #tpu.memory_space<semaphore_mem>>)
    %mul3A_287 = arith.constant 200 : i32
    %mul3A_288 = arith.muli %add3A, %mul3A_287 : i32
    %add3A_289 = arith.constant 4 : i32
    %add3A_290 = arith.addi %mul3A_288, %add3A_289 : i32
    %dma_start3A_291 = arith.constant 2 : i32
    %dma_start3A_292 = arith.constant 0 : i32
    %dma_start3A_293 = tpu.memref_slice %arg2[%dma_start3A_291, %add3A_290, %dma_start3A_292] : memref<3x6400x128xi32, #tpu.memory_space<hbm>> -> memref<1x2x128xi32, #tpu.memory_space<hbm>>
    %dma_start3A_294 = tpu.memref_squeeze %dma_start3A_293 : memref<1x2x128xi32, #tpu.memory_space<hbm>> -> memref<2x128xi32, #tpu.memory_space<hbm>>
    %dma_start3A_295 = arith.constant 0 : i32
    %dma_start3A_296 = tpu.memref_slice %arg2[%dma_start3A_291, %add3A_290, %dma_start3A_295] : memref<3x6400x128xi32, #tpu.memory_space<hbm>> -> memref<1x2x128xi32, #tpu.memory_space<hbm>>
    %dma_start3A_297 = tpu.memref_squeeze %dma_start3A_296 : memref<1x2x128xi32, #tpu.memory_space<hbm>> -> memref<2x128xi32, #tpu.memory_space<hbm>>
    tpu.enqueue_dma source(%dma_start3A_297 : memref<2x128xi32, #tpu.memory_space<hbm>>) target(%arg9 : memref<2x128xi32, #tpu.memory_space<vmem>>) target_semaphore(%arg23 : memref<!tpu.dma_semaphore, #tpu.memory_space<semaphore_mem>>)
    %scan3A = arith.constant 0 : i32
    %scan3A_298 = arith.constant 256 : i32
    %scan3A_299 = arith.addi %scan3A, %scan3A_298 : i32
    %scan3A_300 = arith.constant 1 : i32
    scf.for %scan3A_809 = %scan3A to %scan3A_299 step %scan3A_300  : i32 {
      %get3A = arith.index_cast %scan3A_809 : i32 to index
      %get3A_810 = arith.constant 0 : index
      %get3A_811 = tpu.vector_load %arg13[%get3A, %get3A_810] {strides = array<i32>} : memref<256x64xf32, #tpu.memory_space<vmem>>, vector<1x16xf32>,
      %get3A_812 = vector.shape_cast %get3A_811 : vector<1x16xf32> to vector<16xf32>
      %get3A_813 = arith.index_cast %scan3A_809 : i32 to index
      %get3A_814 = arith.constant 0 : index
      %get3A_815 = tpu.vector_load %arg14[%get3A_813, %get3A_814] {strides = array<i32>} : memref<256x64xf32, #tpu.memory_space<vmem>>, vector<1x16xf32>,
      %get3A_816 = vector.shape_cast %get3A_815 : vector<1x16xf32> to vector<16xf32>
      %add3A_817 = arith.addf %get3A_812, %get3A_816 : vector<16xf32>
      %get3A_818 = arith.index_cast %scan3A_809 : i32 to index
      %get3A_819 = arith.constant 0 : index
      %get3A_820 = tpu.vector_load %arg15[%get3A_818, %get3A_819] {strides = array<i32>} : memref<256x64xf32, #tpu.memory_space<vmem>>, vector<1x16xf32>,
      %get3A_821 = vector.shape_cast %get3A_820 : vector<1x16xf32> to vector<16xf32>
      %add3A_822 = arith.addf %add3A_817, %get3A_821 : vector<16xf32>
      %mul3A_823 = arith.constant 2.66666675 : f32
      %mul3A_824 = vector.broadcast %mul3A_823 : f32 to vector<16xf32>
      %mul3A_825 = arith.mulf %add3A_822, %mul3A_824 : vector<16xf32>
      %swap3A = arith.index_cast %scan3A_809 : i32 to index
      %swap3A_826 = arith.constant 0 : index
      %swap3A_827 = tpu.vector_load %arg13[%swap3A, %swap3A_826] {strides = array<i32>} : memref<256x64xf32, #tpu.memory_space<vmem>>, vector<1x16xf32>,
      %swap3A_828 = vector.shape_cast %swap3A_827 : vector<1x16xf32> to vector<16xf32>
      %swap3A_829 = vector.shape_cast %mul3A_825 : vector<16xf32> to vector<1x16xf32>
      tpu.vector_store %arg13[%swap3A, %swap3A_826], %swap3A_829 {strides = array<i32>} : memref<256x64xf32, #tpu.memory_space<vmem>>, vector<1x16xf32>,
      %get3A_830 = arith.index_cast %scan3A_809 : i32 to index
      %get3A_831 = arith.constant 16 : index
      %get3A_832 = tpu.vector_load %arg13[%get3A_830, %get3A_831] {strides = array<i32>} : memref<256x64xf32, #tpu.memory_space<vmem>>, vector<1x16xf32>,
      %get3A_833 = vector.shape_cast %get3A_832 : vector<1x16xf32> to vector<16xf32>
      %get3A_834 = arith.index_cast %scan3A_809 : i32 to index
      %get3A_835 = arith.constant 16 : index
      %get3A_836 = tpu.vector_load %arg14[%get3A_834, %get3A_835] {strides = array<i32>} : memref<256x64xf32, #tpu.memory_space<vmem>>, vector<1x16xf32>,
      %get3A_837 = vector.shape_cast %get3A_836 : vector<1x16xf32> to vector<16xf32>
      %add3A_838 = arith.addf %get3A_833, %get3A_837 : vector<16xf32>
      %get3A_839 = arith.index_cast %scan3A_809 : i32 to index
      %get3A_840 = arith.constant 16 : index
      %get3A_841 = tpu.vector_load %arg15[%get3A_839, %get3A_840] {strides = array<i32>} : memref<256x64xf32, #tpu.memory_space<vmem>>, vector<1x16xf32>,
      %get3A_842 = vector.shape_cast %get3A_841 : vector<1x16xf32> to vector<16xf32>
      %add3A_843 = arith.addf %add3A_838, %get3A_842 : vector<16xf32>
      %mul3A_844 = arith.constant 2.66666675 : f32
      %mul3A_845 = vector.broadcast %mul3A_844 : f32 to vector<16xf32>
      %mul3A_846 = arith.mulf %add3A_843, %mul3A_845 : vector<16xf32>
      %swap3A_847 = arith.index_cast %scan3A_809 : i32 to index
      %swap3A_848 = arith.constant 16 : index
      %swap3A_849 = tpu.vector_load %arg13[%swap3A_847, %swap3A_848] {strides = array<i32>} : memref<256x64xf32, #tpu.memory_space<vmem>>, vector<1x16xf32>,
      %swap3A_850 = vector.shape_cast %swap3A_849 : vector<1x16xf32> to vector<16xf32>
      %swap3A_851 = vector.shape_cast %mul3A_846 : vector<16xf32> to vector<1x16xf32>
      tpu.vector_store %arg13[%swap3A_847, %swap3A_848], %swap3A_851 {strides = array<i32>} : memref<256x64xf32, #tpu.memory_space<vmem>>, vector<1x16xf32>,
      %get3A_852 = arith.index_cast %scan3A_809 : i32 to index
      %get3A_853 = arith.constant 32 : index
      %get3A_854 = tpu.vector_load %arg13[%get3A_852, %get3A_853] {strides = array<i32>} : memref<256x64xf32, #tpu.memory_space<vmem>>, vector<1x16xf32>,
      %get3A_855 = vector.shape_cast %get3A_854 : vector<1x16xf32> to vector<16xf32>
      %get3A_856 = arith.index_cast %scan3A_809 : i32 to index
      %get3A_857 = arith.constant 32 : index
      %get3A_858 = tpu.vector_load %arg14[%get3A_856, %get3A_857] {strides = array<i32>} : memref<256x64xf32, #tpu.memory_space<vmem>>, vector<1x16xf32>,
      %get3A_859 = vector.shape_cast %get3A_858 : vector<1x16xf32> to vector<16xf32>
      %add3A_860 = arith.addf %get3A_855, %get3A_859 : vector<16xf32>
      %get3A_861 = arith.index_cast %scan3A_809 : i32 to index
      %get3A_862 = arith.constant 32 : index
      %get3A_863 = tpu.vector_load %arg15[%get3A_861, %get3A_862] {strides = array<i32>} : memref<256x64xf32, #tpu.memory_space<vmem>>, vector<1x16xf32>,
      %get3A_864 = vector.shape_cast %get3A_863 : vector<1x16xf32> to vector<16xf32>
      %add3A_865 = arith.addf %add3A_860, %get3A_864 : vector<16xf32>
      %mul3A_866 = arith.constant 2.66666675 : f32
      %mul3A_867 = vector.broadcast %mul3A_866 : f32 to vector<16xf32>
      %mul3A_868 = arith.mulf %add3A_865, %mul3A_867 : vector<16xf32>
      %swap3A_869 = arith.index_cast %scan3A_809 : i32 to index
      %swap3A_870 = arith.constant 32 : index
      %swap3A_871 = tpu.vector_load %arg13[%swap3A_869, %swap3A_870] {strides = array<i32>} : memref<256x64xf32, #tpu.memory_space<vmem>>, vector<1x16xf32>,
      %swap3A_872 = vector.shape_cast %swap3A_871 : vector<1x16xf32> to vector<16xf32>
      %swap3A_873 = vector.shape_cast %mul3A_868 : vector<16xf32> to vector<1x16xf32>
      tpu.vector_store %arg13[%swap3A_869, %swap3A_870], %swap3A_873 {strides = array<i32>} : memref<256x64xf32, #tpu.memory_space<vmem>>, vector<1x16xf32>,
      %get3A_874 = arith.index_cast %scan3A_809 : i32 to index
      %get3A_875 = arith.constant 48 : index
      %get3A_876 = tpu.vector_load %arg13[%get3A_874, %get3A_875] {strides = array<i32>} : memref<256x64xf32, #tpu.memory_space<vmem>>, vector<1x16xf32>,
      %get3A_877 = vector.shape_cast %get3A_876 : vector<1x16xf32> to vector<16xf32>
      %get3A_878 = arith.index_cast %scan3A_809 : i32 to index
      %get3A_879 = arith.constant 48 : index
      %get3A_880 = tpu.vector_load %arg14[%get3A_878, %get3A_879] {strides = array<i32>} : memref<256x64xf32, #tpu.memory_space<vmem>>, vector<1x16xf32>,
      %get3A_881 = vector.shape_cast %get3A_880 : vector<1x16xf32> to vector<16xf32>
      %add3A_882 = arith.addf %get3A_877, %get3A_881 : vector<16xf32>
      %get3A_883 = arith.index_cast %scan3A_809 : i32 to index
      %get3A_884 = arith.constant 48 : index
      %get3A_885 = tpu.vector_load %arg15[%get3A_883, %get3A_884] {strides = array<i32>} : memref<256x64xf32, #tpu.memory_space<vmem>>, vector<1x16xf32>,
      %get3A_886 = vector.shape_cast %get3A_885 : vector<1x16xf32> to vector<16xf32>
      %add3A_887 = arith.addf %add3A_882, %get3A_886 : vector<16xf32>
      %mul3A_888 = arith.constant 2.66666675 : f32
      %mul3A_889 = vector.broadcast %mul3A_888 : f32 to vector<16xf32>
      %mul3A_890 = arith.mulf %add3A_887, %mul3A_889 : vector<16xf32>
      %swap3A_891 = arith.index_cast %scan3A_809 : i32 to index
      %swap3A_892 = arith.constant 48 : index
      %swap3A_893 = tpu.vector_load %arg13[%swap3A_891, %swap3A_892] {strides = array<i32>} : memref<256x64xf32, #tpu.memory_space<vmem>>, vector<1x16xf32>,
      %swap3A_894 = vector.shape_cast %swap3A_893 : vector<1x16xf32> to vector<16xf32>
      %swap3A_895 = vector.shape_cast %mul3A_890 : vector<16xf32> to vector<1x16xf32>
      tpu.vector_store %arg13[%swap3A_891, %swap3A_892], %swap3A_895 {strides = array<i32>} : memref<256x64xf32, #tpu.memory_space<vmem>>, vector<1x16xf32>,
    }
    %scan3A_301 = arith.constant 256 : i32
    %mul3A_302 = arith.constant 200 : i32
    %mul3A_303 = arith.muli %add3A, %mul3A_302 : i32
    %add3A_304 = arith.constant 0 : i32
    %add3A_305 = arith.addi %mul3A_303, %add3A_304 : i32
    %mul3A_306 = arith.constant 128 : i32
    %mul3A_307 = arith.muli %add3A_305, %mul3A_306 : i32
    %dma_start3A_308 = arith.constant 0 : i32
    %dma_start3A_309 = tpu.memref_slice %arg6[%mul3A_307, %dma_start3A_308] : memref<819200x64xf32, #tpu.memory_space<hbm>> -> memref<256x64xf32, #tpu.memory_space<hbm>>
    %dma_start3A_310 = arith.constant 0 : i32
    %dma_start3A_311 = tpu.memref_slice %arg6[%mul3A_307, %dma_start3A_310] : memref<819200x64xf32, #tpu.memory_space<hbm>> -> memref<256x64xf32, #tpu.memory_space<hbm>>
    tpu.enqueue_dma source(%arg13 : memref<256x64xf32, #tpu.memory_space<vmem>>) target(%dma_start3A_311 : memref<256x64xf32, #tpu.memory_space<hbm>>) target_semaphore(%arg21 : memref<!tpu.dma_semaphore, #tpu.memory_space<semaphore_mem>>)
    %dma_wait3A_312 = arith.constant 0 : i32
    %dma_wait3A_313 = arith.constant 0 : i32
    %dma_wait3A_314 = tpu.memref_slice %arg6[%dma_wait3A_312, %dma_wait3A_313] : memref<819200x64xf32, #tpu.memory_space<hbm>> -> memref<256x64xf32, #tpu.memory_space<hbm>>
    %dma_wait3A_315 = arith.constant 0 : i32
    %dma_wait3A_316 = arith.constant 0 : i32
    %dma_wait3A_317 = tpu.memref_slice %arg6[%dma_wait3A_315, %dma_wait3A_316] : memref<819200x64xf32, #tpu.memory_space<hbm>> -> memref<256x64xf32, #tpu.memory_space<hbm>>
    tpu.wait_dma2 semaphore(%arg21 : memref<!tpu.dma_semaphore, #tpu.memory_space<semaphore_mem>>) src(%arg13 : memref<256x64xf32, #tpu.memory_space<vmem>>) dst(%dma_wait3A_317 : memref<256x64xf32, #tpu.memory_space<hbm>>)
    %dma_wait3A_318 = arith.constant 0 : i32
    %dma_wait3A_319 = arith.constant 0 : i32
    %dma_wait3A_320 = arith.constant 0 : i32
    %dma_wait3A_321 = tpu.memref_slice %arg2[%dma_wait3A_318, %dma_wait3A_319, %dma_wait3A_320] : memref<3x6400x128xi32, #tpu.memory_space<hbm>> -> memref<1x2x128xi32, #tpu.memory_space<hbm>>
    %dma_wait3A_322 = tpu.memref_squeeze %dma_wait3A_321 : memref<1x2x128xi32, #tpu.memory_space<hbm>> -> memref<2x128xi32, #tpu.memory_space<hbm>>
    %dma_wait3A_323 = arith.constant 0 : i32
    %dma_wait3A_324 = arith.constant 0 : i32
    %dma_wait3A_325 = tpu.memref_slice %arg2[%dma_wait3A_318, %dma_wait3A_323, %dma_wait3A_324] : memref<3x6400x128xi32, #tpu.memory_space<hbm>> -> memref<1x2x128xi32, #tpu.memory_space<hbm>>
    %dma_wait3A_326 = tpu.memref_squeeze %dma_wait3A_325 : memref<1x2x128xi32, #tpu.memory_space<hbm>> -> memref<2x128xi32, #tpu.memory_space<hbm>>
    tpu.wait_dma2 semaphore(%arg23 : memref<!tpu.dma_semaphore, #tpu.memory_space<semaphore_mem>>) src(%dma_wait3A_326 : memref<2x128xi32, #tpu.memory_space<hbm>>) dst(%arg7 : memref<2x128xi32, #tpu.memory_space<vmem>>)
    %dma_wait3A_327 = arith.constant 0 : i32
    %dma_wait3A_328 = arith.constant 0 : i32
    %dma_wait3A_329 = arith.constant 0 : i32
    %dma_wait3A_330 = tpu.memref_slice %arg2[%dma_wait3A_327, %dma_wait3A_328, %dma_wait3A_329] : memref<3x6400x128xi32, #tpu.memory_space<hbm>> -> memref<1x2x128xi32, #tpu.memory_space<hbm>>
    %dma_wait3A_331 = tpu.memref_squeeze %dma_wait3A_330 : memref<1x2x128xi32, #tpu.memory_space<hbm>> -> memref<2x128xi32, #tpu.memory_space<hbm>>
    %dma_wait3A_332 = arith.constant 0 : i32
    %dma_wait3A_333 = arith.constant 0 : i32
    %dma_wait3A_334 = tpu.memref_slice %arg2[%dma_wait3A_327, %dma_wait3A_332, %dma_wait3A_333] : memref<3x6400x128xi32, #tpu.memory_space<hbm>> -> memref<1x2x128xi32, #tpu.memory_space<hbm>>
    %dma_wait3A_335 = tpu.memref_squeeze %dma_wait3A_334 : memref<1x2x128xi32, #tpu.memory_space<hbm>> -> memref<2x128xi32, #tpu.memory_space<hbm>>
    tpu.wait_dma2 semaphore(%arg23 : memref<!tpu.dma_semaphore, #tpu.memory_space<semaphore_mem>>) src(%dma_wait3A_335 : memref<2x128xi32, #tpu.memory_space<hbm>>) dst(%arg8 : memref<2x128xi32, #tpu.memory_space<vmem>>)
    %dma_wait3A_336 = arith.constant 0 : i32
    %dma_wait3A_337 = arith.constant 0 : i32
    %dma_wait3A_338 = arith.constant 0 : i32
    %dma_wait3A_339 = tpu.memref_slice %arg2[%dma_wait3A_336, %dma_wait3A_337, %dma_wait3A_338] : memref<3x6400x128xi32, #tpu.memory_space<hbm>> -> memref<1x2x128xi32, #tpu.memory_space<hbm>>
    %dma_wait3A_340 = tpu.memref_squeeze %dma_wait3A_339 : memref<1x2x128xi32, #tpu.memory_space<hbm>> -> memref<2x128xi32, #tpu.memory_space<hbm>>
    %dma_wait3A_341 = arith.constant 0 : i32
    %dma_wait3A_342 = arith.constant 0 : i32
    %dma_wait3A_343 = tpu.memref_slice %arg2[%dma_wait3A_336, %dma_wait3A_341, %dma_wait3A_342] : memref<3x6400x128xi32, #tpu.memory_space<hbm>> -> memref<1x2x128xi32, #tpu.memory_space<hbm>>
    %dma_wait3A_344 = tpu.memref_squeeze %dma_wait3A_343 : memref<1x2x128xi32, #tpu.memory_space<hbm>> -> memref<2x128xi32, #tpu.memory_space<hbm>>
    tpu.wait_dma2 semaphore(%arg23 : memref<!tpu.dma_semaphore, #tpu.memory_space<semaphore_mem>>) src(%dma_wait3A_344 : memref<2x128xi32, #tpu.memory_space<hbm>>) dst(%arg9 : memref<2x128xi32, #tpu.memory_space<vmem>>)
    %dma_start3A_345 = arith.constant 0 : i32
    %dma_start3A_346 = arith.constant 0 : i32
    %dma_start3A_347 = arith.constant 0 : i32
    %dma_start3A_348 = tpu.memref_slice %arg13[%dma_start3A_346, %dma_start3A_347] : memref<256x64xf32, #tpu.memory_space<vmem>> -> memref<128x64xf32, #tpu.memory_space<vmem>>
    %dma_start3A_349 = arith.constant 0 : i32
    %dma_start3A_350 = tpu.memref_slice %arg7[%dma_start3A_345, %dma_start3A_349] : memref<2x128xi32, #tpu.memory_space<vmem>> -> memref<1x128xi32, #tpu.memory_space<vmem>>
    %dma_start3A_351 = tpu.memref_squeeze %dma_start3A_350 : memref<1x128xi32, #tpu.memory_space<vmem>> -> memref<128xi32, #tpu.memory_space<vmem>>
    %dma_start3A_352 = arith.constant 0 : i32
    %dma_start3A_353 = arith.constant 0 : i32
    %dma_start3A_354 = tpu.memref_slice %arg3[%dma_start3A_352, %dma_start3A_353] : memref<100000x64xf32, #tpu.memory_space<hbm>> -> memref<100000x64xf32, #tpu.memory_space<hbm>>
    tpu.enqueue_indirect_dma source(%dma_start3A_354 : memref<100000x64xf32, #tpu.memory_space<hbm>>) target(%dma_start3A_348 : memref<128x64xf32, #tpu.memory_space<vmem>>) offsets(%dma_start3A_351 : memref<128xi32, #tpu.memory_space<vmem>>) semaphore(%arg19 : memref<!tpu.dma_semaphore, #tpu.memory_space<semaphore_mem>>)
    %dma_start3A_355 = arith.constant 1 : i32
    %dma_start3A_356 = arith.constant 128 : i32
    %dma_start3A_357 = arith.constant 0 : i32
    %dma_start3A_358 = tpu.memref_slice %arg13[%dma_start3A_356, %dma_start3A_357] : memref<256x64xf32, #tpu.memory_space<vmem>> -> memref<128x64xf32, #tpu.memory_space<vmem>>
    %dma_start3A_359 = arith.constant 0 : i32
    %dma_start3A_360 = tpu.memref_slice %arg7[%dma_start3A_355, %dma_start3A_359] : memref<2x128xi32, #tpu.memory_space<vmem>> -> memref<1x128xi32, #tpu.memory_space<vmem>>
    %dma_start3A_361 = tpu.memref_squeeze %dma_start3A_360 : memref<1x128xi32, #tpu.memory_space<vmem>> -> memref<128xi32, #tpu.memory_space<vmem>>
    %dma_start3A_362 = arith.constant 0 : i32
    %dma_start3A_363 = arith.constant 0 : i32
    %dma_start3A_364 = tpu.memref_slice %arg3[%dma_start3A_362, %dma_start3A_363] : memref<100000x64xf32, #tpu.memory_space<hbm>> -> memref<100000x64xf32, #tpu.memory_space<hbm>>
    tpu.enqueue_indirect_dma source(%dma_start3A_364 : memref<100000x64xf32, #tpu.memory_space<hbm>>) target(%dma_start3A_358 : memref<128x64xf32, #tpu.memory_space<vmem>>) offsets(%dma_start3A_361 : memref<128xi32, #tpu.memory_space<vmem>>) semaphore(%arg19 : memref<!tpu.dma_semaphore, #tpu.memory_space<semaphore_mem>>)
    %dma_start3A_365 = arith.constant 0 : i32
    %dma_start3A_366 = arith.constant 0 : i32
    %dma_start3A_367 = arith.constant 0 : i32
    %dma_start3A_368 = tpu.memref_slice %arg14[%dma_start3A_366, %dma_start3A_367] : memref<256x64xf32, #tpu.memory_space<vmem>> -> memref<128x64xf32, #tpu.memory_space<vmem>>
    %dma_start3A_369 = arith.constant 0 : i32
    %dma_start3A_370 = tpu.memref_slice %arg8[%dma_start3A_365, %dma_start3A_369] : memref<2x128xi32, #tpu.memory_space<vmem>> -> memref<1x128xi32, #tpu.memory_space<vmem>>
    %dma_start3A_371 = tpu.memref_squeeze %dma_start3A_370 : memref<1x128xi32, #tpu.memory_space<vmem>> -> memref<128xi32, #tpu.memory_space<vmem>>
    %dma_start3A_372 = arith.constant 0 : i32
    %dma_start3A_373 = arith.constant 0 : i32
    %dma_start3A_374 = tpu.memref_slice %arg4[%dma_start3A_372, %dma_start3A_373] : memref<100000x64xf32, #tpu.memory_space<hbm>> -> memref<100000x64xf32, #tpu.memory_space<hbm>>
    tpu.enqueue_indirect_dma source(%dma_start3A_374 : memref<100000x64xf32, #tpu.memory_space<hbm>>) target(%dma_start3A_368 : memref<128x64xf32, #tpu.memory_space<vmem>>) offsets(%dma_start3A_371 : memref<128xi32, #tpu.memory_space<vmem>>) semaphore(%arg19 : memref<!tpu.dma_semaphore, #tpu.memory_space<semaphore_mem>>)
    %dma_start3A_375 = arith.constant 1 : i32
    %dma_start3A_376 = arith.constant 128 : i32
    %dma_start3A_377 = arith.constant 0 : i32
    %dma_start3A_378 = tpu.memref_slice %arg14[%dma_start3A_376, %dma_start3A_377] : memref<256x64xf32, #tpu.memory_space<vmem>> -> memref<128x64xf32, #tpu.memory_space<vmem>>
    %dma_start3A_379 = arith.constant 0 : i32
    %dma_start3A_380 = tpu.memref_slice %arg8[%dma_start3A_375, %dma_start3A_379] : memref<2x128xi32, #tpu.memory_space<vmem>> -> memref<1x128xi32, #tpu.memory_space<vmem>>
    %dma_start3A_381 = tpu.memref_squeeze %dma_start3A_380 : memref<1x128xi32, #tpu.memory_space<vmem>> -> memref<128xi32, #tpu.memory_space<vmem>>
    %dma_start3A_382 = arith.constant 0 : i32
    %dma_start3A_383 = arith.constant 0 : i32
    %dma_start3A_384 = tpu.memref_slice %arg4[%dma_start3A_382, %dma_start3A_383] : memref<100000x64xf32, #tpu.memory_space<hbm>> -> memref<100000x64xf32, #tpu.memory_space<hbm>>
    tpu.enqueue_indirect_dma source(%dma_start3A_384 : memref<100000x64xf32, #tpu.memory_space<hbm>>) target(%dma_start3A_378 : memref<128x64xf32, #tpu.memory_space<vmem>>) offsets(%dma_start3A_381 : memref<128xi32, #tpu.memory_space<vmem>>) semaphore(%arg19 : memref<!tpu.dma_semaphore, #tpu.memory_space<semaphore_mem>>)
    %dma_start3A_385 = arith.constant 0 : i32
    %dma_start3A_386 = arith.constant 0 : i32
    %dma_start3A_387 = arith.constant 0 : i32
    %dma_start3A_388 = tpu.memref_slice %arg15[%dma_start3A_386, %dma_start3A_387] : memref<256x64xf32, #tpu.memory_space<vmem>> -> memref<128x64xf32, #tpu.memory_space<vmem>>
    %dma_start3A_389 = arith.constant 0 : i32
    %dma_start3A_390 = tpu.memref_slice %arg9[%dma_start3A_385, %dma_start3A_389] : memref<2x128xi32, #tpu.memory_space<vmem>> -> memref<1x128xi32, #tpu.memory_space<vmem>>
    %dma_start3A_391 = tpu.memref_squeeze %dma_start3A_390 : memref<1x128xi32, #tpu.memory_space<vmem>> -> memref<128xi32, #tpu.memory_space<vmem>>
    %dma_start3A_392 = arith.constant 0 : i32
    %dma_start3A_393 = arith.constant 0 : i32
    %dma_start3A_394 = tpu.memref_slice %arg5[%dma_start3A_392, %dma_start3A_393] : memref<100000x64xf32, #tpu.memory_space<hbm>> -> memref<100000x64xf32, #tpu.memory_space<hbm>>
    tpu.enqueue_indirect_dma source(%dma_start3A_394 : memref<100000x64xf32, #tpu.memory_space<hbm>>) target(%dma_start3A_388 : memref<128x64xf32, #tpu.memory_space<vmem>>) offsets(%dma_start3A_391 : memref<128xi32, #tpu.memory_space<vmem>>) semaphore(%arg19 : memref<!tpu.dma_semaphore, #tpu.memory_space<semaphore_mem>>)
    %dma_start3A_395 = arith.constant 1 : i32
    %dma_start3A_396 = arith.constant 128 : i32
    %dma_start3A_397 = arith.constant 0 : i32
    %dma_start3A_398 = tpu.memref_slice %arg15[%dma_start3A_396, %dma_start3A_397] : memref<256x64xf32, #tpu.memory_space<vmem>> -> memref<128x64xf32, #tpu.memory_space<vmem>>
    %dma_start3A_399 = arith.constant 0 : i32
    %dma_start3A_400 = tpu.memref_slice %arg9[%dma_start3A_395, %dma_start3A_399] : memref<2x128xi32, #tpu.memory_space<vmem>> -> memref<1x128xi32, #tpu.memory_space<vmem>>
    %dma_start3A_401 = tpu.memref_squeeze %dma_start3A_400 : memref<1x128xi32, #tpu.memory_space<vmem>> -> memref<128xi32, #tpu.memory_space<vmem>>
    %dma_start3A_402 = arith.constant 0 : i32
    %dma_start3A_403 = arith.constant 0 : i32
    %dma_start3A_404 = tpu.memref_slice %arg5[%dma_start3A_402, %dma_start3A_403] : memref<100000x64xf32, #tpu.memory_space<hbm>> -> memref<100000x64xf32, #tpu.memory_space<hbm>>
    tpu.enqueue_indirect_dma source(%dma_start3A_404 : memref<100000x64xf32, #tpu.memory_space<hbm>>) target(%dma_start3A_398 : memref<128x64xf32, #tpu.memory_space<vmem>>) offsets(%dma_start3A_401 : memref<128xi32, #tpu.memory_space<vmem>>) semaphore(%arg19 : memref<!tpu.dma_semaphore, #tpu.memory_space<semaphore_mem>>)
    %dma_wait3A_405 = arith.constant 0 : i32
    %dma_wait3A_406 = arith.constant 0 : i32
    %dma_wait3A_407 = tpu.memref_slice %arg16[%dma_wait3A_405, %dma_wait3A_406] : memref<256x64xf32, #tpu.memory_space<vmem>> -> memref<128x64xf32, #tpu.memory_space<vmem>>
    %dma_wait3A_408 = arith.constant 0 : i32
    %dma_wait3A_409 = arith.constant 0 : i32
    %dma_wait3A_410 = tpu.memref_slice %arg3[%dma_wait3A_408, %dma_wait3A_409] : memref<100000x64xf32, #tpu.memory_space<hbm>> -> memref<128x64xf32, #tpu.memory_space<hbm>>
    %dma_wait3A_411 = arith.constant 0 : i32
    %dma_wait3A_412 = arith.constant 0 : i32
    %dma_wait3A_413 = tpu.memref_slice %arg16[%dma_wait3A_411, %dma_wait3A_412] : memref<256x64xf32, #tpu.memory_space<vmem>> -> memref<128x64xf32, #tpu.memory_space<vmem>>
    %dma_wait3A_414 = arith.constant 0 : i32
    %dma_wait3A_415 = arith.constant 0 : i32
    %dma_wait3A_416 = tpu.memref_slice %arg3[%dma_wait3A_414, %dma_wait3A_415] : memref<100000x64xf32, #tpu.memory_space<hbm>> -> memref<128x64xf32, #tpu.memory_space<hbm>>
    tpu.wait_dma2 semaphore(%arg20 : memref<!tpu.dma_semaphore, #tpu.memory_space<semaphore_mem>>) src(%dma_wait3A_416 : memref<128x64xf32, #tpu.memory_space<hbm>>) dst(%dma_wait3A_413 : memref<128x64xf32, #tpu.memory_space<vmem>>)
    %dma_wait3A_417 = arith.constant 128 : i32
    %dma_wait3A_418 = arith.constant 0 : i32
    %dma_wait3A_419 = tpu.memref_slice %arg16[%dma_wait3A_417, %dma_wait3A_418] : memref<256x64xf32, #tpu.memory_space<vmem>> -> memref<128x64xf32, #tpu.memory_space<vmem>>
    %dma_wait3A_420 = arith.constant 0 : i32
    %dma_wait3A_421 = arith.constant 0 : i32
    %dma_wait3A_422 = tpu.memref_slice %arg3[%dma_wait3A_420, %dma_wait3A_421] : memref<100000x64xf32, #tpu.memory_space<hbm>> -> memref<128x64xf32, #tpu.memory_space<hbm>>
    %dma_wait3A_423 = arith.constant 128 : i32
    %dma_wait3A_424 = arith.constant 0 : i32
    %dma_wait3A_425 = tpu.memref_slice %arg16[%dma_wait3A_423, %dma_wait3A_424] : memref<256x64xf32, #tpu.memory_space<vmem>> -> memref<128x64xf32, #tpu.memory_space<vmem>>
    %dma_wait3A_426 = arith.constant 0 : i32
    %dma_wait3A_427 = arith.constant 0 : i32
    %dma_wait3A_428 = tpu.memref_slice %arg3[%dma_wait3A_426, %dma_wait3A_427] : memref<100000x64xf32, #tpu.memory_space<hbm>> -> memref<128x64xf32, #tpu.memory_space<hbm>>
    tpu.wait_dma2 semaphore(%arg20 : memref<!tpu.dma_semaphore, #tpu.memory_space<semaphore_mem>>) src(%dma_wait3A_428 : memref<128x64xf32, #tpu.memory_space<hbm>>) dst(%dma_wait3A_425 : memref<128x64xf32, #tpu.memory_space<vmem>>)
    %dma_wait3A_429 = arith.constant 0 : i32
    %dma_wait3A_430 = arith.constant 0 : i32
    %dma_wait3A_431 = tpu.memref_slice %arg17[%dma_wait3A_429, %dma_wait3A_430] : memref<256x64xf32, #tpu.memory_space<vmem>> -> memref<128x64xf32, #tpu.memory_space<vmem>>
    %dma_wait3A_432 = arith.constant 0 : i32
    %dma_wait3A_433 = arith.constant 0 : i32
    %dma_wait3A_434 = tpu.memref_slice %arg4[%dma_wait3A_432, %dma_wait3A_433] : memref<100000x64xf32, #tpu.memory_space<hbm>> -> memref<128x64xf32, #tpu.memory_space<hbm>>
    %dma_wait3A_435 = arith.constant 0 : i32
    %dma_wait3A_436 = arith.constant 0 : i32
    %dma_wait3A_437 = tpu.memref_slice %arg17[%dma_wait3A_435, %dma_wait3A_436] : memref<256x64xf32, #tpu.memory_space<vmem>> -> memref<128x64xf32, #tpu.memory_space<vmem>>
    %dma_wait3A_438 = arith.constant 0 : i32
    %dma_wait3A_439 = arith.constant 0 : i32
    %dma_wait3A_440 = tpu.memref_slice %arg4[%dma_wait3A_438, %dma_wait3A_439] : memref<100000x64xf32, #tpu.memory_space<hbm>> -> memref<128x64xf32, #tpu.memory_space<hbm>>
    tpu.wait_dma2 semaphore(%arg20 : memref<!tpu.dma_semaphore, #tpu.memory_space<semaphore_mem>>) src(%dma_wait3A_440 : memref<128x64xf32, #tpu.memory_space<hbm>>) dst(%dma_wait3A_437 : memref<128x64xf32, #tpu.memory_space<vmem>>)
    %dma_wait3A_441 = arith.constant 128 : i32
    %dma_wait3A_442 = arith.constant 0 : i32
    %dma_wait3A_443 = tpu.memref_slice %arg17[%dma_wait3A_441, %dma_wait3A_442] : memref<256x64xf32, #tpu.memory_space<vmem>> -> memref<128x64xf32, #tpu.memory_space<vmem>>
    %dma_wait3A_444 = arith.constant 0 : i32
    %dma_wait3A_445 = arith.constant 0 : i32
    %dma_wait3A_446 = tpu.memref_slice %arg4[%dma_wait3A_444, %dma_wait3A_445] : memref<100000x64xf32, #tpu.memory_space<hbm>> -> memref<128x64xf32, #tpu.memory_space<hbm>>
    %dma_wait3A_447 = arith.constant 128 : i32
    %dma_wait3A_448 = arith.constant 0 : i32
    %dma_wait3A_449 = tpu.memref_slice %arg17[%dma_wait3A_447, %dma_wait3A_448] : memref<256x64xf32, #tpu.memory_space<vmem>> -> memref<128x64xf32, #tpu.memory_space<vmem>>
    %dma_wait3A_450 = arith.constant 0 : i32
    %dma_wait3A_451 = arith.constant 0 : i32
    %dma_wait3A_452 = tpu.memref_slice %arg4[%dma_wait3A_450, %dma_wait3A_451] : memref<100000x64xf32, #tpu.memory_space<hbm>> -> memref<128x64xf32, #tpu.memory_space<hbm>>
    tpu.wait_dma2 semaphore(%arg20 : memref<!tpu.dma_semaphore, #tpu.memory_space<semaphore_mem>>) src(%dma_wait3A_452 : memref<128x64xf32, #tpu.memory_space<hbm>>) dst(%dma_wait3A_449 : memref<128x64xf32, #tpu.memory_space<vmem>>)
    %dma_wait3A_453 = arith.constant 0 : i32
    %dma_wait3A_454 = arith.constant 0 : i32
    %dma_wait3A_455 = tpu.memref_slice %arg18[%dma_wait3A_453, %dma_wait3A_454] : memref<256x64xf32, #tpu.memory_space<vmem>> -> memref<128x64xf32, #tpu.memory_space<vmem>>
    %dma_wait3A_456 = arith.constant 0 : i32
    %dma_wait3A_457 = arith.constant 0 : i32
    %dma_wait3A_458 = tpu.memref_slice %arg5[%dma_wait3A_456, %dma_wait3A_457] : memref<100000x64xf32, #tpu.memory_space<hbm>> -> memref<128x64xf32, #tpu.memory_space<hbm>>
    %dma_wait3A_459 = arith.constant 0 : i32
    %dma_wait3A_460 = arith.constant 0 : i32
    %dma_wait3A_461 = tpu.memref_slice %arg18[%dma_wait3A_459, %dma_wait3A_460] : memref<256x64xf32, #tpu.memory_space<vmem>> -> memref<128x64xf32, #tpu.memory_space<vmem>>
    %dma_wait3A_462 = arith.constant 0 : i32
    %dma_wait3A_463 = arith.constant 0 : i32
    %dma_wait3A_464 = tpu.memref_slice %arg5[%dma_wait3A_462, %dma_wait3A_463] : memref<100000x64xf32, #tpu.memory_space<hbm>> -> memref<128x64xf32, #tpu.memory_space<hbm>>
    tpu.wait_dma2 semaphore(%arg20 : memref<!tpu.dma_semaphore, #tpu.memory_space<semaphore_mem>>) src(%dma_wait3A_464 : memref<128x64xf32, #tpu.memory_space<hbm>>) dst(%dma_wait3A_461 : memref<128x64xf32, #tpu.memory_space<vmem>>)
    %dma_wait3A_465 = arith.constant 128 : i32
    %dma_wait3A_466 = arith.constant 0 : i32
    %dma_wait3A_467 = tpu.memref_slice %arg18[%dma_wait3A_465, %dma_wait3A_466] : memref<256x64xf32, #tpu.memory_space<vmem>> -> memref<128x64xf32, #tpu.memory_space<vmem>>
    %dma_wait3A_468 = arith.constant 0 : i32
    %dma_wait3A_469 = arith.constant 0 : i32
    %dma_wait3A_470 = tpu.memref_slice %arg5[%dma_wait3A_468, %dma_wait3A_469] : memref<100000x64xf32, #tpu.memory_space<hbm>> -> memref<128x64xf32, #tpu.memory_space<hbm>>
    %dma_wait3A_471 = arith.constant 128 : i32
    %dma_wait3A_472 = arith.constant 0 : i32
    %dma_wait3A_473 = tpu.memref_slice %arg18[%dma_wait3A_471, %dma_wait3A_472] : memref<256x64xf32, #tpu.memory_space<vmem>> -> memref<128x64xf32, #tpu.memory_space<vmem>>
    %dma_wait3A_474 = arith.constant 0 : i32
    %dma_wait3A_475 = arith.constant 0 : i32
    %dma_wait3A_476 = tpu.memref_slice %arg5[%dma_wait3A_474, %dma_wait3A_475] : memref<100000x64xf32, #tpu.memory_space<hbm>> -> memref<128x64xf32, #tpu.memory_space<hbm>>
    tpu.wait_dma2 semaphore(%arg20 : memref<!tpu.dma_semaphore, #tpu.memory_space<semaphore_mem>>) src(%dma_wait3A_476 : memref<128x64xf32, #tpu.memory_space<hbm>>) dst(%dma_wait3A_473 : memref<128x64xf32, #tpu.memory_space<vmem>>)
    %mul3A_477 = arith.constant 200 : i32
    %mul3A_478 = arith.muli %add3A, %mul3A_477 : i32
    %add3A_479 = arith.constant 6 : i32
    %add3A_480 = arith.addi %mul3A_478, %add3A_479 : i32
    %dma_start3A_481 = arith.constant 0 : i32
    %dma_start3A_482 = arith.constant 0 : i32
    %dma_start3A_483 = tpu.memref_slice %arg2[%dma_start3A_481, %add3A_480, %dma_start3A_482] : memref<3x6400x128xi32, #tpu.memory_space<hbm>> -> memref<1x2x128xi32, #tpu.memory_space<hbm>>
    %dma_start3A_484 = tpu.memref_squeeze %dma_start3A_483 : memref<1x2x128xi32, #tpu.memory_space<hbm>> -> memref<2x128xi32, #tpu.memory_space<hbm>>
    %dma_start3A_485 = arith.constant 0 : i32
    %dma_start3A_486 = tpu.memref_slice %arg2[%dma_start3A_481, %add3A_480, %dma_start3A_485] : memref<3x6400x128xi32, #tpu.memory_space<hbm>> -> memref<1x2x128xi32, #tpu.memory_space<hbm>>
    %dma_start3A_487 = tpu.memref_squeeze %dma_start3A_486 : memref<1x2x128xi32, #tpu.memory_space<hbm>> -> memref<2x128xi32, #tpu.memory_space<hbm>>
    tpu.enqueue_dma source(%dma_start3A_487 : memref<2x128xi32, #tpu.memory_space<hbm>>) target(%arg10 : memref<2x128xi32, #tpu.memory_space<vmem>>) target_semaphore(%arg23 : memref<!tpu.dma_semaphore, #tpu.memory_space<semaphore_mem>>)
    %mul3A_488 = arith.constant 200 : i32
    %mul3A_489 = arith.muli %add3A, %mul3A_488 : i32
    %add3A_490 = arith.constant 6 : i32
    %add3A_491 = arith.addi %mul3A_489, %add3A_490 : i32
    %dma_start3A_492 = arith.constant 1 : i32
    %dma_start3A_493 = arith.constant 0 : i32
    %dma_start3A_494 = tpu.memref_slice %arg2[%dma_start3A_492, %add3A_491, %dma_start3A_493] : memref<3x6400x128xi32, #tpu.memory_space<hbm>> -> memref<1x2x128xi32, #tpu.memory_space<hbm>>
    %dma_start3A_495 = tpu.memref_squeeze %dma_start3A_494 : memref<1x2x128xi32, #tpu.memory_space<hbm>> -> memref<2x128xi32, #tpu.memory_space<hbm>>
    %dma_start3A_496 = arith.constant 0 : i32
    %dma_start3A_497 = tpu.memref_slice %arg2[%dma_start3A_492, %add3A_491, %dma_start3A_496] : memref<3x6400x128xi32, #tpu.memory_space<hbm>> -> memref<1x2x128xi32, #tpu.memory_space<hbm>>
    %dma_start3A_498 = tpu.memref_squeeze %dma_start3A_497 : memref<1x2x128xi32, #tpu.memory_space<hbm>> -> memref<2x128xi32, #tpu.memory_space<hbm>>
    tpu.enqueue_dma source(%dma_start3A_498 : memref<2x128xi32, #tpu.memory_space<hbm>>) target(%arg11 : memref<2x128xi32, #tpu.memory_space<vmem>>) target_semaphore(%arg23 : memref<!tpu.dma_semaphore, #tpu.memory_space<semaphore_mem>>)
    %mul3A_499 = arith.constant 200 : i32
    %mul3A_500 = arith.muli %add3A, %mul3A_499 : i32
    %add3A_501 = arith.constant 6 : i32
    %add3A_502 = arith.addi %mul3A_500, %add3A_501 : i32
    %dma_start3A_503 = arith.constant 2 : i32
    %dma_start3A_504 = arith.constant 0 : i32
    %dma_start3A_505 = tpu.memref_slice %arg2[%dma_start3A_503, %add3A_502, %dma_start3A_504] : memref<3x6400x128xi32, #tpu.memory_space<hbm>> -> memref<1x2x128xi32, #tpu.memory_space<hbm>>
    %dma_start3A_506 = tpu.memref_squeeze %dma_start3A_505 : memref<1x2x128xi32, #tpu.memory_space<hbm>> -> memref<2x128xi32, #tpu.memory_space<hbm>>
    %dma_start3A_507 = arith.constant 0 : i32
    %dma_start3A_508 = tpu.memref_slice %arg2[%dma_start3A_503, %add3A_502, %dma_start3A_507] : memref<3x6400x128xi32, #tpu.memory_space<hbm>> -> memref<1x2x128xi32, #tpu.memory_space<hbm>>
    %dma_start3A_509 = tpu.memref_squeeze %dma_start3A_508 : memref<1x2x128xi32, #tpu.memory_space<hbm>> -> memref<2x128xi32, #tpu.memory_space<hbm>>
    tpu.enqueue_dma source(%dma_start3A_509 : memref<2x128xi32, #tpu.memory_space<hbm>>) target(%arg12 : memref<2x128xi32, #tpu.memory_space<vmem>>) target_semaphore(%arg23 : memref<!tpu.dma_semaphore, #tpu.memory_space<semaphore_mem>>)
    %scan3A_510 = arith.constant 0 : i32
    %scan3A_511 = arith.constant 256 : i32
    %scan3A_512 = arith.addi %scan3A_510, %scan3A_511 : i32
    %scan3A_513 = arith.constant 1 : i32
    scf.for %scan3A_809 = %scan3A_510 to %scan3A_512 step %scan3A_513  : i32 {
      %get3A = arith.index_cast %scan3A_809 : i32 to index
      %get3A_810 = arith.constant 0 : index
      %get3A_811 = tpu.vector_load %arg16[%get3A, %get3A_810] {strides = array<i32>} : memref<256x64xf32, #tpu.memory_space<vmem>>, vector<1x16xf32>,
      %get3A_812 = vector.shape_cast %get3A_811 : vector<1x16xf32> to vector<16xf32>
      %get3A_813 = arith.index_cast %scan3A_809 : i32 to index
      %get3A_814 = arith.constant 0 : index
      %get3A_815 = tpu.vector_load %arg17[%get3A_813, %get3A_814] {strides = array<i32>} : memref<256x64xf32, #tpu.memory_space<vmem>>, vector<1x16xf32>,
      %get3A_816 = vector.shape_cast %get3A_815 : vector<1x16xf32> to vector<16xf32>
      %add3A_817 = arith.addf %get3A_812, %get3A_816 : vector<16xf32>
      %get3A_818 = arith.index_cast %scan3A_809 : i32 to index
      %get3A_819 = arith.constant 0 : index
      %get3A_820 = tpu.vector_load %arg18[%get3A_818, %get3A_819] {strides = array<i32>} : memref<256x64xf32, #tpu.memory_space<vmem>>, vector<1x16xf32>,
      %get3A_821 = vector.shape_cast %get3A_820 : vector<1x16xf32> to vector<16xf32>
      %add3A_822 = arith.addf %add3A_817, %get3A_821 : vector<16xf32>
      %mul3A_823 = arith.constant 2.66666675 : f32
      %mul3A_824 = vector.broadcast %mul3A_823 : f32 to vector<16xf32>
      %mul3A_825 = arith.mulf %add3A_822, %mul3A_824 : vector<16xf32>
      %swap3A = arith.index_cast %scan3A_809 : i32 to index
      %swap3A_826 = arith.constant 0 : index
      %swap3A_827 = tpu.vector_load %arg16[%swap3A, %swap3A_826] {strides = array<i32>} : memref<256x64xf32, #tpu.memory_space<vmem>>, vector<1x16xf32>,
      %swap3A_828 = vector.shape_cast %swap3A_827 : vector<1x16xf32> to vector<16xf32>
      %swap3A_829 = vector.shape_cast %mul3A_825 : vector<16xf32> to vector<1x16xf32>
      tpu.vector_store %arg16[%swap3A, %swap3A_826], %swap3A_829 {strides = array<i32>} : memref<256x64xf32, #tpu.memory_space<vmem>>, vector<1x16xf32>,
      %get3A_830 = arith.index_cast %scan3A_809 : i32 to index
      %get3A_831 = arith.constant 16 : index
      %get3A_832 = tpu.vector_load %arg16[%get3A_830, %get3A_831] {strides = array<i32>} : memref<256x64xf32, #tpu.memory_space<vmem>>, vector<1x16xf32>,
      %get3A_833 = vector.shape_cast %get3A_832 : vector<1x16xf32> to vector<16xf32>
      %get3A_834 = arith.index_cast %scan3A_809 : i32 to index
      %get3A_835 = arith.constant 16 : index
      %get3A_836 = tpu.vector_load %arg17[%get3A_834, %get3A_835] {strides = array<i32>} : memref<256x64xf32, #tpu.memory_space<vmem>>, vector<1x16xf32>,
      %get3A_837 = vector.shape_cast %get3A_836 : vector<1x16xf32> to vector<16xf32>
      %add3A_838 = arith.addf %get3A_833, %get3A_837 : vector<16xf32>
      %get3A_839 = arith.index_cast %scan3A_809 : i32 to index
      %get3A_840 = arith.constant 16 : index
      %get3A_841 = tpu.vector_load %arg18[%get3A_839, %get3A_840] {strides = array<i32>} : memref<256x64xf32, #tpu.memory_space<vmem>>, vector<1x16xf32>,
      %get3A_842 = vector.shape_cast %get3A_841 : vector<1x16xf32> to vector<16xf32>
      %add3A_843 = arith.addf %add3A_838, %get3A_842 : vector<16xf32>
      %mul3A_844 = arith.constant 2.66666675 : f32
      %mul3A_845 = vector.broadcast %mul3A_844 : f32 to vector<16xf32>
      %mul3A_846 = arith.mulf %add3A_843, %mul3A_845 : vector<16xf32>
      %swap3A_847 = arith.index_cast %scan3A_809 : i32 to index
      %swap3A_848 = arith.constant 16 : index
      %swap3A_849 = tpu.vector_load %arg16[%swap3A_847, %swap3A_848] {strides = array<i32>} : memref<256x64xf32, #tpu.memory_space<vmem>>, vector<1x16xf32>,
      %swap3A_850 = vector.shape_cast %swap3A_849 : vector<1x16xf32> to vector<16xf32>
      %swap3A_851 = vector.shape_cast %mul3A_846 : vector<16xf32> to vector<1x16xf32>
      tpu.vector_store %arg16[%swap3A_847, %swap3A_848], %swap3A_851 {strides = array<i32>} : memref<256x64xf32, #tpu.memory_space<vmem>>, vector<1x16xf32>,
      %get3A_852 = arith.index_cast %scan3A_809 : i32 to index
      %get3A_853 = arith.constant 32 : index
      %get3A_854 = tpu.vector_load %arg16[%get3A_852, %get3A_853] {strides = array<i32>} : memref<256x64xf32, #tpu.memory_space<vmem>>, vector<1x16xf32>,
      %get3A_855 = vector.shape_cast %get3A_854 : vector<1x16xf32> to vector<16xf32>
      %get3A_856 = arith.index_cast %scan3A_809 : i32 to index
      %get3A_857 = arith.constant 32 : index
      %get3A_858 = tpu.vector_load %arg17[%get3A_856, %get3A_857] {strides = array<i32>} : memref<256x64xf32, #tpu.memory_space<vmem>>, vector<1x16xf32>,
      %get3A_859 = vector.shape_cast %get3A_858 : vector<1x16xf32> to vector<16xf32>
      %add3A_860 = arith.addf %get3A_855, %get3A_859 : vector<16xf32>
      %get3A_861 = arith.index_cast %scan3A_809 : i32 to index
      %get3A_862 = arith.constant 32 : index
      %get3A_863 = tpu.vector_load %arg18[%get3A_861, %get3A_862] {strides = array<i32>} : memref<256x64xf32, #tpu.memory_space<vmem>>, vector<1x16xf32>,
      %get3A_864 = vector.shape_cast %get3A_863 : vector<1x16xf32> to vector<16xf32>
      %add3A_865 = arith.addf %add3A_860, %get3A_864 : vector<16xf32>
      %mul3A_866 = arith.constant 2.66666675 : f32
      %mul3A_867 = vector.broadcast %mul3A_866 : f32 to vector<16xf32>
      %mul3A_868 = arith.mulf %add3A_865, %mul3A_867 : vector<16xf32>
      %swap3A_869 = arith.index_cast %scan3A_809 : i32 to index
      %swap3A_870 = arith.constant 32 : index
      %swap3A_871 = tpu.vector_load %arg16[%swap3A_869, %swap3A_870] {strides = array<i32>} : memref<256x64xf32, #tpu.memory_space<vmem>>, vector<1x16xf32>,
      %swap3A_872 = vector.shape_cast %swap3A_871 : vector<1x16xf32> to vector<16xf32>
      %swap3A_873 = vector.shape_cast %mul3A_868 : vector<16xf32> to vector<1x16xf32>
      tpu.vector_store %arg16[%swap3A_869, %swap3A_870], %swap3A_873 {strides = array<i32>} : memref<256x64xf32, #tpu.memory_space<vmem>>, vector<1x16xf32>,
      %get3A_874 = arith.index_cast %scan3A_809 : i32 to index
      %get3A_875 = arith.constant 48 : index
      %get3A_876 = tpu.vector_load %arg16[%get3A_874, %get3A_875] {strides = array<i32>} : memref<256x64xf32, #tpu.memory_space<vmem>>, vector<1x16xf32>,
      %get3A_877 = vector.shape_cast %get3A_876 : vector<1x16xf32> to vector<16xf32>
      %get3A_878 = arith.index_cast %scan3A_809 : i32 to index
      %get3A_879 = arith.constant 48 : index
      %get3A_880 = tpu.vector_load %arg17[%get3A_878, %get3A_879] {strides = array<i32>} : memref<256x64xf32, #tpu.memory_space<vmem>>, vector<1x16xf32>,
      %get3A_881 = vector.shape_cast %get3A_880 : vector<1x16xf32> to vector<16xf32>
      %add3A_882 = arith.addf %get3A_877, %get3A_881 : vector<16xf32>
      %get3A_883 = arith.index_cast %scan3A_809 : i32 to index
      %get3A_884 = arith.constant 48 : index
      %get3A_885 = tpu.vector_load %arg18[%get3A_883, %get3A_884] {strides = array<i32>} : memref<256x64xf32, #tpu.memory_space<vmem>>, vector<1x16xf32>,
      %get3A_886 = vector.shape_cast %get3A_885 : vector<1x16xf32> to vector<16xf32>
      %add3A_887 = arith.addf %add3A_882, %get3A_886 : vector<16xf32>
      %mul3A_888 = arith.constant 2.66666675 : f32
      %mul3A_889 = vector.broadcast %mul3A_888 : f32 to vector<16xf32>
      %mul3A_890 = arith.mulf %add3A_887, %mul3A_889 : vector<16xf32>
      %swap3A_891 = arith.index_cast %scan3A_809 : i32 to index
      %swap3A_892 = arith.constant 48 : index
      %swap3A_893 = tpu.vector_load %arg16[%swap3A_891, %swap3A_892] {strides = array<i32>} : memref<256x64xf32, #tpu.memory_space<vmem>>, vector<1x16xf32>,
      %swap3A_894 = vector.shape_cast %swap3A_893 : vector<1x16xf32> to vector<16xf32>
      %swap3A_895 = vector.shape_cast %mul3A_890 : vector<16xf32> to vector<1x16xf32>
      tpu.vector_store %arg16[%swap3A_891, %swap3A_892], %swap3A_895 {strides = array<i32>} : memref<256x64xf32, #tpu.memory_space<vmem>>, vector<1x16xf32>,
    }
    %scan3A_514 = arith.constant 256 : i32
    %mul3A_515 = arith.constant 200 : i32
    %mul3A_516 = arith.muli %add3A, %mul3A_515 : i32
    %add3A_517 = arith.constant 2 : i32
    %add3A_518 = arith.addi %mul3A_516, %add3A_517 : i32
    %mul3A_519 = arith.constant 128 : i32
    %mul3A_520 = arith.muli %add3A_518, %mul3A_519 : i32
    %dma_start3A_521 = arith.constant 0 : i32
    %dma_start3A_522 = tpu.memref_slice %arg6[%mul3A_520, %dma_start3A_521] : memref<819200x64xf32, #tpu.memory_space<hbm>> -> memref<256x64xf32, #tpu.memory_space<hbm>>
    %dma_start3A_523 = arith.constant 0 : i32
    %dma_start3A_524 = tpu.memref_slice %arg6[%mul3A_520, %dma_start3A_523] : memref<819200x64xf32, #tpu.memory_space<hbm>> -> memref<256x64xf32, #tpu.memory_space<hbm>>
    tpu.enqueue_dma source(%arg16 : memref<256x64xf32, #tpu.memory_space<vmem>>) target(%dma_start3A_524 : memref<256x64xf32, #tpu.memory_space<hbm>>) target_semaphore(%arg22 : memref<!tpu.dma_semaphore, #tpu.memory_space<semaphore_mem>>)
    %scan3A_525 = arith.constant 0 : i32
    %scan3A_526 = arith.constant 48 : i32
    %scan3A_527 = arith.addi %scan3A_525, %scan3A_526 : i32
    %scan3A_528 = arith.constant 1 : i32
    scf.for %scan3A_809 = %scan3A_525 to %scan3A_527 step %scan3A_528  : i32 {
      %mul3A_810 = arith.constant 2 : i32
      %mul3A_811 = arith.muli %scan3A_809, %mul3A_810 : i32
      %add3A_812 = arith.constant 2 : i32
      %add3A_813 = arith.addi %add3A_812, %mul3A_811 : i32
      %add3A_814 = arith.constant 0 : i32
      %add3A_815 = arith.addi %add3A_813, %add3A_814 : i32
      %dma_wait3A_816 = arith.constant 0 : i32
      %dma_wait3A_817 = arith.constant 0 : i32
      %dma_wait3A_818 = tpu.memref_slice %arg6[%dma_wait3A_816, %dma_wait3A_817] : memref<819200x64xf32, #tpu.memory_space<hbm>> -> memref<256x64xf32, #tpu.memory_space<hbm>>
      %dma_wait3A_819 = arith.constant 0 : i32
      %dma_wait3A_820 = arith.constant 0 : i32
      %dma_wait3A_821 = tpu.memref_slice %arg6[%dma_wait3A_819, %dma_wait3A_820] : memref<819200x64xf32, #tpu.memory_space<hbm>> -> memref<256x64xf32, #tpu.memory_space<hbm>>
      tpu.wait_dma2 semaphore(%arg22 : memref<!tpu.dma_semaphore, #tpu.memory_space<semaphore_mem>>) src(%arg16 : memref<256x64xf32, #tpu.memory_space<vmem>>) dst(%dma_wait3A_821 : memref<256x64xf32, #tpu.memory_space<hbm>>)
      %dma_wait3A_822 = arith.constant 0 : i32
      %dma_wait3A_823 = arith.constant 0 : i32
      %dma_wait3A_824 = arith.constant 0 : i32
      %dma_wait3A_825 = tpu.memref_slice %arg2[%dma_wait3A_822, %dma_wait3A_823, %dma_wait3A_824] : memref<3x6400x128xi32, #tpu.memory_space<hbm>> -> memref<1x2x128xi32, #tpu.memory_space<hbm>>
      %dma_wait3A_826 = tpu.memref_squeeze %dma_wait3A_825 : memref<1x2x128xi32, #tpu.memory_space<hbm>> -> memref<2x128xi32, #tpu.memory_space<hbm>>
      %dma_wait3A_827 = arith.constant 0 : i32
      %dma_wait3A_828 = arith.constant 0 : i32
      %dma_wait3A_829 = tpu.memref_slice %arg2[%dma_wait3A_822, %dma_wait3A_827, %dma_wait3A_828] : memref<3x6400x128xi32, #tpu.memory_space<hbm>> -> memref<1x2x128xi32, #tpu.memory_space<hbm>>
      %dma_wait3A_830 = tpu.memref_squeeze %dma_wait3A_829 : memref<1x2x128xi32, #tpu.memory_space<hbm>> -> memref<2x128xi32, #tpu.memory_space<hbm>>
      tpu.wait_dma2 semaphore(%arg23 : memref<!tpu.dma_semaphore, #tpu.memory_space<semaphore_mem>>) src(%dma_wait3A_830 : memref<2x128xi32, #tpu.memory_space<hbm>>) dst(%arg10 : memref<2x128xi32, #tpu.memory_space<vmem>>)
      %dma_wait3A_831 = arith.constant 0 : i32
      %dma_wait3A_832 = arith.constant 0 : i32
      %dma_wait3A_833 = arith.constant 0 : i32
      %dma_wait3A_834 = tpu.memref_slice %arg2[%dma_wait3A_831, %dma_wait3A_832, %dma_wait3A_833] : memref<3x6400x128xi32, #tpu.memory_space<hbm>> -> memref<1x2x128xi32, #tpu.memory_space<hbm>>
      %dma_wait3A_835 = tpu.memref_squeeze %dma_wait3A_834 : memref<1x2x128xi32, #tpu.memory_space<hbm>> -> memref<2x128xi32, #tpu.memory_space<hbm>>
      %dma_wait3A_836 = arith.constant 0 : i32
      %dma_wait3A_837 = arith.constant 0 : i32
      %dma_wait3A_838 = tpu.memref_slice %arg2[%dma_wait3A_831, %dma_wait3A_836, %dma_wait3A_837] : memref<3x6400x128xi32, #tpu.memory_space<hbm>> -> memref<1x2x128xi32, #tpu.memory_space<hbm>>
      %dma_wait3A_839 = tpu.memref_squeeze %dma_wait3A_838 : memref<1x2x128xi32, #tpu.memory_space<hbm>> -> memref<2x128xi32, #tpu.memory_space<hbm>>
      tpu.wait_dma2 semaphore(%arg23 : memref<!tpu.dma_semaphore, #tpu.memory_space<semaphore_mem>>) src(%dma_wait3A_839 : memref<2x128xi32, #tpu.memory_space<hbm>>) dst(%arg11 : memref<2x128xi32, #tpu.memory_space<vmem>>)
      %dma_wait3A_840 = arith.constant 0 : i32
      %dma_wait3A_841 = arith.constant 0 : i32
      %dma_wait3A_842 = arith.constant 0 : i32
      %dma_wait3A_843 = tpu.memref_slice %arg2[%dma_wait3A_840, %dma_wait3A_841, %dma_wait3A_842] : memref<3x6400x128xi32, #tpu.memory_space<hbm>> -> memref<1x2x128xi32, #tpu.memory_space<hbm>>
      %dma_wait3A_844 = tpu.memref_squeeze %dma_wait3A_843 : memref<1x2x128xi32, #tpu.memory_space<hbm>> -> memref<2x128xi32, #tpu.memory_space<hbm>>
      %dma_wait3A_845 = arith.constant 0 : i32
      %dma_wait3A_846 = arith.constant 0 : i32
      %dma_wait3A_847 = tpu.memref_slice %arg2[%dma_wait3A_840, %dma_wait3A_845, %dma_wait3A_846] : memref<3x6400x128xi32, #tpu.memory_space<hbm>> -> memref<1x2x128xi32, #tpu.memory_space<hbm>>
      %dma_wait3A_848 = tpu.memref_squeeze %dma_wait3A_847 : memref<1x2x128xi32, #tpu.memory_space<hbm>> -> memref<2x128xi32, #tpu.memory_space<hbm>>
      tpu.wait_dma2 semaphore(%arg23 : memref<!tpu.dma_semaphore, #tpu.memory_space<semaphore_mem>>) src(%dma_wait3A_848 : memref<2x128xi32, #tpu.memory_space<hbm>>) dst(%arg12 : memref<2x128xi32, #tpu.memory_space<vmem>>)
      %dma_start3A_849 = arith.constant 0 : i32
      %dma_start3A_850 = arith.constant 0 : i32
      %dma_start3A_851 = arith.constant 0 : i32
      %dma_start3A_852 = tpu.memref_slice %arg16[%dma_start3A_850, %dma_start3A_851] : memref<256x64xf32, #tpu.memory_space<vmem>> -> memref<128x64xf32, #tpu.memory_space<vmem>>
      %dma_start3A_853 = arith.constant 0 : i32
      %dma_start3A_854 = tpu.memref_slice %arg10[%dma_start3A_849, %dma_start3A_853] : memref<2x128xi32, #tpu.memory_space<vmem>> -> memref<1x128xi32, #tpu.memory_space<vmem>>
      %dma_start3A_855 = tpu.memref_squeeze %dma_start3A_854 : memref<1x128xi32, #tpu.memory_space<vmem>> -> memref<128xi32, #tpu.memory_space<vmem>>
      %dma_start3A_856 = arith.constant 0 : i32
      %dma_start3A_857 = arith.constant 0 : i32
      %dma_start3A_858 = tpu.memref_slice %arg3[%dma_start3A_856, %dma_start3A_857] : memref<100000x64xf32, #tpu.memory_space<hbm>> -> memref<100000x64xf32, #tpu.memory_space<hbm>>
      tpu.enqueue_indirect_dma source(%dma_start3A_858 : memref<100000x64xf32, #tpu.memory_space<hbm>>) target(%dma_start3A_852 : memref<128x64xf32, #tpu.memory_space<vmem>>) offsets(%dma_start3A_855 : memref<128xi32, #tpu.memory_space<vmem>>) semaphore(%arg20 : memref<!tpu.dma_semaphore, #tpu.memory_space<semaphore_mem>>)
      %dma_start3A_859 = arith.constant 1 : i32
      %dma_start3A_860 = arith.constant 128 : i32
      %dma_start3A_861 = arith.constant 0 : i32
      %dma_start3A_862 = tpu.memref_slice %arg16[%dma_start3A_860, %dma_start3A_861] : memref<256x64xf32, #tpu.memory_space<vmem>> -> memref<128x64xf32, #tpu.memory_space<vmem>>
      %dma_start3A_863 = arith.constant 0 : i32
      %dma_start3A_864 = tpu.memref_slice %arg10[%dma_start3A_859, %dma_start3A_863] : memref<2x128xi32, #tpu.memory_space<vmem>> -> memref<1x128xi32, #tpu.memory_space<vmem>>
      %dma_start3A_865 = tpu.memref_squeeze %dma_start3A_864 : memref<1x128xi32, #tpu.memory_space<vmem>> -> memref<128xi32, #tpu.memory_space<vmem>>
      %dma_start3A_866 = arith.constant 0 : i32
      %dma_start3A_867 = arith.constant 0 : i32
      %dma_start3A_868 = tpu.memref_slice %arg3[%dma_start3A_866, %dma_start3A_867] : memref<100000x64xf32, #tpu.memory_space<hbm>> -> memref<100000x64xf32, #tpu.memory_space<hbm>>
      tpu.enqueue_indirect_dma source(%dma_start3A_868 : memref<100000x64xf32, #tpu.memory_space<hbm>>) target(%dma_start3A_862 : memref<128x64xf32, #tpu.memory_space<vmem>>) offsets(%dma_start3A_865 : memref<128xi32, #tpu.memory_space<vmem>>) semaphore(%arg20 : memref<!tpu.dma_semaphore, #tpu.memory_space<semaphore_mem>>)
      %dma_start3A_869 = arith.constant 0 : i32
      %dma_start3A_870 = arith.constant 0 : i32
      %dma_start3A_871 = arith.constant 0 : i32
      %dma_start3A_872 = tpu.memref_slice %arg17[%dma_start3A_870, %dma_start3A_871] : memref<256x64xf32, #tpu.memory_space<vmem>> -> memref<128x64xf32, #tpu.memory_space<vmem>>
      %dma_start3A_873 = arith.constant 0 : i32
      %dma_start3A_874 = tpu.memref_slice %arg11[%dma_start3A_869, %dma_start3A_873] : memref<2x128xi32, #tpu.memory_space<vmem>> -> memref<1x128xi32, #tpu.memory_space<vmem>>
      %dma_start3A_875 = tpu.memref_squeeze %dma_start3A_874 : memref<1x128xi32, #tpu.memory_space<vmem>> -> memref<128xi32, #tpu.memory_space<vmem>>
      %dma_start3A_876 = arith.constant 0 : i32
      %dma_start3A_877 = arith.constant 0 : i32
      %dma_start3A_878 = tpu.memref_slice %arg4[%dma_start3A_876, %dma_start3A_877] : memref<100000x64xf32, #tpu.memory_space<hbm>> -> memref<100000x64xf32, #tpu.memory_space<hbm>>
      tpu.enqueue_indirect_dma source(%dma_start3A_878 : memref<100000x64xf32, #tpu.memory_space<hbm>>) target(%dma_start3A_872 : memref<128x64xf32, #tpu.memory_space<vmem>>) offsets(%dma_start3A_875 : memref<128xi32, #tpu.memory_space<vmem>>) semaphore(%arg20 : memref<!tpu.dma_semaphore, #tpu.memory_space<semaphore_mem>>)
      %dma_start3A_879 = arith.constant 1 : i32
      %dma_start3A_880 = arith.constant 128 : i32
      %dma_start3A_881 = arith.constant 0 : i32
      %dma_start3A_882 = tpu.memref_slice %arg17[%dma_start3A_880, %dma_start3A_881] : memref<256x64xf32, #tpu.memory_space<vmem>> -> memref<128x64xf32, #tpu.memory_space<vmem>>
      %dma_start3A_883 = arith.constant 0 : i32
      %dma_start3A_884 = tpu.memref_slice %arg11[%dma_start3A_879, %dma_start3A_883] : memref<2x128xi32, #tpu.memory_space<vmem>> -> memref<1x128xi32, #tpu.memory_space<vmem>>
      %dma_start3A_885 = tpu.memref_squeeze %dma_start3A_884 : memref<1x128xi32, #tpu.memory_space<vmem>> -> memref<128xi32, #tpu.memory_space<vmem>>
      %dma_start3A_886 = arith.constant 0 : i32
      %dma_start3A_887 = arith.constant 0 : i32
      %dma_start3A_888 = tpu.memref_slice %arg4[%dma_start3A_886, %dma_start3A_887] : memref<100000x64xf32, #tpu.memory_space<hbm>> -> memref<100000x64xf32, #tpu.memory_space<hbm>>
      tpu.enqueue_indirect_dma source(%dma_start3A_888 : memref<100000x64xf32, #tpu.memory_space<hbm>>) target(%dma_start3A_882 : memref<128x64xf32, #tpu.memory_space<vmem>>) offsets(%dma_start3A_885 : memref<128xi32, #tpu.memory_space<vmem>>) semaphore(%arg20 : memref<!tpu.dma_semaphore, #tpu.memory_space<semaphore_mem>>)
      %dma_start3A_889 = arith.constant 0 : i32
      %dma_start3A_890 = arith.constant 0 : i32
      %dma_start3A_891 = arith.constant 0 : i32
      %dma_start3A_892 = tpu.memref_slice %arg18[%dma_start3A_890, %dma_start3A_891] : memref<256x64xf32, #tpu.memory_space<vmem>> -> memref<128x64xf32, #tpu.memory_space<vmem>>
      %dma_start3A_893 = arith.constant 0 : i32
      %dma_start3A_894 = tpu.memref_slice %arg12[%dma_start3A_889, %dma_start3A_893] : memref<2x128xi32, #tpu.memory_space<vmem>> -> memref<1x128xi32, #tpu.memory_space<vmem>>
      %dma_start3A_895 = tpu.memref_squeeze %dma_start3A_894 : memref<1x128xi32, #tpu.memory_space<vmem>> -> memref<128xi32, #tpu.memory_space<vmem>>
      %dma_start3A_896 = arith.constant 0 : i32
      %dma_start3A_897 = arith.constant 0 : i32
      %dma_start3A_898 = tpu.memref_slice %arg5[%dma_start3A_896, %dma_start3A_897] : memref<100000x64xf32, #tpu.memory_space<hbm>> -> memref<100000x64xf32, #tpu.memory_space<hbm>>
      tpu.enqueue_indirect_dma source(%dma_start3A_898 : memref<100000x64xf32, #tpu.memory_space<hbm>>) target(%dma_start3A_892 : memref<128x64xf32, #tpu.memory_space<vmem>>) offsets(%dma_start3A_895 : memref<128xi32, #tpu.memory_space<vmem>>) semaphore(%arg20 : memref<!tpu.dma_semaphore, #tpu.memory_space<semaphore_mem>>)
      %dma_start3A_899 = arith.constant 1 : i32
      %dma_start3A_900 = arith.constant 128 : i32
      %dma_start3A_901 = arith.constant 0 : i32
      %dma_start3A_902 = tpu.memref_slice %arg18[%dma_start3A_900, %dma_start3A_901] : memref<256x64xf32, #tpu.memory_space<vmem>> -> memref<128x64xf32, #tpu.memory_space<vmem>>
      %dma_start3A_903 = arith.constant 0 : i32
      %dma_start3A_904 = tpu.memref_slice %arg12[%dma_start3A_899, %dma_start3A_903] : memref<2x128xi32, #tpu.memory_space<vmem>> -> memref<1x128xi32, #tpu.memory_space<vmem>>
      %dma_start3A_905 = tpu.memref_squeeze %dma_start3A_904 : memref<1x128xi32, #tpu.memory_space<vmem>> -> memref<128xi32, #tpu.memory_space<vmem>>
      %dma_start3A_906 = arith.constant 0 : i32
      %dma_start3A_907 = arith.constant 0 : i32
      %dma_start3A_908 = tpu.memref_slice %arg5[%dma_start3A_906, %dma_start3A_907] : memref<100000x64xf32, #tpu.memory_space<hbm>> -> memref<100000x64xf32, #tpu.memory_space<hbm>>
      tpu.enqueue_indirect_dma source(%dma_start3A_908 : memref<100000x64xf32, #tpu.memory_space<hbm>>) target(%dma_start3A_902 : memref<128x64xf32, #tpu.memory_space<vmem>>) offsets(%dma_start3A_905 : memref<128xi32, #tpu.memory_space<vmem>>) semaphore(%arg20 : memref<!tpu.dma_semaphore, #tpu.memory_space<semaphore_mem>>)
      %dma_wait3A_909 = arith.constant 0 : i32
      %dma_wait3A_910 = arith.constant 0 : i32
      %dma_wait3A_911 = tpu.memref_slice %arg13[%dma_wait3A_909, %dma_wait3A_910] : memref<256x64xf32, #tpu.memory_space<vmem>> -> memref<128x64xf32, #tpu.memory_space<vmem>>
      %dma_wait3A_912 = arith.constant 0 : i32
      %dma_wait3A_913 = arith.constant 0 : i32
      %dma_wait3A_914 = tpu.memref_slice %arg3[%dma_wait3A_912, %dma_wait3A_913] : memref<100000x64xf32, #tpu.memory_space<hbm>> -> memref<128x64xf32, #tpu.memory_space<hbm>>
      %dma_wait3A_915 = arith.constant 0 : i32
      %dma_wait3A_916 = arith.constant 0 : i32
      %dma_wait3A_917 = tpu.memref_slice %arg13[%dma_wait3A_915, %dma_wait3A_916] : memref<256x64xf32, #tpu.memory_space<vmem>> -> memref<128x64xf32, #tpu.memory_space<vmem>>
      %dma_wait3A_918 = arith.constant 0 : i32
      %dma_wait3A_919 = arith.constant 0 : i32
      %dma_wait3A_920 = tpu.memref_slice %arg3[%dma_wait3A_918, %dma_wait3A_919] : memref<100000x64xf32, #tpu.memory_space<hbm>> -> memref<128x64xf32, #tpu.memory_space<hbm>>
      tpu.wait_dma2 semaphore(%arg19 : memref<!tpu.dma_semaphore, #tpu.memory_space<semaphore_mem>>) src(%dma_wait3A_920 : memref<128x64xf32, #tpu.memory_space<hbm>>) dst(%dma_wait3A_917 : memref<128x64xf32, #tpu.memory_space<vmem>>)
      %dma_wait3A_921 = arith.constant 128 : i32
      %dma_wait3A_922 = arith.constant 0 : i32
      %dma_wait3A_923 = tpu.memref_slice %arg13[%dma_wait3A_921, %dma_wait3A_922] : memref<256x64xf32, #tpu.memory_space<vmem>> -> memref<128x64xf32, #tpu.memory_space<vmem>>
      %dma_wait3A_924 = arith.constant 0 : i32
      %dma_wait3A_925 = arith.constant 0 : i32
      %dma_wait3A_926 = tpu.memref_slice %arg3[%dma_wait3A_924, %dma_wait3A_925] : memref<100000x64xf32, #tpu.memory_space<hbm>> -> memref<128x64xf32, #tpu.memory_space<hbm>>
      %dma_wait3A_927 = arith.constant 128 : i32
      %dma_wait3A_928 = arith.constant 0 : i32
      %dma_wait3A_929 = tpu.memref_slice %arg13[%dma_wait3A_927, %dma_wait3A_928] : memref<256x64xf32, #tpu.memory_space<vmem>> -> memref<128x64xf32, #tpu.memory_space<vmem>>
      %dma_wait3A_930 = arith.constant 0 : i32
      %dma_wait3A_931 = arith.constant 0 : i32
      %dma_wait3A_932 = tpu.memref_slice %arg3[%dma_wait3A_930, %dma_wait3A_931] : memref<100000x64xf32, #tpu.memory_space<hbm>> -> memref<128x64xf32, #tpu.memory_space<hbm>>
      tpu.wait_dma2 semaphore(%arg19 : memref<!tpu.dma_semaphore, #tpu.memory_space<semaphore_mem>>) src(%dma_wait3A_932 : memref<128x64xf32, #tpu.memory_space<hbm>>) dst(%dma_wait3A_929 : memref<128x64xf32, #tpu.memory_space<vmem>>)
      %dma_wait3A_933 = arith.constant 0 : i32
      %dma_wait3A_934 = arith.constant 0 : i32
      %dma_wait3A_935 = tpu.memref_slice %arg14[%dma_wait3A_933, %dma_wait3A_934] : memref<256x64xf32, #tpu.memory_space<vmem>> -> memref<128x64xf32, #tpu.memory_space<vmem>>
      %dma_wait3A_936 = arith.constant 0 : i32
      %dma_wait3A_937 = arith.constant 0 : i32
      %dma_wait3A_938 = tpu.memref_slice %arg4[%dma_wait3A_936, %dma_wait3A_937] : memref<100000x64xf32, #tpu.memory_space<hbm>> -> memref<128x64xf32, #tpu.memory_space<hbm>>
      %dma_wait3A_939 = arith.constant 0 : i32
      %dma_wait3A_940 = arith.constant 0 : i32
      %dma_wait3A_941 = tpu.memref_slice %arg14[%dma_wait3A_939, %dma_wait3A_940] : memref<256x64xf32, #tpu.memory_space<vmem>> -> memref<128x64xf32, #tpu.memory_space<vmem>>
      %dma_wait3A_942 = arith.constant 0 : i32
      %dma_wait3A_943 = arith.constant 0 : i32
      %dma_wait3A_944 = tpu.memref_slice %arg4[%dma_wait3A_942, %dma_wait3A_943] : memref<100000x64xf32, #tpu.memory_space<hbm>> -> memref<128x64xf32, #tpu.memory_space<hbm>>
      tpu.wait_dma2 semaphore(%arg19 : memref<!tpu.dma_semaphore, #tpu.memory_space<semaphore_mem>>) src(%dma_wait3A_944 : memref<128x64xf32, #tpu.memory_space<hbm>>) dst(%dma_wait3A_941 : memref<128x64xf32, #tpu.memory_space<vmem>>)
      %dma_wait3A_945 = arith.constant 128 : i32
      %dma_wait3A_946 = arith.constant 0 : i32
      %dma_wait3A_947 = tpu.memref_slice %arg14[%dma_wait3A_945, %dma_wait3A_946] : memref<256x64xf32, #tpu.memory_space<vmem>> -> memref<128x64xf32, #tpu.memory_space<vmem>>
      %dma_wait3A_948 = arith.constant 0 : i32
      %dma_wait3A_949 = arith.constant 0 : i32
      %dma_wait3A_950 = tpu.memref_slice %arg4[%dma_wait3A_948, %dma_wait3A_949] : memref<100000x64xf32, #tpu.memory_space<hbm>> -> memref<128x64xf32, #tpu.memory_space<hbm>>
      %dma_wait3A_951 = arith.constant 128 : i32
      %dma_wait3A_952 = arith.constant 0 : i32
      %dma_wait3A_953 = tpu.memref_slice %arg14[%dma_wait3A_951, %dma_wait3A_952] : memref<256x64xf32, #tpu.memory_space<vmem>> -> memref<128x64xf32, #tpu.memory_space<vmem>>
      %dma_wait3A_954 = arith.constant 0 : i32
      %dma_wait3A_955 = arith.constant 0 : i32
      %dma_wait3A_956 = tpu.memref_slice %arg4[%dma_wait3A_954, %dma_wait3A_955] : memref<100000x64xf32, #tpu.memory_space<hbm>> -> memref<128x64xf32, #tpu.memory_space<hbm>>
      tpu.wait_dma2 semaphore(%arg19 : memref<!tpu.dma_semaphore, #tpu.memory_space<semaphore_mem>>) src(%dma_wait3A_956 : memref<128x64xf32, #tpu.memory_space<hbm>>) dst(%dma_wait3A_953 : memref<128x64xf32, #tpu.memory_space<vmem>>)
      %dma_wait3A_957 = arith.constant 0 : i32
      %dma_wait3A_958 = arith.constant 0 : i32
      %dma_wait3A_959 = tpu.memref_slice %arg15[%dma_wait3A_957, %dma_wait3A_958] : memref<256x64xf32, #tpu.memory_space<vmem>> -> memref<128x64xf32, #tpu.memory_space<vmem>>
      %dma_wait3A_960 = arith.constant 0 : i32
      %dma_wait3A_961 = arith.constant 0 : i32
      %dma_wait3A_962 = tpu.memref_slice %arg5[%dma_wait3A_960, %dma_wait3A_961] : memref<100000x64xf32, #tpu.memory_space<hbm>> -> memref<128x64xf32, #tpu.memory_space<hbm>>
      %dma_wait3A_963 = arith.constant 0 : i32
      %dma_wait3A_964 = arith.constant 0 : i32
      %dma_wait3A_965 = tpu.memref_slice %arg15[%dma_wait3A_963, %dma_wait3A_964] : memref<256x64xf32, #tpu.memory_space<vmem>> -> memref<128x64xf32, #tpu.memory_space<vmem>>
      %dma_wait3A_966 = arith.constant 0 : i32
      %dma_wait3A_967 = arith.constant 0 : i32
      %dma_wait3A_968 = tpu.memref_slice %arg5[%dma_wait3A_966, %dma_wait3A_967] : memref<100000x64xf32, #tpu.memory_space<hbm>> -> memref<128x64xf32, #tpu.memory_space<hbm>>
      tpu.wait_dma2 semaphore(%arg19 : memref<!tpu.dma_semaphore, #tpu.memory_space<semaphore_mem>>) src(%dma_wait3A_968 : memref<128x64xf32, #tpu.memory_space<hbm>>) dst(%dma_wait3A_965 : memref<128x64xf32, #tpu.memory_space<vmem>>)
      %dma_wait3A_969 = arith.constant 128 : i32
      %dma_wait3A_970 = arith.constant 0 : i32
      %dma_wait3A_971 = tpu.memref_slice %arg15[%dma_wait3A_969, %dma_wait3A_970] : memref<256x64xf32, #tpu.memory_space<vmem>> -> memref<128x64xf32, #tpu.memory_space<vmem>>
      %dma_wait3A_972 = arith.constant 0 : i32
      %dma_wait3A_973 = arith.constant 0 : i32
      %dma_wait3A_974 = tpu.memref_slice %arg5[%dma_wait3A_972, %dma_wait3A_973] : memref<100000x64xf32, #tpu.memory_space<hbm>> -> memref<128x64xf32, #tpu.memory_space<hbm>>
      %dma_wait3A_975 = arith.constant 128 : i32
      %dma_wait3A_976 = arith.constant 0 : i32
      %dma_wait3A_977 = tpu.memref_slice %arg15[%dma_wait3A_975, %dma_wait3A_976] : memref<256x64xf32, #tpu.memory_space<vmem>> -> memref<128x64xf32, #tpu.memory_space<vmem>>
      %dma_wait3A_978 = arith.constant 0 : i32
      %dma_wait3A_979 = arith.constant 0 : i32
      %dma_wait3A_980 = tpu.memref_slice %arg5[%dma_wait3A_978, %dma_wait3A_979] : memref<100000x64xf32, #tpu.memory_space<hbm>> -> memref<128x64xf32, #tpu.memory_space<hbm>>
      tpu.wait_dma2 semaphore(%arg19 : memref<!tpu.dma_semaphore, #tpu.memory_space<semaphore_mem>>) src(%dma_wait3A_980 : memref<128x64xf32, #tpu.memory_space<hbm>>) dst(%dma_wait3A_977 : memref<128x64xf32, #tpu.memory_space<vmem>>)
      %add3A_981 = arith.constant 2 : i32
      %add3A_982 = arith.addi %add3A_815, %add3A_981 : i32
      %mul3A_983 = arith.constant 200 : i32
      %mul3A_984 = arith.muli %add3A, %mul3A_983 : i32
      %mul3A_985 = arith.constant 2 : i32
      %mul3A_986 = arith.muli %add3A_982, %mul3A_985 : i32
      %add3A_987 = arith.addi %mul3A_984, %mul3A_986 : i32
      %dma_start3A_988 = arith.constant 0 : i32
      %dma_start3A_989 = arith.constant 0 : i32
      %dma_start3A_990 = tpu.memref_slice %arg2[%dma_start3A_988, %add3A_987, %dma_start3A_989] : memref<3x6400x128xi32, #tpu.memory_space<hbm>> -> memref<1x2x128xi32, #tpu.memory_space<hbm>>
      %dma_start3A_991 = tpu.memref_squeeze %dma_start3A_990 : memref<1x2x128xi32, #tpu.memory_space<hbm>> -> memref<2x128xi32, #tpu.memory_space<hbm>>
      %dma_start3A_992 = arith.constant 0 : i32
      %dma_start3A_993 = tpu.memref_slice %arg2[%dma_start3A_988, %add3A_987, %dma_start3A_992] : memref<3x6400x128xi32, #tpu.memory_space<hbm>> -> memref<1x2x128xi32, #tpu.memory_space<hbm>>
      %dma_start3A_994 = tpu.memref_squeeze %dma_start3A_993 : memref<1x2x128xi32, #tpu.memory_space<hbm>> -> memref<2x128xi32, #tpu.memory_space<hbm>>
      tpu.enqueue_dma source(%dma_start3A_994 : memref<2x128xi32, #tpu.memory_space<hbm>>) target(%arg7 : memref<2x128xi32, #tpu.memory_space<vmem>>) target_semaphore(%arg23 : memref<!tpu.dma_semaphore, #tpu.memory_space<semaphore_mem>>)
      %mul3A_995 = arith.constant 200 : i32
      %mul3A_996 = arith.muli %add3A, %mul3A_995 : i32
      %mul3A_997 = arith.constant 2 : i32
      %mul3A_998 = arith.muli %add3A_982, %mul3A_997 : i32
      %add3A_999 = arith.addi %mul3A_996, %mul3A_998 : i32
      %dma_start3A_1000 = arith.constant 1 : i32
      %dma_start3A_1001 = arith.constant 0 : i32
      %dma_start3A_1002 = tpu.memref_slice %arg2[%dma_start3A_1000, %add3A_999, %dma_start3A_1001] : memref<3x6400x128xi32, #tpu.memory_space<hbm>> -> memref<1x2x128xi32, #tpu.memory_space<hbm>>
      %dma_start3A_1003 = tpu.memref_squeeze %dma_start3A_1002 : memref<1x2x128xi32, #tpu.memory_space<hbm>> -> memref<2x128xi32, #tpu.memory_space<hbm>>
      %dma_start3A_1004 = arith.constant 0 : i32
      %dma_start3A_1005 = tpu.memref_slice %arg2[%dma_start3A_1000, %add3A_999, %dma_start3A_1004] : memref<3x6400x128xi32, #tpu.memory_space<hbm>> -> memref<1x2x128xi32, #tpu.memory_space<hbm>>
      %dma_start3A_1006 = tpu.memref_squeeze %dma_start3A_1005 : memref<1x2x128xi32, #tpu.memory_space<hbm>> -> memref<2x128xi32, #tpu.memory_space<hbm>>
      tpu.enqueue_dma source(%dma_start3A_1006 : memref<2x128xi32, #tpu.memory_space<hbm>>) target(%arg8 : memref<2x128xi32, #tpu.memory_space<vmem>>) target_semaphore(%arg23 : memref<!tpu.dma_semaphore, #tpu.memory_space<semaphore_mem>>)
      %mul3A_1007 = arith.constant 200 : i32
      %mul3A_1008 = arith.muli %add3A, %mul3A_1007 : i32
      %mul3A_1009 = arith.constant 2 : i32
      %mul3A_1010 = arith.muli %add3A_982, %mul3A_1009 : i32
      %add3A_1011 = arith.addi %mul3A_1008, %mul3A_1010 : i32
      %dma_start3A_1012 = arith.constant 2 : i32
      %dma_start3A_1013 = arith.constant 0 : i32
      %dma_start3A_1014 = tpu.memref_slice %arg2[%dma_start3A_1012, %add3A_1011, %dma_start3A_1013] : memref<3x6400x128xi32, #tpu.memory_space<hbm>> -> memref<1x2x128xi32, #tpu.memory_space<hbm>>
      %dma_start3A_1015 = tpu.memref_squeeze %dma_start3A_1014 : memref<1x2x128xi32, #tpu.memory_space<hbm>> -> memref<2x128xi32, #tpu.memory_space<hbm>>
      %dma_start3A_1016 = arith.constant 0 : i32
      %dma_start3A_1017 = tpu.memref_slice %arg2[%dma_start3A_1012, %add3A_1011, %dma_start3A_1016] : memref<3x6400x128xi32, #tpu.memory_space<hbm>> -> memref<1x2x128xi32, #tpu.memory_space<hbm>>
      %dma_start3A_1018 = tpu.memref_squeeze %dma_start3A_1017 : memref<1x2x128xi32, #tpu.memory_space<hbm>> -> memref<2x128xi32, #tpu.memory_space<hbm>>
      tpu.enqueue_dma source(%dma_start3A_1018 : memref<2x128xi32, #tpu.memory_space<hbm>>) target(%arg9 : memref<2x128xi32, #tpu.memory_space<vmem>>) target_semaphore(%arg23 : memref<!tpu.dma_semaphore, #tpu.memory_space<semaphore_mem>>)
      %scan3A_1019 = arith.constant 0 : i32
      %scan3A_1020 = arith.constant 256 : i32
      %scan3A_1021 = arith.addi %scan3A_1019, %scan3A_1020 : i32
      %scan3A_1022 = arith.constant 1 : i32
      scf.for %scan3A_1256 = %scan3A_1019 to %scan3A_1021 step %scan3A_1022  : i32 {
        %get3A = arith.index_cast %scan3A_1256 : i32 to index
        %get3A_1257 = arith.constant 0 : index
        %get3A_1258 = tpu.vector_load %arg13[%get3A, %get3A_1257] {strides = array<i32>} : memref<256x64xf32, #tpu.memory_space<vmem>>, vector<1x16xf32>,
        %get3A_1259 = vector.shape_cast %get3A_1258 : vector<1x16xf32> to vector<16xf32>
        %get3A_1260 = arith.index_cast %scan3A_1256 : i32 to index
        %get3A_1261 = arith.constant 0 : index
        %get3A_1262 = tpu.vector_load %arg14[%get3A_1260, %get3A_1261] {strides = array<i32>} : memref<256x64xf32, #tpu.memory_space<vmem>>, vector<1x16xf32>,
        %get3A_1263 = vector.shape_cast %get3A_1262 : vector<1x16xf32> to vector<16xf32>
        %add3A_1264 = arith.addf %get3A_1259, %get3A_1263 : vector<16xf32>
        %get3A_1265 = arith.index_cast %scan3A_1256 : i32 to index
        %get3A_1266 = arith.constant 0 : index
        %get3A_1267 = tpu.vector_load %arg15[%get3A_1265, %get3A_1266] {strides = array<i32>} : memref<256x64xf32, #tpu.memory_space<vmem>>, vector<1x16xf32>,
        %get3A_1268 = vector.shape_cast %get3A_1267 : vector<1x16xf32> to vector<16xf32>
        %add3A_1269 = arith.addf %add3A_1264, %get3A_1268 : vector<16xf32>
        %mul3A_1270 = arith.constant 2.66666675 : f32
        %mul3A_1271 = vector.broadcast %mul3A_1270 : f32 to vector<16xf32>
        %mul3A_1272 = arith.mulf %add3A_1269, %mul3A_1271 : vector<16xf32>
        %swap3A = arith.index_cast %scan3A_1256 : i32 to index
        %swap3A_1273 = arith.constant 0 : index
        %swap3A_1274 = tpu.vector_load %arg13[%swap3A, %swap3A_1273] {strides = array<i32>} : memref<256x64xf32, #tpu.memory_space<vmem>>, vector<1x16xf32>,
        %swap3A_1275 = vector.shape_cast %swap3A_1274 : vector<1x16xf32> to vector<16xf32>
        %swap3A_1276 = vector.shape_cast %mul3A_1272 : vector<16xf32> to vector<1x16xf32>
        tpu.vector_store %arg13[%swap3A, %swap3A_1273], %swap3A_1276 {strides = array<i32>} : memref<256x64xf32, #tpu.memory_space<vmem>>, vector<1x16xf32>,
        %get3A_1277 = arith.index_cast %scan3A_1256 : i32 to index
        %get3A_1278 = arith.constant 16 : index
        %get3A_1279 = tpu.vector_load %arg13[%get3A_1277, %get3A_1278] {strides = array<i32>} : memref<256x64xf32, #tpu.memory_space<vmem>>, vector<1x16xf32>,
        %get3A_1280 = vector.shape_cast %get3A_1279 : vector<1x16xf32> to vector<16xf32>
        %get3A_1281 = arith.index_cast %scan3A_1256 : i32 to index
        %get3A_1282 = arith.constant 16 : index
        %get3A_1283 = tpu.vector_load %arg14[%get3A_1281, %get3A_1282] {strides = array<i32>} : memref<256x64xf32, #tpu.memory_space<vmem>>, vector<1x16xf32>,
        %get3A_1284 = vector.shape_cast %get3A_1283 : vector<1x16xf32> to vector<16xf32>
        %add3A_1285 = arith.addf %get3A_1280, %get3A_1284 : vector<16xf32>
        %get3A_1286 = arith.index_cast %scan3A_1256 : i32 to index
        %get3A_1287 = arith.constant 16 : index
        %get3A_1288 = tpu.vector_load %arg15[%get3A_1286, %get3A_1287] {strides = array<i32>} : memref<256x64xf32, #tpu.memory_space<vmem>>, vector<1x16xf32>,
        %get3A_1289 = vector.shape_cast %get3A_1288 : vector<1x16xf32> to vector<16xf32>
        %add3A_1290 = arith.addf %add3A_1285, %get3A_1289 : vector<16xf32>
        %mul3A_1291 = arith.constant 2.66666675 : f32
        %mul3A_1292 = vector.broadcast %mul3A_1291 : f32 to vector<16xf32>
        %mul3A_1293 = arith.mulf %add3A_1290, %mul3A_1292 : vector<16xf32>
        %swap3A_1294 = arith.index_cast %scan3A_1256 : i32 to index
        %swap3A_1295 = arith.constant 16 : index
        %swap3A_1296 = tpu.vector_load %arg13[%swap3A_1294, %swap3A_1295] {strides = array<i32>} : memref<256x64xf32, #tpu.memory_space<vmem>>, vector<1x16xf32>,
        %swap3A_1297 = vector.shape_cast %swap3A_1296 : vector<1x16xf32> to vector<16xf32>
        %swap3A_1298 = vector.shape_cast %mul3A_1293 : vector<16xf32> to vector<1x16xf32>
        tpu.vector_store %arg13[%swap3A_1294, %swap3A_1295], %swap3A_1298 {strides = array<i32>} : memref<256x64xf32, #tpu.memory_space<vmem>>, vector<1x16xf32>,
        %get3A_1299 = arith.index_cast %scan3A_1256 : i32 to index
        %get3A_1300 = arith.constant 32 : index
        %get3A_1301 = tpu.vector_load %arg13[%get3A_1299, %get3A_1300] {strides = array<i32>} : memref<256x64xf32, #tpu.memory_space<vmem>>, vector<1x16xf32>,
        %get3A_1302 = vector.shape_cast %get3A_1301 : vector<1x16xf32> to vector<16xf32>
        %get3A_1303 = arith.index_cast %scan3A_1256 : i32 to index
        %get3A_1304 = arith.constant 32 : index
        %get3A_1305 = tpu.vector_load %arg14[%get3A_1303, %get3A_1304] {strides = array<i32>} : memref<256x64xf32, #tpu.memory_space<vmem>>, vector<1x16xf32>,
        %get3A_1306 = vector.shape_cast %get3A_1305 : vector<1x16xf32> to vector<16xf32>
        %add3A_1307 = arith.addf %get3A_1302, %get3A_1306 : vector<16xf32>
        %get3A_1308 = arith.index_cast %scan3A_1256 : i32 to index
        %get3A_1309 = arith.constant 32 : index
        %get3A_1310 = tpu.vector_load %arg15[%get3A_1308, %get3A_1309] {strides = array<i32>} : memref<256x64xf32, #tpu.memory_space<vmem>>, vector<1x16xf32>,
        %get3A_1311 = vector.shape_cast %get3A_1310 : vector<1x16xf32> to vector<16xf32>
        %add3A_1312 = arith.addf %add3A_1307, %get3A_1311 : vector<16xf32>
        %mul3A_1313 = arith.constant 2.66666675 : f32
        %mul3A_1314 = vector.broadcast %mul3A_1313 : f32 to vector<16xf32>
        %mul3A_1315 = arith.mulf %add3A_1312, %mul3A_1314 : vector<16xf32>
        %swap3A_1316 = arith.index_cast %scan3A_1256 : i32 to index
        %swap3A_1317 = arith.constant 32 : index
        %swap3A_1318 = tpu.vector_load %arg13[%swap3A_1316, %swap3A_1317] {strides = array<i32>} : memref<256x64xf32, #tpu.memory_space<vmem>>, vector<1x16xf32>,
        %swap3A_1319 = vector.shape_cast %swap3A_1318 : vector<1x16xf32> to vector<16xf32>
        %swap3A_1320 = vector.shape_cast %mul3A_1315 : vector<16xf32> to vector<1x16xf32>
        tpu.vector_store %arg13[%swap3A_1316, %swap3A_1317], %swap3A_1320 {strides = array<i32>} : memref<256x64xf32, #tpu.memory_space<vmem>>, vector<1x16xf32>,
        %get3A_1321 = arith.index_cast %scan3A_1256 : i32 to index
        %get3A_1322 = arith.constant 48 : index
        %get3A_1323 = tpu.vector_load %arg13[%get3A_1321, %get3A_1322] {strides = array<i32>} : memref<256x64xf32, #tpu.memory_space<vmem>>, vector<1x16xf32>,
        %get3A_1324 = vector.shape_cast %get3A_1323 : vector<1x16xf32> to vector<16xf32>
        %get3A_1325 = arith.index_cast %scan3A_1256 : i32 to index
        %get3A_1326 = arith.constant 48 : index
        %get3A_1327 = tpu.vector_load %arg14[%get3A_1325, %get3A_1326] {strides = array<i32>} : memref<256x64xf32, #tpu.memory_space<vmem>>, vector<1x16xf32>,
        %get3A_1328 = vector.shape_cast %get3A_1327 : vector<1x16xf32> to vector<16xf32>
        %add3A_1329 = arith.addf %get3A_1324, %get3A_1328 : vector<16xf32>
        %get3A_1330 = arith.index_cast %scan3A_1256 : i32 to index
        %get3A_1331 = arith.constant 48 : index
        %get3A_1332 = tpu.vector_load %arg15[%get3A_1330, %get3A_1331] {strides = array<i32>} : memref<256x64xf32, #tpu.memory_space<vmem>>, vector<1x16xf32>,
        %get3A_1333 = vector.shape_cast %get3A_1332 : vector<1x16xf32> to vector<16xf32>
        %add3A_1334 = arith.addf %add3A_1329, %get3A_1333 : vector<16xf32>
        %mul3A_1335 = arith.constant 2.66666675 : f32
        %mul3A_1336 = vector.broadcast %mul3A_1335 : f32 to vector<16xf32>
        %mul3A_1337 = arith.mulf %add3A_1334, %mul3A_1336 : vector<16xf32>
        %swap3A_1338 = arith.index_cast %scan3A_1256 : i32 to index
        %swap3A_1339 = arith.constant 48 : index
        %swap3A_1340 = tpu.vector_load %arg13[%swap3A_1338, %swap3A_1339] {strides = array<i32>} : memref<256x64xf32, #tpu.memory_space<vmem>>, vector<1x16xf32>,
        %swap3A_1341 = vector.shape_cast %swap3A_1340 : vector<1x16xf32> to vector<16xf32>
        %swap3A_1342 = vector.shape_cast %mul3A_1337 : vector<16xf32> to vector<1x16xf32>
        tpu.vector_store %arg13[%swap3A_1338, %swap3A_1339], %swap3A_1342 {strides = array<i32>} : memref<256x64xf32, #tpu.memory_space<vmem>>, vector<1x16xf32>,
      }
      %scan3A_1023 = arith.constant 256 : i32
      %mul3A_1024 = arith.constant 200 : i32
      %mul3A_1025 = arith.muli %add3A, %mul3A_1024 : i32
      %mul3A_1026 = arith.constant 2 : i32
      %mul3A_1027 = arith.muli %add3A_815, %mul3A_1026 : i32
      %add3A_1028 = arith.addi %mul3A_1025, %mul3A_1027 : i32
      %mul3A_1029 = arith.constant 128 : i32
      %mul3A_1030 = arith.muli %add3A_1028, %mul3A_1029 : i32
      %dma_start3A_1031 = arith.constant 0 : i32
      %dma_start3A_1032 = tpu.memref_slice %arg6[%mul3A_1030, %dma_start3A_1031] : memref<819200x64xf32, #tpu.memory_space<hbm>> -> memref<256x64xf32, #tpu.memory_space<hbm>>
      %dma_start3A_1033 = arith.constant 0 : i32
      %dma_start3A_1034 = tpu.memref_slice %arg6[%mul3A_1030, %dma_start3A_1033] : memref<819200x64xf32, #tpu.memory_space<hbm>> -> memref<256x64xf32, #tpu.memory_space<hbm>>
      tpu.enqueue_dma source(%arg13 : memref<256x64xf32, #tpu.memory_space<vmem>>) target(%dma_start3A_1034 : memref<256x64xf32, #tpu.memory_space<hbm>>) target_semaphore(%arg21 : memref<!tpu.dma_semaphore, #tpu.memory_space<semaphore_mem>>)
      %add3A_1035 = arith.constant 1 : i32
      %add3A_1036 = arith.addi %add3A_813, %add3A_1035 : i32
      %dma_wait3A_1037 = arith.constant 0 : i32
      %dma_wait3A_1038 = arith.constant 0 : i32
      %dma_wait3A_1039 = tpu.memref_slice %arg6[%dma_wait3A_1037, %dma_wait3A_1038] : memref<819200x64xf32, #tpu.memory_space<hbm>> -> memref<256x64xf32, #tpu.memory_space<hbm>>
      %dma_wait3A_1040 = arith.constant 0 : i32
      %dma_wait3A_1041 = arith.constant 0 : i32
      %dma_wait3A_1042 = tpu.memref_slice %arg6[%dma_wait3A_1040, %dma_wait3A_1041] : memref<819200x64xf32, #tpu.memory_space<hbm>> -> memref<256x64xf32, #tpu.memory_space<hbm>>
      tpu.wait_dma2 semaphore(%arg21 : memref<!tpu.dma_semaphore, #tpu.memory_space<semaphore_mem>>) src(%arg13 : memref<256x64xf32, #tpu.memory_space<vmem>>) dst(%dma_wait3A_1042 : memref<256x64xf32, #tpu.memory_space<hbm>>)
      %dma_wait3A_1043 = arith.constant 0 : i32
      %dma_wait3A_1044 = arith.constant 0 : i32
      %dma_wait3A_1045 = arith.constant 0 : i32
      %dma_wait3A_1046 = tpu.memref_slice %arg2[%dma_wait3A_1043, %dma_wait3A_1044, %dma_wait3A_1045] : memref<3x6400x128xi32, #tpu.memory_space<hbm>> -> memref<1x2x128xi32, #tpu.memory_space<hbm>>
      %dma_wait3A_1047 = tpu.memref_squeeze %dma_wait3A_1046 : memref<1x2x128xi32, #tpu.memory_space<hbm>> -> memref<2x128xi32, #tpu.memory_space<hbm>>
      %dma_wait3A_1048 = arith.constant 0 : i32
      %dma_wait3A_1049 = arith.constant 0 : i32
      %dma_wait3A_1050 = tpu.memref_slice %arg2[%dma_wait3A_1043, %dma_wait3A_1048, %dma_wait3A_1049] : memref<3x6400x128xi32, #tpu.memory_space<hbm>> -> memref<1x2x128xi32, #tpu.memory_space<hbm>>
      %dma_wait3A_1051 = tpu.memref_squeeze %dma_wait3A_1050 : memref<1x2x128xi32, #tpu.memory_space<hbm>> -> memref<2x128xi32, #tpu.memory_space<hbm>>
      tpu.wait_dma2 semaphore(%arg23 : memref<!tpu.dma_semaphore, #tpu.memory_space<semaphore_mem>>) src(%dma_wait3A_1051 : memref<2x128xi32, #tpu.memory_space<hbm>>) dst(%arg7 : memref<2x128xi32, #tpu.memory_space<vmem>>)
      %dma_wait3A_1052 = arith.constant 0 : i32
      %dma_wait3A_1053 = arith.constant 0 : i32
      %dma_wait3A_1054 = arith.constant 0 : i32
      %dma_wait3A_1055 = tpu.memref_slice %arg2[%dma_wait3A_1052, %dma_wait3A_1053, %dma_wait3A_1054] : memref<3x6400x128xi32, #tpu.memory_space<hbm>> -> memref<1x2x128xi32, #tpu.memory_space<hbm>>
      %dma_wait3A_1056 = tpu.memref_squeeze %dma_wait3A_1055 : memref<1x2x128xi32, #tpu.memory_space<hbm>> -> memref<2x128xi32, #tpu.memory_space<hbm>>
      %dma_wait3A_1057 = arith.constant 0 : i32
      %dma_wait3A_1058 = arith.constant 0 : i32
      %dma_wait3A_1059 = tpu.memref_slice %arg2[%dma_wait3A_1052, %dma_wait3A_1057, %dma_wait3A_1058] : memref<3x6400x128xi32, #tpu.memory_space<hbm>> -> memref<1x2x128xi32, #tpu.memory_space<hbm>>
      %dma_wait3A_1060 = tpu.memref_squeeze %dma_wait3A_1059 : memref<1x2x128xi32, #tpu.memory_space<hbm>> -> memref<2x128xi32, #tpu.memory_space<hbm>>
      tpu.wait_dma2 semaphore(%arg23 : memref<!tpu.dma_semaphore, #tpu.memory_space<semaphore_mem>>) src(%dma_wait3A_1060 : memref<2x128xi32, #tpu.memory_space<hbm>>) dst(%arg8 : memref<2x128xi32, #tpu.memory_space<vmem>>)
      %dma_wait3A_1061 = arith.constant 0 : i32
      %dma_wait3A_1062 = arith.constant 0 : i32
      %dma_wait3A_1063 = arith.constant 0 : i32
      %dma_wait3A_1064 = tpu.memref_slice %arg2[%dma_wait3A_1061, %dma_wait3A_1062, %dma_wait3A_1063] : memref<3x6400x128xi32, #tpu.memory_space<hbm>> -> memref<1x2x128xi32, #tpu.memory_space<hbm>>
      %dma_wait3A_1065 = tpu.memref_squeeze %dma_wait3A_1064 : memref<1x2x128xi32, #tpu.memory_space<hbm>> -> memref<2x128xi32, #tpu.memory_space<hbm>>
      %dma_wait3A_1066 = arith.constant 0 : i32
      %dma_wait3A_1067 = arith.constant 0 : i32
      %dma_wait3A_1068 = tpu.memref_slice %arg2[%dma_wait3A_1061, %dma_wait3A_1066, %dma_wait3A_1067] : memref<3x6400x128xi32, #tpu.memory_space<hbm>> -> memref<1x2x128xi32, #tpu.memory_space<hbm>>
      %dma_wait3A_1069 = tpu.memref_squeeze %dma_wait3A_1068 : memref<1x2x128xi32, #tpu.memory_space<hbm>> -> memref<2x128xi32, #tpu.memory_space<hbm>>
      tpu.wait_dma2 semaphore(%arg23 : memref<!tpu.dma_semaphore, #tpu.memory_space<semaphore_mem>>) src(%dma_wait3A_1069 : memref<2x128xi32, #tpu.memory_space<hbm>>) dst(%arg9 : memref<2x128xi32, #tpu.memory_space<vmem>>)
      %dma_start3A_1070 = arith.constant 0 : i32
      %dma_start3A_1071 = arith.constant 0 : i32
      %dma_start3A_1072 = arith.constant 0 : i32
      %dma_start3A_1073 = tpu.memref_slice %arg13[%dma_start3A_1071, %dma_start3A_1072] : memref<256x64xf32, #tpu.memory_space<vmem>> -> memref<128x64xf32, #tpu.memory_space<vmem>>
      %dma_start3A_1074 = arith.constant 0 : i32
      %dma_start3A_1075 = tpu.memref_slice %arg7[%dma_start3A_1070, %dma_start3A_1074] : memref<2x128xi32, #tpu.memory_space<vmem>> -> memref<1x128xi32, #tpu.memory_space<vmem>>
      %dma_start3A_1076 = tpu.memref_squeeze %dma_start3A_1075 : memref<1x128xi32, #tpu.memory_space<vmem>> -> memref<128xi32, #tpu.memory_space<vmem>>
      %dma_start3A_1077 = arith.constant 0 : i32
      %dma_start3A_1078 = arith.constant 0 : i32
      %dma_start3A_1079 = tpu.memref_slice %arg3[%dma_start3A_1077, %dma_start3A_1078] : memref<100000x64xf32, #tpu.memory_space<hbm>> -> memref<100000x64xf32, #tpu.memory_space<hbm>>
      tpu.enqueue_indirect_dma source(%dma_start3A_1079 : memref<100000x64xf32, #tpu.memory_space<hbm>>) target(%dma_start3A_1073 : memref<128x64xf32, #tpu.memory_space<vmem>>) offsets(%dma_start3A_1076 : memref<128xi32, #tpu.memory_space<vmem>>) semaphore(%arg19 : memref<!tpu.dma_semaphore, #tpu.memory_space<semaphore_mem>>)
      %dma_start3A_1080 = arith.constant 1 : i32
      %dma_start3A_1081 = arith.constant 128 : i32
      %dma_start3A_1082 = arith.constant 0 : i32
      %dma_start3A_1083 = tpu.memref_slice %arg13[%dma_start3A_1081, %dma_start3A_1082] : memref<256x64xf32, #tpu.memory_space<vmem>> -> memref<128x64xf32, #tpu.memory_space<vmem>>
      %dma_start3A_1084 = arith.constant 0 : i32
      %dma_start3A_1085 = tpu.memref_slice %arg7[%dma_start3A_1080, %dma_start3A_1084] : memref<2x128xi32, #tpu.memory_space<vmem>> -> memref<1x128xi32, #tpu.memory_space<vmem>>
      %dma_start3A_1086 = tpu.memref_squeeze %dma_start3A_1085 : memref<1x128xi32, #tpu.memory_space<vmem>> -> memref<128xi32, #tpu.memory_space<vmem>>
      %dma_start3A_1087 = arith.constant 0 : i32
      %dma_start3A_1088 = arith.constant 0 : i32
      %dma_start3A_1089 = tpu.memref_slice %arg3[%dma_start3A_1087, %dma_start3A_1088] : memref<100000x64xf32, #tpu.memory_space<hbm>> -> memref<100000x64xf32, #tpu.memory_space<hbm>>
      tpu.enqueue_indirect_dma source(%dma_start3A_1089 : memref<100000x64xf32, #tpu.memory_space<hbm>>) target(%dma_start3A_1083 : memref<128x64xf32, #tpu.memory_space<vmem>>) offsets(%dma_start3A_1086 : memref<128xi32, #tpu.memory_space<vmem>>) semaphore(%arg19 : memref<!tpu.dma_semaphore, #tpu.memory_space<semaphore_mem>>)
      %dma_start3A_1090 = arith.constant 0 : i32
      %dma_start3A_1091 = arith.constant 0 : i32
      %dma_start3A_1092 = arith.constant 0 : i32
      %dma_start3A_1093 = tpu.memref_slice %arg14[%dma_start3A_1091, %dma_start3A_1092] : memref<256x64xf32, #tpu.memory_space<vmem>> -> memref<128x64xf32, #tpu.memory_space<vmem>>
      %dma_start3A_1094 = arith.constant 0 : i32
      %dma_start3A_1095 = tpu.memref_slice %arg8[%dma_start3A_1090, %dma_start3A_1094] : memref<2x128xi32, #tpu.memory_space<vmem>> -> memref<1x128xi32, #tpu.memory_space<vmem>>
      %dma_start3A_1096 = tpu.memref_squeeze %dma_start3A_1095 : memref<1x128xi32, #tpu.memory_space<vmem>> -> memref<128xi32, #tpu.memory_space<vmem>>
      %dma_start3A_1097 = arith.constant 0 : i32
      %dma_start3A_1098 = arith.constant 0 : i32
      %dma_start3A_1099 = tpu.memref_slice %arg4[%dma_start3A_1097, %dma_start3A_1098] : memref<100000x64xf32, #tpu.memory_space<hbm>> -> memref<100000x64xf32, #tpu.memory_space<hbm>>
      tpu.enqueue_indirect_dma source(%dma_start3A_1099 : memref<100000x64xf32, #tpu.memory_space<hbm>>) target(%dma_start3A_1093 : memref<128x64xf32, #tpu.memory_space<vmem>>) offsets(%dma_start3A_1096 : memref<128xi32, #tpu.memory_space<vmem>>) semaphore(%arg19 : memref<!tpu.dma_semaphore, #tpu.memory_space<semaphore_mem>>)
      %dma_start3A_1100 = arith.constant 1 : i32
      %dma_start3A_1101 = arith.constant 128 : i32
      %dma_start3A_1102 = arith.constant 0 : i32
      %dma_start3A_1103 = tpu.memref_slice %arg14[%dma_start3A_1101, %dma_start3A_1102] : memref<256x64xf32, #tpu.memory_space<vmem>> -> memref<128x64xf32, #tpu.memory_space<vmem>>
      %dma_start3A_1104 = arith.constant 0 : i32
      %dma_start3A_1105 = tpu.memref_slice %arg8[%dma_start3A_1100, %dma_start3A_1104] : memref<2x128xi32, #tpu.memory_space<vmem>> -> memref<1x128xi32, #tpu.memory_space<vmem>>
      %dma_start3A_1106 = tpu.memref_squeeze %dma_start3A_1105 : memref<1x128xi32, #tpu.memory_space<vmem>> -> memref<128xi32, #tpu.memory_space<vmem>>
      %dma_start3A_1107 = arith.constant 0 : i32
      %dma_start3A_1108 = arith.constant 0 : i32
      %dma_start3A_1109 = tpu.memref_slice %arg4[%dma_start3A_1107, %dma_start3A_1108] : memref<100000x64xf32, #tpu.memory_space<hbm>> -> memref<100000x64xf32, #tpu.memory_space<hbm>>
      tpu.enqueue_indirect_dma source(%dma_start3A_1109 : memref<100000x64xf32, #tpu.memory_space<hbm>>) target(%dma_start3A_1103 : memref<128x64xf32, #tpu.memory_space<vmem>>) offsets(%dma_start3A_1106 : memref<128xi32, #tpu.memory_space<vmem>>) semaphore(%arg19 : memref<!tpu.dma_semaphore, #tpu.memory_space<semaphore_mem>>)
      %dma_start3A_1110 = arith.constant 0 : i32
      %dma_start3A_1111 = arith.constant 0 : i32
      %dma_start3A_1112 = arith.constant 0 : i32
      %dma_start3A_1113 = tpu.memref_slice %arg15[%dma_start3A_1111, %dma_start3A_1112] : memref<256x64xf32, #tpu.memory_space<vmem>> -> memref<128x64xf32, #tpu.memory_space<vmem>>
      %dma_start3A_1114 = arith.constant 0 : i32
      %dma_start3A_1115 = tpu.memref_slice %arg9[%dma_start3A_1110, %dma_start3A_1114] : memref<2x128xi32, #tpu.memory_space<vmem>> -> memref<1x128xi32, #tpu.memory_space<vmem>>
      %dma_start3A_1116 = tpu.memref_squeeze %dma_start3A_1115 : memref<1x128xi32, #tpu.memory_space<vmem>> -> memref<128xi32, #tpu.memory_space<vmem>>
      %dma_start3A_1117 = arith.constant 0 : i32
      %dma_start3A_1118 = arith.constant 0 : i32
      %dma_start3A_1119 = tpu.memref_slice %arg5[%dma_start3A_1117, %dma_start3A_1118] : memref<100000x64xf32, #tpu.memory_space<hbm>> -> memref<100000x64xf32, #tpu.memory_space<hbm>>
      tpu.enqueue_indirect_dma source(%dma_start3A_1119 : memref<100000x64xf32, #tpu.memory_space<hbm>>) target(%dma_start3A_1113 : memref<128x64xf32, #tpu.memory_space<vmem>>) offsets(%dma_start3A_1116 : memref<128xi32, #tpu.memory_space<vmem>>) semaphore(%arg19 : memref<!tpu.dma_semaphore, #tpu.memory_space<semaphore_mem>>)
      %dma_start3A_1120 = arith.constant 1 : i32
      %dma_start3A_1121 = arith.constant 128 : i32
      %dma_start3A_1122 = arith.constant 0 : i32
      %dma_start3A_1123 = tpu.memref_slice %arg15[%dma_start3A_1121, %dma_start3A_1122] : memref<256x64xf32, #tpu.memory_space<vmem>> -> memref<128x64xf32, #tpu.memory_space<vmem>>
      %dma_start3A_1124 = arith.constant 0 : i32
      %dma_start3A_1125 = tpu.memref_slice %arg9[%dma_start3A_1120, %dma_start3A_1124] : memref<2x128xi32, #tpu.memory_space<vmem>> -> memref<1x128xi32, #tpu.memory_space<vmem>>
      %dma_start3A_1126 = tpu.memref_squeeze %dma_start3A_1125 : memref<1x128xi32, #tpu.memory_space<vmem>> -> memref<128xi32, #tpu.memory_space<vmem>>
      %dma_start3A_1127 = arith.constant 0 : i32
      %dma_start3A_1128 = arith.constant 0 : i32
      %dma_start3A_1129 = tpu.memref_slice %arg5[%dma_start3A_1127, %dma_start3A_1128] : memref<100000x64xf32, #tpu.memory_space<hbm>> -> memref<100000x64xf32, #tpu.memory_space<hbm>>
      tpu.enqueue_indirect_dma source(%dma_start3A_1129 : memref<100000x64xf32, #tpu.memory_space<hbm>>) target(%dma_start3A_1123 : memref<128x64xf32, #tpu.memory_space<vmem>>) offsets(%dma_start3A_1126 : memref<128xi32, #tpu.memory_space<vmem>>) semaphore(%arg19 : memref<!tpu.dma_semaphore, #tpu.memory_space<semaphore_mem>>)
      %dma_wait3A_1130 = arith.constant 0 : i32
      %dma_wait3A_1131 = arith.constant 0 : i32
      %dma_wait3A_1132 = tpu.memref_slice %arg16[%dma_wait3A_1130, %dma_wait3A_1131] : memref<256x64xf32, #tpu.memory_space<vmem>> -> memref<128x64xf32, #tpu.memory_space<vmem>>
      %dma_wait3A_1133 = arith.constant 0 : i32
      %dma_wait3A_1134 = arith.constant 0 : i32
      %dma_wait3A_1135 = tpu.memref_slice %arg3[%dma_wait3A_1133, %dma_wait3A_1134] : memref<100000x64xf32, #tpu.memory_space<hbm>> -> memref<128x64xf32, #tpu.memory_space<hbm>>
      %dma_wait3A_1136 = arith.constant 0 : i32
      %dma_wait3A_1137 = arith.constant 0 : i32
      %dma_wait3A_1138 = tpu.memref_slice %arg16[%dma_wait3A_1136, %dma_wait3A_1137] : memref<256x64xf32, #tpu.memory_space<vmem>> -> memref<128x64xf32, #tpu.memory_space<vmem>>
      %dma_wait3A_1139 = arith.constant 0 : i32
      %dma_wait3A_1140 = arith.constant 0 : i32
      %dma_wait3A_1141 = tpu.memref_slice %arg3[%dma_wait3A_1139, %dma_wait3A_1140] : memref<100000x64xf32, #tpu.memory_space<hbm>> -> memref<128x64xf32, #tpu.memory_space<hbm>>
      tpu.wait_dma2 semaphore(%arg20 : memref<!tpu.dma_semaphore, #tpu.memory_space<semaphore_mem>>) src(%dma_wait3A_1141 : memref<128x64xf32, #tpu.memory_space<hbm>>) dst(%dma_wait3A_1138 : memref<128x64xf32, #tpu.memory_space<vmem>>)
      %dma_wait3A_1142 = arith.constant 128 : i32
      %dma_wait3A_1143 = arith.constant 0 : i32
      %dma_wait3A_1144 = tpu.memref_slice %arg16[%dma_wait3A_1142, %dma_wait3A_1143] : memref<256x64xf32, #tpu.memory_space<vmem>> -> memref<128x64xf32, #tpu.memory_space<vmem>>
      %dma_wait3A_1145 = arith.constant 0 : i32
      %dma_wait3A_1146 = arith.constant 0 : i32
      %dma_wait3A_1147 = tpu.memref_slice %arg3[%dma_wait3A_1145, %dma_wait3A_1146] : memref<100000x64xf32, #tpu.memory_space<hbm>> -> memref<128x64xf32, #tpu.memory_space<hbm>>
      %dma_wait3A_1148 = arith.constant 128 : i32
      %dma_wait3A_1149 = arith.constant 0 : i32
      %dma_wait3A_1150 = tpu.memref_slice %arg16[%dma_wait3A_1148, %dma_wait3A_1149] : memref<256x64xf32, #tpu.memory_space<vmem>> -> memref<128x64xf32, #tpu.memory_space<vmem>>
      %dma_wait3A_1151 = arith.constant 0 : i32
      %dma_wait3A_1152 = arith.constant 0 : i32
      %dma_wait3A_1153 = tpu.memref_slice %arg3[%dma_wait3A_1151, %dma_wait3A_1152] : memref<100000x64xf32, #tpu.memory_space<hbm>> -> memref<128x64xf32, #tpu.memory_space<hbm>>
      tpu.wait_dma2 semaphore(%arg20 : memref<!tpu.dma_semaphore, #tpu.memory_space<semaphore_mem>>) src(%dma_wait3A_1153 : memref<128x64xf32, #tpu.memory_space<hbm>>) dst(%dma_wait3A_1150 : memref<128x64xf32, #tpu.memory_space<vmem>>)
      %dma_wait3A_1154 = arith.constant 0 : i32
      %dma_wait3A_1155 = arith.constant 0 : i32
      %dma_wait3A_1156 = tpu.memref_slice %arg17[%dma_wait3A_1154, %dma_wait3A_1155] : memref<256x64xf32, #tpu.memory_space<vmem>> -> memref<128x64xf32, #tpu.memory_space<vmem>>
      %dma_wait3A_1157 = arith.constant 0 : i32
      %dma_wait3A_1158 = arith.constant 0 : i32
      %dma_wait3A_1159 = tpu.memref_slice %arg4[%dma_wait3A_1157, %dma_wait3A_1158] : memref<100000x64xf32, #tpu.memory_space<hbm>> -> memref<128x64xf32, #tpu.memory_space<hbm>>
      %dma_wait3A_1160 = arith.constant 0 : i32
      %dma_wait3A_1161 = arith.constant 0 : i32
      %dma_wait3A_1162 = tpu.memref_slice %arg17[%dma_wait3A_1160, %dma_wait3A_1161] : memref<256x64xf32, #tpu.memory_space<vmem>> -> memref<128x64xf32, #tpu.memory_space<vmem>>
      %dma_wait3A_1163 = arith.constant 0 : i32
      %dma_wait3A_1164 = arith.constant 0 : i32
      %dma_wait3A_1165 = tpu.memref_slice %arg4[%dma_wait3A_1163, %dma_wait3A_1164] : memref<100000x64xf32, #tpu.memory_space<hbm>> -> memref<128x64xf32, #tpu.memory_space<hbm>>
      tpu.wait_dma2 semaphore(%arg20 : memref<!tpu.dma_semaphore, #tpu.memory_space<semaphore_mem>>) src(%dma_wait3A_1165 : memref<128x64xf32, #tpu.memory_space<hbm>>) dst(%dma_wait3A_1162 : memref<128x64xf32, #tpu.memory_space<vmem>>)
      %dma_wait3A_1166 = arith.constant 128 : i32
      %dma_wait3A_1167 = arith.constant 0 : i32
      %dma_wait3A_1168 = tpu.memref_slice %arg17[%dma_wait3A_1166, %dma_wait3A_1167] : memref<256x64xf32, #tpu.memory_space<vmem>> -> memref<128x64xf32, #tpu.memory_space<vmem>>
      %dma_wait3A_1169 = arith.constant 0 : i32
      %dma_wait3A_1170 = arith.constant 0 : i32
      %dma_wait3A_1171 = tpu.memref_slice %arg4[%dma_wait3A_1169, %dma_wait3A_1170] : memref<100000x64xf32, #tpu.memory_space<hbm>> -> memref<128x64xf32, #tpu.memory_space<hbm>>
      %dma_wait3A_1172 = arith.constant 128 : i32
      %dma_wait3A_1173 = arith.constant 0 : i32
      %dma_wait3A_1174 = tpu.memref_slice %arg17[%dma_wait3A_1172, %dma_wait3A_1173] : memref<256x64xf32, #tpu.memory_space<vmem>> -> memref<128x64xf32, #tpu.memory_space<vmem>>
      %dma_wait3A_1175 = arith.constant 0 : i32
      %dma_wait3A_1176 = arith.constant 0 : i32
      %dma_wait3A_1177 = tpu.memref_slice %arg4[%dma_wait3A_1175, %dma_wait3A_1176] : memref<100000x64xf32, #tpu.memory_space<hbm>> -> memref<128x64xf32, #tpu.memory_space<hbm>>
      tpu.wait_dma2 semaphore(%arg20 : memref<!tpu.dma_semaphore, #tpu.memory_space<semaphore_mem>>) src(%dma_wait3A_1177 : memref<128x64xf32, #tpu.memory_space<hbm>>) dst(%dma_wait3A_1174 : memref<128x64xf32, #tpu.memory_space<vmem>>)
      %dma_wait3A_1178 = arith.constant 0 : i32
      %dma_wait3A_1179 = arith.constant 0 : i32
      %dma_wait3A_1180 = tpu.memref_slice %arg18[%dma_wait3A_1178, %dma_wait3A_1179] : memref<256x64xf32, #tpu.memory_space<vmem>> -> memref<128x64xf32, #tpu.memory_space<vmem>>
      %dma_wait3A_1181 = arith.constant 0 : i32
      %dma_wait3A_1182 = arith.constant 0 : i32
      %dma_wait3A_1183 = tpu.memref_slice %arg5[%dma_wait3A_1181, %dma_wait3A_1182] : memref<100000x64xf32, #tpu.memory_space<hbm>> -> memref<128x64xf32, #tpu.memory_space<hbm>>
      %dma_wait3A_1184 = arith.constant 0 : i32
      %dma_wait3A_1185 = arith.constant 0 : i32
      %dma_wait3A_1186 = tpu.memref_slice %arg18[%dma_wait3A_1184, %dma_wait3A_1185] : memref<256x64xf32, #tpu.memory_space<vmem>> -> memref<128x64xf32, #tpu.memory_space<vmem>>
      %dma_wait3A_1187 = arith.constant 0 : i32
      %dma_wait3A_1188 = arith.constant 0 : i32
      %dma_wait3A_1189 = tpu.memref_slice %arg5[%dma_wait3A_1187, %dma_wait3A_1188] : memref<100000x64xf32, #tpu.memory_space<hbm>> -> memref<128x64xf32, #tpu.memory_space<hbm>>
      tpu.wait_dma2 semaphore(%arg20 : memref<!tpu.dma_semaphore, #tpu.memory_space<semaphore_mem>>) src(%dma_wait3A_1189 : memref<128x64xf32, #tpu.memory_space<hbm>>) dst(%dma_wait3A_1186 : memref<128x64xf32, #tpu.memory_space<vmem>>)
      %dma_wait3A_1190 = arith.constant 128 : i32
      %dma_wait3A_1191 = arith.constant 0 : i32
      %dma_wait3A_1192 = tpu.memref_slice %arg18[%dma_wait3A_1190, %dma_wait3A_1191] : memref<256x64xf32, #tpu.memory_space<vmem>> -> memref<128x64xf32, #tpu.memory_space<vmem>>
      %dma_wait3A_1193 = arith.constant 0 : i32
      %dma_wait3A_1194 = arith.constant 0 : i32
      %dma_wait3A_1195 = tpu.memref_slice %arg5[%dma_wait3A_1193, %dma_wait3A_1194] : memref<100000x64xf32, #tpu.memory_space<hbm>> -> memref<128x64xf32, #tpu.memory_space<hbm>>
      %dma_wait3A_1196 = arith.constant 128 : i32
      %dma_wait3A_1197 = arith.constant 0 : i32
      %dma_wait3A_1198 = tpu.memref_slice %arg18[%dma_wait3A_1196, %dma_wait3A_1197] : memref<256x64xf32, #tpu.memory_space<vmem>> -> memref<128x64xf32, #tpu.memory_space<vmem>>
      %dma_wait3A_1199 = arith.constant 0 : i32
      %dma_wait3A_1200 = arith.constant 0 : i32
      %dma_wait3A_1201 = tpu.memref_slice %arg5[%dma_wait3A_1199, %dma_wait3A_1200] : memref<100000x64xf32, #tpu.memory_space<hbm>> -> memref<128x64xf32, #tpu.memory_space<hbm>>
      tpu.wait_dma2 semaphore(%arg20 : memref<!tpu.dma_semaphore, #tpu.memory_space<semaphore_mem>>) src(%dma_wait3A_1201 : memref<128x64xf32, #tpu.memory_space<hbm>>) dst(%dma_wait3A_1198 : memref<128x64xf32, #tpu.memory_space<vmem>>)
      %add3A_1202 = arith.constant 2 : i32
      %add3A_1203 = arith.addi %add3A_1036, %add3A_1202 : i32
      %mul3A_1204 = arith.constant 200 : i32
      %mul3A_1205 = arith.muli %add3A, %mul3A_1204 : i32
      %mul3A_1206 = arith.constant 2 : i32
      %mul3A_1207 = arith.muli %add3A_1203, %mul3A_1206 : i32
      %add3A_1208 = arith.addi %mul3A_1205, %mul3A_1207 : i32
      %dma_start3A_1209 = arith.constant 0 : i32
      %dma_start3A_1210 = arith.constant 0 : i32
      %dma_start3A_1211 = tpu.memref_slice %arg2[%dma_start3A_1209, %add3A_1208, %dma_start3A_1210] : memref<3x6400x128xi32, #tpu.memory_space<hbm>> -> memref<1x2x128xi32, #tpu.memory_space<hbm>>
      %dma_start3A_1212 = tpu.memref_squeeze %dma_start3A_1211 : memref<1x2x128xi32, #tpu.memory_space<hbm>> -> memref<2x128xi32, #tpu.memory_space<hbm>>
      %dma_start3A_1213 = arith.constant 0 : i32
      %dma_start3A_1214 = tpu.memref_slice %arg2[%dma_start3A_1209, %add3A_1208, %dma_start3A_1213] : memref<3x6400x128xi32, #tpu.memory_space<hbm>> -> memref<1x2x128xi32, #tpu.memory_space<hbm>>
      %dma_start3A_1215 = tpu.memref_squeeze %dma_start3A_1214 : memref<1x2x128xi32, #tpu.memory_space<hbm>> -> memref<2x128xi32, #tpu.memory_space<hbm>>
      tpu.enqueue_dma source(%dma_start3A_1215 : memref<2x128xi32, #tpu.memory_space<hbm>>) target(%arg10 : memref<2x128xi32, #tpu.memory_space<vmem>>) target_semaphore(%arg23 : memref<!tpu.dma_semaphore, #tpu.memory_space<semaphore_mem>>)
      %mul3A_1216 = arith.constant 200 : i32
      %mul3A_1217 = arith.muli %add3A, %mul3A_1216 : i32
      %mul3A_1218 = arith.constant 2 : i32
      %mul3A_1219 = arith.muli %add3A_1203, %mul3A_1218 : i32
      %add3A_1220 = arith.addi %mul3A_1217, %mul3A_1219 : i32
      %dma_start3A_1221 = arith.constant 1 : i32
      %dma_start3A_1222 = arith.constant 0 : i32
      %dma_start3A_1223 = tpu.memref_slice %arg2[%dma_start3A_1221, %add3A_1220, %dma_start3A_1222] : memref<3x6400x128xi32, #tpu.memory_space<hbm>> -> memref<1x2x128xi32, #tpu.memory_space<hbm>>
      %dma_start3A_1224 = tpu.memref_squeeze %dma_start3A_1223 : memref<1x2x128xi32, #tpu.memory_space<hbm>> -> memref<2x128xi32, #tpu.memory_space<hbm>>
      %dma_start3A_1225 = arith.constant 0 : i32
      %dma_start3A_1226 = tpu.memref_slice %arg2[%dma_start3A_1221, %add3A_1220, %dma_start3A_1225] : memref<3x6400x128xi32, #tpu.memory_space<hbm>> -> memref<1x2x128xi32, #tpu.memory_space<hbm>>
      %dma_start3A_1227 = tpu.memref_squeeze %dma_start3A_1226 : memref<1x2x128xi32, #tpu.memory_space<hbm>> -> memref<2x128xi32, #tpu.memory_space<hbm>>
      tpu.enqueue_dma source(%dma_start3A_1227 : memref<2x128xi32, #tpu.memory_space<hbm>>) target(%arg11 : memref<2x128xi32, #tpu.memory_space<vmem>>) target_semaphore(%arg23 : memref<!tpu.dma_semaphore, #tpu.memory_space<semaphore_mem>>)
      %mul3A_1228 = arith.constant 200 : i32
      %mul3A_1229 = arith.muli %add3A, %mul3A_1228 : i32
      %mul3A_1230 = arith.constant 2 : i32
      %mul3A_1231 = arith.muli %add3A_1203, %mul3A_1230 : i32
      %add3A_1232 = arith.addi %mul3A_1229, %mul3A_1231 : i32
      %dma_start3A_1233 = arith.constant 2 : i32
      %dma_start3A_1234 = arith.constant 0 : i32
      %dma_start3A_1235 = tpu.memref_slice %arg2[%dma_start3A_1233, %add3A_1232, %dma_start3A_1234] : memref<3x6400x128xi32, #tpu.memory_space<hbm>> -> memref<1x2x128xi32, #tpu.memory_space<hbm>>
      %dma_start3A_1236 = tpu.memref_squeeze %dma_start3A_1235 : memref<1x2x128xi32, #tpu.memory_space<hbm>> -> memref<2x128xi32, #tpu.memory_space<hbm>>
      %dma_start3A_1237 = arith.constant 0 : i32
      %dma_start3A_1238 = tpu.memref_slice %arg2[%dma_start3A_1233, %add3A_1232, %dma_start3A_1237] : memref<3x6400x128xi32, #tpu.memory_space<hbm>> -> memref<1x2x128xi32, #tpu.memory_space<hbm>>
      %dma_start3A_1239 = tpu.memref_squeeze %dma_start3A_1238 : memref<1x2x128xi32, #tpu.memory_space<hbm>> -> memref<2x128xi32, #tpu.memory_space<hbm>>
      tpu.enqueue_dma source(%dma_start3A_1239 : memref<2x128xi32, #tpu.memory_space<hbm>>) target(%arg12 : memref<2x128xi32, #tpu.memory_space<vmem>>) target_semaphore(%arg23 : memref<!tpu.dma_semaphore, #tpu.memory_space<semaphore_mem>>)
      %scan3A_1240 = arith.constant 0 : i32
      %scan3A_1241 = arith.constant 256 : i32
      %scan3A_1242 = arith.addi %scan3A_1240, %scan3A_1241 : i32
      %scan3A_1243 = arith.constant 1 : i32
      scf.for %scan3A_1256 = %scan3A_1240 to %scan3A_1242 step %scan3A_1243  : i32 {
        %get3A = arith.index_cast %scan3A_1256 : i32 to index
        %get3A_1257 = arith.constant 0 : index
        %get3A_1258 = tpu.vector_load %arg16[%get3A, %get3A_1257] {strides = array<i32>} : memref<256x64xf32, #tpu.memory_space<vmem>>, vector<1x16xf32>,
        %get3A_1259 = vector.shape_cast %get3A_1258 : vector<1x16xf32> to vector<16xf32>
        %get3A_1260 = arith.index_cast %scan3A_1256 : i32 to index
        %get3A_1261 = arith.constant 0 : index
        %get3A_1262 = tpu.vector_load %arg17[%get3A_1260, %get3A_1261] {strides = array<i32>} : memref<256x64xf32, #tpu.memory_space<vmem>>, vector<1x16xf32>,
        %get3A_1263 = vector.shape_cast %get3A_1262 : vector<1x16xf32> to vector<16xf32>
        %add3A_1264 = arith.addf %get3A_1259, %get3A_1263 : vector<16xf32>
        %get3A_1265 = arith.index_cast %scan3A_1256 : i32 to index
        %get3A_1266 = arith.constant 0 : index
        %get3A_1267 = tpu.vector_load %arg18[%get3A_1265, %get3A_1266] {strides = array<i32>} : memref<256x64xf32, #tpu.memory_space<vmem>>, vector<1x16xf32>,
        %get3A_1268 = vector.shape_cast %get3A_1267 : vector<1x16xf32> to vector<16xf32>
        %add3A_1269 = arith.addf %add3A_1264, %get3A_1268 : vector<16xf32>
        %mul3A_1270 = arith.constant 2.66666675 : f32
        %mul3A_1271 = vector.broadcast %mul3A_1270 : f32 to vector<16xf32>
        %mul3A_1272 = arith.mulf %add3A_1269, %mul3A_1271 : vector<16xf32>
        %swap3A = arith.index_cast %scan3A_1256 : i32 to index
        %swap3A_1273 = arith.constant 0 : index
        %swap3A_1274 = tpu.vector_load %arg16[%swap3A, %swap3A_1273] {strides = array<i32>} : memref<256x64xf32, #tpu.memory_space<vmem>>, vector<1x16xf32>,
        %swap3A_1275 = vector.shape_cast %swap3A_1274 : vector<1x16xf32> to vector<16xf32>
        %swap3A_1276 = vector.shape_cast %mul3A_1272 : vector<16xf32> to vector<1x16xf32>
        tpu.vector_store %arg16[%swap3A, %swap3A_1273], %swap3A_1276 {strides = array<i32>} : memref<256x64xf32, #tpu.memory_space<vmem>>, vector<1x16xf32>,
        %get3A_1277 = arith.index_cast %scan3A_1256 : i32 to index
        %get3A_1278 = arith.constant 16 : index
        %get3A_1279 = tpu.vector_load %arg16[%get3A_1277, %get3A_1278] {strides = array<i32>} : memref<256x64xf32, #tpu.memory_space<vmem>>, vector<1x16xf32>,
        %get3A_1280 = vector.shape_cast %get3A_1279 : vector<1x16xf32> to vector<16xf32>
        %get3A_1281 = arith.index_cast %scan3A_1256 : i32 to index
        %get3A_1282 = arith.constant 16 : index
        %get3A_1283 = tpu.vector_load %arg17[%get3A_1281, %get3A_1282] {strides = array<i32>} : memref<256x64xf32, #tpu.memory_space<vmem>>, vector<1x16xf32>,
        %get3A_1284 = vector.shape_cast %get3A_1283 : vector<1x16xf32> to vector<16xf32>
        %add3A_1285 = arith.addf %get3A_1280, %get3A_1284 : vector<16xf32>
        %get3A_1286 = arith.index_cast %scan3A_1256 : i32 to index
        %get3A_1287 = arith.constant 16 : index
        %get3A_1288 = tpu.vector_load %arg18[%get3A_1286, %get3A_1287] {strides = array<i32>} : memref<256x64xf32, #tpu.memory_space<vmem>>, vector<1x16xf32>,
        %get3A_1289 = vector.shape_cast %get3A_1288 : vector<1x16xf32> to vector<16xf32>
        %add3A_1290 = arith.addf %add3A_1285, %get3A_1289 : vector<16xf32>
        %mul3A_1291 = arith.constant 2.66666675 : f32
        %mul3A_1292 = vector.broadcast %mul3A_1291 : f32 to vector<16xf32>
        %mul3A_1293 = arith.mulf %add3A_1290, %mul3A_1292 : vector<16xf32>
        %swap3A_1294 = arith.index_cast %scan3A_1256 : i32 to index
        %swap3A_1295 = arith.constant 16 : index
        %swap3A_1296 = tpu.vector_load %arg16[%swap3A_1294, %swap3A_1295] {strides = array<i32>} : memref<256x64xf32, #tpu.memory_space<vmem>>, vector<1x16xf32>,
        %swap3A_1297 = vector.shape_cast %swap3A_1296 : vector<1x16xf32> to vector<16xf32>
        %swap3A_1298 = vector.shape_cast %mul3A_1293 : vector<16xf32> to vector<1x16xf32>
        tpu.vector_store %arg16[%swap3A_1294, %swap3A_1295], %swap3A_1298 {strides = array<i32>} : memref<256x64xf32, #tpu.memory_space<vmem>>, vector<1x16xf32>,
        %get3A_1299 = arith.index_cast %scan3A_1256 : i32 to index
        %get3A_1300 = arith.constant 32 : index
        %get3A_1301 = tpu.vector_load %arg16[%get3A_1299, %get3A_1300] {strides = array<i32>} : memref<256x64xf32, #tpu.memory_space<vmem>>, vector<1x16xf32>,
        %get3A_1302 = vector.shape_cast %get3A_1301 : vector<1x16xf32> to vector<16xf32>
        %get3A_1303 = arith.index_cast %scan3A_1256 : i32 to index
        %get3A_1304 = arith.constant 32 : index
        %get3A_1305 = tpu.vector_load %arg17[%get3A_1303, %get3A_1304] {strides = array<i32>} : memref<256x64xf32, #tpu.memory_space<vmem>>, vector<1x16xf32>,
        %get3A_1306 = vector.shape_cast %get3A_1305 : vector<1x16xf32> to vector<16xf32>
        %add3A_1307 = arith.addf %get3A_1302, %get3A_1306 : vector<16xf32>
        %get3A_1308 = arith.index_cast %scan3A_1256 : i32 to index
        %get3A_1309 = arith.constant 32 : index
        %get3A_1310 = tpu.vector_load %arg18[%get3A_1308, %get3A_1309] {strides = array<i32>} : memref<256x64xf32, #tpu.memory_space<vmem>>, vector<1x16xf32>,
        %get3A_1311 = vector.shape_cast %get3A_1310 : vector<1x16xf32> to vector<16xf32>
        %add3A_1312 = arith.addf %add3A_1307, %get3A_1311 : vector<16xf32>
        %mul3A_1313 = arith.constant 2.66666675 : f32
        %mul3A_1314 = vector.broadcast %mul3A_1313 : f32 to vector<16xf32>
        %mul3A_1315 = arith.mulf %add3A_1312, %mul3A_1314 : vector<16xf32>
        %swap3A_1316 = arith.index_cast %scan3A_1256 : i32 to index
        %swap3A_1317 = arith.constant 32 : index
        %swap3A_1318 = tpu.vector_load %arg16[%swap3A_1316, %swap3A_1317] {strides = array<i32>} : memref<256x64xf32, #tpu.memory_space<vmem>>, vector<1x16xf32>,
        %swap3A_1319 = vector.shape_cast %swap3A_1318 : vector<1x16xf32> to vector<16xf32>
        %swap3A_1320 = vector.shape_cast %mul3A_1315 : vector<16xf32> to vector<1x16xf32>
        tpu.vector_store %arg16[%swap3A_1316, %swap3A_1317], %swap3A_1320 {strides = array<i32>} : memref<256x64xf32, #tpu.memory_space<vmem>>, vector<1x16xf32>,
        %get3A_1321 = arith.index_cast %scan3A_1256 : i32 to index
        %get3A_1322 = arith.constant 48 : index
        %get3A_1323 = tpu.vector_load %arg16[%get3A_1321, %get3A_1322] {strides = array<i32>} : memref<256x64xf32, #tpu.memory_space<vmem>>, vector<1x16xf32>,
        %get3A_1324 = vector.shape_cast %get3A_1323 : vector<1x16xf32> to vector<16xf32>
        %get3A_1325 = arith.index_cast %scan3A_1256 : i32 to index
        %get3A_1326 = arith.constant 48 : index
        %get3A_1327 = tpu.vector_load %arg17[%get3A_1325, %get3A_1326] {strides = array<i32>} : memref<256x64xf32, #tpu.memory_space<vmem>>, vector<1x16xf32>,
        %get3A_1328 = vector.shape_cast %get3A_1327 : vector<1x16xf32> to vector<16xf32>
        %add3A_1329 = arith.addf %get3A_1324, %get3A_1328 : vector<16xf32>
        %get3A_1330 = arith.index_cast %scan3A_1256 : i32 to index
        %get3A_1331 = arith.constant 48 : index
        %get3A_1332 = tpu.vector_load %arg18[%get3A_1330, %get3A_1331] {strides = array<i32>} : memref<256x64xf32, #tpu.memory_space<vmem>>, vector<1x16xf32>,
        %get3A_1333 = vector.shape_cast %get3A_1332 : vector<1x16xf32> to vector<16xf32>
        %add3A_1334 = arith.addf %add3A_1329, %get3A_1333 : vector<16xf32>
        %mul3A_1335 = arith.constant 2.66666675 : f32
        %mul3A_1336 = vector.broadcast %mul3A_1335 : f32 to vector<16xf32>
        %mul3A_1337 = arith.mulf %add3A_1334, %mul3A_1336 : vector<16xf32>
        %swap3A_1338 = arith.index_cast %scan3A_1256 : i32 to index
        %swap3A_1339 = arith.constant 48 : index
        %swap3A_1340 = tpu.vector_load %arg16[%swap3A_1338, %swap3A_1339] {strides = array<i32>} : memref<256x64xf32, #tpu.memory_space<vmem>>, vector<1x16xf32>,
        %swap3A_1341 = vector.shape_cast %swap3A_1340 : vector<1x16xf32> to vector<16xf32>
        %swap3A_1342 = vector.shape_cast %mul3A_1337 : vector<16xf32> to vector<1x16xf32>
        tpu.vector_store %arg16[%swap3A_1338, %swap3A_1339], %swap3A_1342 {strides = array<i32>} : memref<256x64xf32, #tpu.memory_space<vmem>>, vector<1x16xf32>,
      }
      %scan3A_1244 = arith.constant 256 : i32
      %mul3A_1245 = arith.constant 200 : i32
      %mul3A_1246 = arith.muli %add3A, %mul3A_1245 : i32
      %mul3A_1247 = arith.constant 2 : i32
      %mul3A_1248 = arith.muli %add3A_1036, %mul3A_1247 : i32
      %add3A_1249 = arith.addi %mul3A_1246, %mul3A_1248 : i32
      %mul3A_1250 = arith.constant 128 : i32
      %mul3A_1251 = arith.muli %add3A_1249, %mul3A_1250 : i32
      %dma_start3A_1252 = arith.constant 0 : i32
      %dma_start3A_1253 = tpu.memref_slice %arg6[%mul3A_1251, %dma_start3A_1252] : memref<819200x64xf32, #tpu.memory_space<hbm>> -> memref<256x64xf32, #tpu.memory_space<hbm>>
      %dma_start3A_1254 = arith.constant 0 : i32
      %dma_start3A_1255 = tpu.memref_slice %arg6[%mul3A_1251, %dma_start3A_1254] : memref<819200x64xf32, #tpu.memory_space<hbm>> -> memref<256x64xf32, #tpu.memory_space<hbm>>
      tpu.enqueue_dma source(%arg16 : memref<256x64xf32, #tpu.memory_space<vmem>>) target(%dma_start3A_1255 : memref<256x64xf32, #tpu.memory_space<hbm>>) target_semaphore(%arg22 : memref<!tpu.dma_semaphore, #tpu.memory_space<semaphore_mem>>)
    }
    %scan3A_529 = arith.constant 48 : i32
    %dma_wait3A_530 = arith.constant 0 : i32
    %dma_wait3A_531 = arith.constant 0 : i32
    %dma_wait3A_532 = tpu.memref_slice %arg6[%dma_wait3A_530, %dma_wait3A_531] : memref<819200x64xf32, #tpu.memory_space<hbm>> -> memref<256x64xf32, #tpu.memory_space<hbm>>
    %dma_wait3A_533 = arith.constant 0 : i32
    %dma_wait3A_534 = arith.constant 0 : i32
    %dma_wait3A_535 = tpu.memref_slice %arg6[%dma_wait3A_533, %dma_wait3A_534] : memref<819200x64xf32, #tpu.memory_space<hbm>> -> memref<256x64xf32, #tpu.memory_space<hbm>>
    tpu.wait_dma2 semaphore(%arg22 : memref<!tpu.dma_semaphore, #tpu.memory_space<semaphore_mem>>) src(%arg16 : memref<256x64xf32, #tpu.memory_space<vmem>>) dst(%dma_wait3A_535 : memref<256x64xf32, #tpu.memory_space<hbm>>)
    %dma_wait3A_536 = arith.constant 0 : i32
    %dma_wait3A_537 = arith.constant 0 : i32
    %dma_wait3A_538 = arith.constant 0 : i32
    %dma_wait3A_539 = tpu.memref_slice %arg2[%dma_wait3A_536, %dma_wait3A_537, %dma_wait3A_538] : memref<3x6400x128xi32, #tpu.memory_space<hbm>> -> memref<1x2x128xi32, #tpu.memory_space<hbm>>
    %dma_wait3A_540 = tpu.memref_squeeze %dma_wait3A_539 : memref<1x2x128xi32, #tpu.memory_space<hbm>> -> memref<2x128xi32, #tpu.memory_space<hbm>>
    %dma_wait3A_541 = arith.constant 0 : i32
    %dma_wait3A_542 = arith.constant 0 : i32
    %dma_wait3A_543 = tpu.memref_slice %arg2[%dma_wait3A_536, %dma_wait3A_541, %dma_wait3A_542] : memref<3x6400x128xi32, #tpu.memory_space<hbm>> -> memref<1x2x128xi32, #tpu.memory_space<hbm>>
    %dma_wait3A_544 = tpu.memref_squeeze %dma_wait3A_543 : memref<1x2x128xi32, #tpu.memory_space<hbm>> -> memref<2x128xi32, #tpu.memory_space<hbm>>
    tpu.wait_dma2 semaphore(%arg23 : memref<!tpu.dma_semaphore, #tpu.memory_space<semaphore_mem>>) src(%dma_wait3A_544 : memref<2x128xi32, #tpu.memory_space<hbm>>) dst(%arg10 : memref<2x128xi32, #tpu.memory_space<vmem>>)
    %dma_wait3A_545 = arith.constant 0 : i32
    %dma_wait3A_546 = arith.constant 0 : i32
    %dma_wait3A_547 = arith.constant 0 : i32
    %dma_wait3A_548 = tpu.memref_slice %arg2[%dma_wait3A_545, %dma_wait3A_546, %dma_wait3A_547] : memref<3x6400x128xi32, #tpu.memory_space<hbm>> -> memref<1x2x128xi32, #tpu.memory_space<hbm>>
    %dma_wait3A_549 = tpu.memref_squeeze %dma_wait3A_548 : memref<1x2x128xi32, #tpu.memory_space<hbm>> -> memref<2x128xi32, #tpu.memory_space<hbm>>
    %dma_wait3A_550 = arith.constant 0 : i32
    %dma_wait3A_551 = arith.constant 0 : i32
    %dma_wait3A_552 = tpu.memref_slice %arg2[%dma_wait3A_545, %dma_wait3A_550, %dma_wait3A_551] : memref<3x6400x128xi32, #tpu.memory_space<hbm>> -> memref<1x2x128xi32, #tpu.memory_space<hbm>>
    %dma_wait3A_553 = tpu.memref_squeeze %dma_wait3A_552 : memref<1x2x128xi32, #tpu.memory_space<hbm>> -> memref<2x128xi32, #tpu.memory_space<hbm>>
    tpu.wait_dma2 semaphore(%arg23 : memref<!tpu.dma_semaphore, #tpu.memory_space<semaphore_mem>>) src(%dma_wait3A_553 : memref<2x128xi32, #tpu.memory_space<hbm>>) dst(%arg11 : memref<2x128xi32, #tpu.memory_space<vmem>>)
    %dma_wait3A_554 = arith.constant 0 : i32
    %dma_wait3A_555 = arith.constant 0 : i32
    %dma_wait3A_556 = arith.constant 0 : i32
    %dma_wait3A_557 = tpu.memref_slice %arg2[%dma_wait3A_554, %dma_wait3A_555, %dma_wait3A_556] : memref<3x6400x128xi32, #tpu.memory_space<hbm>> -> memref<1x2x128xi32, #tpu.memory_space<hbm>>
    %dma_wait3A_558 = tpu.memref_squeeze %dma_wait3A_557 : memref<1x2x128xi32, #tpu.memory_space<hbm>> -> memref<2x128xi32, #tpu.memory_space<hbm>>
    %dma_wait3A_559 = arith.constant 0 : i32
    %dma_wait3A_560 = arith.constant 0 : i32
    %dma_wait3A_561 = tpu.memref_slice %arg2[%dma_wait3A_554, %dma_wait3A_559, %dma_wait3A_560] : memref<3x6400x128xi32, #tpu.memory_space<hbm>> -> memref<1x2x128xi32, #tpu.memory_space<hbm>>
    %dma_wait3A_562 = tpu.memref_squeeze %dma_wait3A_561 : memref<1x2x128xi32, #tpu.memory_space<hbm>> -> memref<2x128xi32, #tpu.memory_space<hbm>>
    tpu.wait_dma2 semaphore(%arg23 : memref<!tpu.dma_semaphore, #tpu.memory_space<semaphore_mem>>) src(%dma_wait3A_562 : memref<2x128xi32, #tpu.memory_space<hbm>>) dst(%arg12 : memref<2x128xi32, #tpu.memory_space<vmem>>)
    %dma_start3A_563 = arith.constant 0 : i32
    %dma_start3A_564 = arith.constant 0 : i32
    %dma_start3A_565 = arith.constant 0 : i32
    %dma_start3A_566 = tpu.memref_slice %arg16[%dma_start3A_564, %dma_start3A_565] : memref<256x64xf32, #tpu.memory_space<vmem>> -> memref<128x64xf32, #tpu.memory_space<vmem>>
    %dma_start3A_567 = arith.constant 0 : i32
    %dma_start3A_568 = tpu.memref_slice %arg10[%dma_start3A_563, %dma_start3A_567] : memref<2x128xi32, #tpu.memory_space<vmem>> -> memref<1x128xi32, #tpu.memory_space<vmem>>
    %dma_start3A_569 = tpu.memref_squeeze %dma_start3A_568 : memref<1x128xi32, #tpu.memory_space<vmem>> -> memref<128xi32, #tpu.memory_space<vmem>>
    %dma_start3A_570 = arith.constant 0 : i32
    %dma_start3A_571 = arith.constant 0 : i32
    %dma_start3A_572 = tpu.memref_slice %arg3[%dma_start3A_570, %dma_start3A_571] : memref<100000x64xf32, #tpu.memory_space<hbm>> -> memref<100000x64xf32, #tpu.memory_space<hbm>>
    tpu.enqueue_indirect_dma source(%dma_start3A_572 : memref<100000x64xf32, #tpu.memory_space<hbm>>) target(%dma_start3A_566 : memref<128x64xf32, #tpu.memory_space<vmem>>) offsets(%dma_start3A_569 : memref<128xi32, #tpu.memory_space<vmem>>) semaphore(%arg20 : memref<!tpu.dma_semaphore, #tpu.memory_space<semaphore_mem>>)
    %dma_start3A_573 = arith.constant 1 : i32
    %dma_start3A_574 = arith.constant 128 : i32
    %dma_start3A_575 = arith.constant 0 : i32
    %dma_start3A_576 = tpu.memref_slice %arg16[%dma_start3A_574, %dma_start3A_575] : memref<256x64xf32, #tpu.memory_space<vmem>> -> memref<128x64xf32, #tpu.memory_space<vmem>>
    %dma_start3A_577 = arith.constant 0 : i32
    %dma_start3A_578 = tpu.memref_slice %arg10[%dma_start3A_573, %dma_start3A_577] : memref<2x128xi32, #tpu.memory_space<vmem>> -> memref<1x128xi32, #tpu.memory_space<vmem>>
    %dma_start3A_579 = tpu.memref_squeeze %dma_start3A_578 : memref<1x128xi32, #tpu.memory_space<vmem>> -> memref<128xi32, #tpu.memory_space<vmem>>
    %dma_start3A_580 = arith.constant 0 : i32
    %dma_start3A_581 = arith.constant 0 : i32
    %dma_start3A_582 = tpu.memref_slice %arg3[%dma_start3A_580, %dma_start3A_581] : memref<100000x64xf32, #tpu.memory_space<hbm>> -> memref<100000x64xf32, #tpu.memory_space<hbm>>
    tpu.enqueue_indirect_dma source(%dma_start3A_582 : memref<100000x64xf32, #tpu.memory_space<hbm>>) target(%dma_start3A_576 : memref<128x64xf32, #tpu.memory_space<vmem>>) offsets(%dma_start3A_579 : memref<128xi32, #tpu.memory_space<vmem>>) semaphore(%arg20 : memref<!tpu.dma_semaphore, #tpu.memory_space<semaphore_mem>>)
    %dma_start3A_583 = arith.constant 0 : i32
    %dma_start3A_584 = arith.constant 0 : i32
    %dma_start3A_585 = arith.constant 0 : i32
    %dma_start3A_586 = tpu.memref_slice %arg17[%dma_start3A_584, %dma_start3A_585] : memref<256x64xf32, #tpu.memory_space<vmem>> -> memref<128x64xf32, #tpu.memory_space<vmem>>
    %dma_start3A_587 = arith.constant 0 : i32
    %dma_start3A_588 = tpu.memref_slice %arg11[%dma_start3A_583, %dma_start3A_587] : memref<2x128xi32, #tpu.memory_space<vmem>> -> memref<1x128xi32, #tpu.memory_space<vmem>>
    %dma_start3A_589 = tpu.memref_squeeze %dma_start3A_588 : memref<1x128xi32, #tpu.memory_space<vmem>> -> memref<128xi32, #tpu.memory_space<vmem>>
    %dma_start3A_590 = arith.constant 0 : i32
    %dma_start3A_591 = arith.constant 0 : i32
    %dma_start3A_592 = tpu.memref_slice %arg4[%dma_start3A_590, %dma_start3A_591] : memref<100000x64xf32, #tpu.memory_space<hbm>> -> memref<100000x64xf32, #tpu.memory_space<hbm>>
    tpu.enqueue_indirect_dma source(%dma_start3A_592 : memref<100000x64xf32, #tpu.memory_space<hbm>>) target(%dma_start3A_586 : memref<128x64xf32, #tpu.memory_space<vmem>>) offsets(%dma_start3A_589 : memref<128xi32, #tpu.memory_space<vmem>>) semaphore(%arg20 : memref<!tpu.dma_semaphore, #tpu.memory_space<semaphore_mem>>)
    %dma_start3A_593 = arith.constant 1 : i32
    %dma_start3A_594 = arith.constant 128 : i32
    %dma_start3A_595 = arith.constant 0 : i32
    %dma_start3A_596 = tpu.memref_slice %arg17[%dma_start3A_594, %dma_start3A_595] : memref<256x64xf32, #tpu.memory_space<vmem>> -> memref<128x64xf32, #tpu.memory_space<vmem>>
    %dma_start3A_597 = arith.constant 0 : i32
    %dma_start3A_598 = tpu.memref_slice %arg11[%dma_start3A_593, %dma_start3A_597] : memref<2x128xi32, #tpu.memory_space<vmem>> -> memref<1x128xi32, #tpu.memory_space<vmem>>
    %dma_start3A_599 = tpu.memref_squeeze %dma_start3A_598 : memref<1x128xi32, #tpu.memory_space<vmem>> -> memref<128xi32, #tpu.memory_space<vmem>>
    %dma_start3A_600 = arith.constant 0 : i32
    %dma_start3A_601 = arith.constant 0 : i32
    %dma_start3A_602 = tpu.memref_slice %arg4[%dma_start3A_600, %dma_start3A_601] : memref<100000x64xf32, #tpu.memory_space<hbm>> -> memref<100000x64xf32, #tpu.memory_space<hbm>>
    tpu.enqueue_indirect_dma source(%dma_start3A_602 : memref<100000x64xf32, #tpu.memory_space<hbm>>) target(%dma_start3A_596 : memref<128x64xf32, #tpu.memory_space<vmem>>) offsets(%dma_start3A_599 : memref<128xi32, #tpu.memory_space<vmem>>) semaphore(%arg20 : memref<!tpu.dma_semaphore, #tpu.memory_space<semaphore_mem>>)
    %dma_start3A_603 = arith.constant 0 : i32
    %dma_start3A_604 = arith.constant 0 : i32
    %dma_start3A_605 = arith.constant 0 : i32
    %dma_start3A_606 = tpu.memref_slice %arg18[%dma_start3A_604, %dma_start3A_605] : memref<256x64xf32, #tpu.memory_space<vmem>> -> memref<128x64xf32, #tpu.memory_space<vmem>>
    %dma_start3A_607 = arith.constant 0 : i32
    %dma_start3A_608 = tpu.memref_slice %arg12[%dma_start3A_603, %dma_start3A_607] : memref<2x128xi32, #tpu.memory_space<vmem>> -> memref<1x128xi32, #tpu.memory_space<vmem>>
    %dma_start3A_609 = tpu.memref_squeeze %dma_start3A_608 : memref<1x128xi32, #tpu.memory_space<vmem>> -> memref<128xi32, #tpu.memory_space<vmem>>
    %dma_start3A_610 = arith.constant 0 : i32
    %dma_start3A_611 = arith.constant 0 : i32
    %dma_start3A_612 = tpu.memref_slice %arg5[%dma_start3A_610, %dma_start3A_611] : memref<100000x64xf32, #tpu.memory_space<hbm>> -> memref<100000x64xf32, #tpu.memory_space<hbm>>
    tpu.enqueue_indirect_dma source(%dma_start3A_612 : memref<100000x64xf32, #tpu.memory_space<hbm>>) target(%dma_start3A_606 : memref<128x64xf32, #tpu.memory_space<vmem>>) offsets(%dma_start3A_609 : memref<128xi32, #tpu.memory_space<vmem>>) semaphore(%arg20 : memref<!tpu.dma_semaphore, #tpu.memory_space<semaphore_mem>>)
    %dma_start3A_613 = arith.constant 1 : i32
    %dma_start3A_614 = arith.constant 128 : i32
    %dma_start3A_615 = arith.constant 0 : i32
    %dma_start3A_616 = tpu.memref_slice %arg18[%dma_start3A_614, %dma_start3A_615] : memref<256x64xf32, #tpu.memory_space<vmem>> -> memref<128x64xf32, #tpu.memory_space<vmem>>
    %dma_start3A_617 = arith.constant 0 : i32
    %dma_start3A_618 = tpu.memref_slice %arg12[%dma_start3A_613, %dma_start3A_617] : memref<2x128xi32, #tpu.memory_space<vmem>> -> memref<1x128xi32, #tpu.memory_space<vmem>>
    %dma_start3A_619 = tpu.memref_squeeze %dma_start3A_618 : memref<1x128xi32, #tpu.memory_space<vmem>> -> memref<128xi32, #tpu.memory_space<vmem>>
    %dma_start3A_620 = arith.constant 0 : i32
    %dma_start3A_621 = arith.constant 0 : i32
    %dma_start3A_622 = tpu.memref_slice %arg5[%dma_start3A_620, %dma_start3A_621] : memref<100000x64xf32, #tpu.memory_space<hbm>> -> memref<100000x64xf32, #tpu.memory_space<hbm>>
    tpu.enqueue_indirect_dma source(%dma_start3A_622 : memref<100000x64xf32, #tpu.memory_space<hbm>>) target(%dma_start3A_616 : memref<128x64xf32, #tpu.memory_space<vmem>>) offsets(%dma_start3A_619 : memref<128xi32, #tpu.memory_space<vmem>>) semaphore(%arg20 : memref<!tpu.dma_semaphore, #tpu.memory_space<semaphore_mem>>)
    %dma_wait3A_623 = arith.constant 0 : i32
    %dma_wait3A_624 = arith.constant 0 : i32
    %dma_wait3A_625 = tpu.memref_slice %arg13[%dma_wait3A_623, %dma_wait3A_624] : memref<256x64xf32, #tpu.memory_space<vmem>> -> memref<128x64xf32, #tpu.memory_space<vmem>>
    %dma_wait3A_626 = arith.constant 0 : i32
    %dma_wait3A_627 = arith.constant 0 : i32
    %dma_wait3A_628 = tpu.memref_slice %arg3[%dma_wait3A_626, %dma_wait3A_627] : memref<100000x64xf32, #tpu.memory_space<hbm>> -> memref<128x64xf32, #tpu.memory_space<hbm>>
    %dma_wait3A_629 = arith.constant 0 : i32
    %dma_wait3A_630 = arith.constant 0 : i32
    %dma_wait3A_631 = tpu.memref_slice %arg13[%dma_wait3A_629, %dma_wait3A_630] : memref<256x64xf32, #tpu.memory_space<vmem>> -> memref<128x64xf32, #tpu.memory_space<vmem>>
    %dma_wait3A_632 = arith.constant 0 : i32
    %dma_wait3A_633 = arith.constant 0 : i32
    %dma_wait3A_634 = tpu.memref_slice %arg3[%dma_wait3A_632, %dma_wait3A_633] : memref<100000x64xf32, #tpu.memory_space<hbm>> -> memref<128x64xf32, #tpu.memory_space<hbm>>
    tpu.wait_dma2 semaphore(%arg19 : memref<!tpu.dma_semaphore, #tpu.memory_space<semaphore_mem>>) src(%dma_wait3A_634 : memref<128x64xf32, #tpu.memory_space<hbm>>) dst(%dma_wait3A_631 : memref<128x64xf32, #tpu.memory_space<vmem>>)
    %dma_wait3A_635 = arith.constant 128 : i32
    %dma_wait3A_636 = arith.constant 0 : i32
    %dma_wait3A_637 = tpu.memref_slice %arg13[%dma_wait3A_635, %dma_wait3A_636] : memref<256x64xf32, #tpu.memory_space<vmem>> -> memref<128x64xf32, #tpu.memory_space<vmem>>
    %dma_wait3A_638 = arith.constant 0 : i32
    %dma_wait3A_639 = arith.constant 0 : i32
    %dma_wait3A_640 = tpu.memref_slice %arg3[%dma_wait3A_638, %dma_wait3A_639] : memref<100000x64xf32, #tpu.memory_space<hbm>> -> memref<128x64xf32, #tpu.memory_space<hbm>>
    %dma_wait3A_641 = arith.constant 128 : i32
    %dma_wait3A_642 = arith.constant 0 : i32
    %dma_wait3A_643 = tpu.memref_slice %arg13[%dma_wait3A_641, %dma_wait3A_642] : memref<256x64xf32, #tpu.memory_space<vmem>> -> memref<128x64xf32, #tpu.memory_space<vmem>>
    %dma_wait3A_644 = arith.constant 0 : i32
    %dma_wait3A_645 = arith.constant 0 : i32
    %dma_wait3A_646 = tpu.memref_slice %arg3[%dma_wait3A_644, %dma_wait3A_645] : memref<100000x64xf32, #tpu.memory_space<hbm>> -> memref<128x64xf32, #tpu.memory_space<hbm>>
    tpu.wait_dma2 semaphore(%arg19 : memref<!tpu.dma_semaphore, #tpu.memory_space<semaphore_mem>>) src(%dma_wait3A_646 : memref<128x64xf32, #tpu.memory_space<hbm>>) dst(%dma_wait3A_643 : memref<128x64xf32, #tpu.memory_space<vmem>>)
    %dma_wait3A_647 = arith.constant 0 : i32
    %dma_wait3A_648 = arith.constant 0 : i32
    %dma_wait3A_649 = tpu.memref_slice %arg14[%dma_wait3A_647, %dma_wait3A_648] : memref<256x64xf32, #tpu.memory_space<vmem>> -> memref<128x64xf32, #tpu.memory_space<vmem>>
    %dma_wait3A_650 = arith.constant 0 : i32
    %dma_wait3A_651 = arith.constant 0 : i32
    %dma_wait3A_652 = tpu.memref_slice %arg4[%dma_wait3A_650, %dma_wait3A_651] : memref<100000x64xf32, #tpu.memory_space<hbm>> -> memref<128x64xf32, #tpu.memory_space<hbm>>
    %dma_wait3A_653 = arith.constant 0 : i32
    %dma_wait3A_654 = arith.constant 0 : i32
    %dma_wait3A_655 = tpu.memref_slice %arg14[%dma_wait3A_653, %dma_wait3A_654] : memref<256x64xf32, #tpu.memory_space<vmem>> -> memref<128x64xf32, #tpu.memory_space<vmem>>
    %dma_wait3A_656 = arith.constant 0 : i32
    %dma_wait3A_657 = arith.constant 0 : i32
    %dma_wait3A_658 = tpu.memref_slice %arg4[%dma_wait3A_656, %dma_wait3A_657] : memref<100000x64xf32, #tpu.memory_space<hbm>> -> memref<128x64xf32, #tpu.memory_space<hbm>>
    tpu.wait_dma2 semaphore(%arg19 : memref<!tpu.dma_semaphore, #tpu.memory_space<semaphore_mem>>) src(%dma_wait3A_658 : memref<128x64xf32, #tpu.memory_space<hbm>>) dst(%dma_wait3A_655 : memref<128x64xf32, #tpu.memory_space<vmem>>)
    %dma_wait3A_659 = arith.constant 128 : i32
    %dma_wait3A_660 = arith.constant 0 : i32
    %dma_wait3A_661 = tpu.memref_slice %arg14[%dma_wait3A_659, %dma_wait3A_660] : memref<256x64xf32, #tpu.memory_space<vmem>> -> memref<128x64xf32, #tpu.memory_space<vmem>>
    %dma_wait3A_662 = arith.constant 0 : i32
    %dma_wait3A_663 = arith.constant 0 : i32
    %dma_wait3A_664 = tpu.memref_slice %arg4[%dma_wait3A_662, %dma_wait3A_663] : memref<100000x64xf32, #tpu.memory_space<hbm>> -> memref<128x64xf32, #tpu.memory_space<hbm>>
    %dma_wait3A_665 = arith.constant 128 : i32
    %dma_wait3A_666 = arith.constant 0 : i32
    %dma_wait3A_667 = tpu.memref_slice %arg14[%dma_wait3A_665, %dma_wait3A_666] : memref<256x64xf32, #tpu.memory_space<vmem>> -> memref<128x64xf32, #tpu.memory_space<vmem>>
    %dma_wait3A_668 = arith.constant 0 : i32
    %dma_wait3A_669 = arith.constant 0 : i32
    %dma_wait3A_670 = tpu.memref_slice %arg4[%dma_wait3A_668, %dma_wait3A_669] : memref<100000x64xf32, #tpu.memory_space<hbm>> -> memref<128x64xf32, #tpu.memory_space<hbm>>
    tpu.wait_dma2 semaphore(%arg19 : memref<!tpu.dma_semaphore, #tpu.memory_space<semaphore_mem>>) src(%dma_wait3A_670 : memref<128x64xf32, #tpu.memory_space<hbm>>) dst(%dma_wait3A_667 : memref<128x64xf32, #tpu.memory_space<vmem>>)
    %dma_wait3A_671 = arith.constant 0 : i32
    %dma_wait3A_672 = arith.constant 0 : i32
    %dma_wait3A_673 = tpu.memref_slice %arg15[%dma_wait3A_671, %dma_wait3A_672] : memref<256x64xf32, #tpu.memory_space<vmem>> -> memref<128x64xf32, #tpu.memory_space<vmem>>
    %dma_wait3A_674 = arith.constant 0 : i32
    %dma_wait3A_675 = arith.constant 0 : i32
    %dma_wait3A_676 = tpu.memref_slice %arg5[%dma_wait3A_674, %dma_wait3A_675] : memref<100000x64xf32, #tpu.memory_space<hbm>> -> memref<128x64xf32, #tpu.memory_space<hbm>>
    %dma_wait3A_677 = arith.constant 0 : i32
    %dma_wait3A_678 = arith.constant 0 : i32
    %dma_wait3A_679 = tpu.memref_slice %arg15[%dma_wait3A_677, %dma_wait3A_678] : memref<256x64xf32, #tpu.memory_space<vmem>> -> memref<128x64xf32, #tpu.memory_space<vmem>>
    %dma_wait3A_680 = arith.constant 0 : i32
    %dma_wait3A_681 = arith.constant 0 : i32
    %dma_wait3A_682 = tpu.memref_slice %arg5[%dma_wait3A_680, %dma_wait3A_681] : memref<100000x64xf32, #tpu.memory_space<hbm>> -> memref<128x64xf32, #tpu.memory_space<hbm>>
    tpu.wait_dma2 semaphore(%arg19 : memref<!tpu.dma_semaphore, #tpu.memory_space<semaphore_mem>>) src(%dma_wait3A_682 : memref<128x64xf32, #tpu.memory_space<hbm>>) dst(%dma_wait3A_679 : memref<128x64xf32, #tpu.memory_space<vmem>>)
    %dma_wait3A_683 = arith.constant 128 : i32
    %dma_wait3A_684 = arith.constant 0 : i32
    %dma_wait3A_685 = tpu.memref_slice %arg15[%dma_wait3A_683, %dma_wait3A_684] : memref<256x64xf32, #tpu.memory_space<vmem>> -> memref<128x64xf32, #tpu.memory_space<vmem>>
    %dma_wait3A_686 = arith.constant 0 : i32
    %dma_wait3A_687 = arith.constant 0 : i32
    %dma_wait3A_688 = tpu.memref_slice %arg5[%dma_wait3A_686, %dma_wait3A_687] : memref<100000x64xf32, #tpu.memory_space<hbm>> -> memref<128x64xf32, #tpu.memory_space<hbm>>
    %dma_wait3A_689 = arith.constant 128 : i32
    %dma_wait3A_690 = arith.constant 0 : i32
    %dma_wait3A_691 = tpu.memref_slice %arg15[%dma_wait3A_689, %dma_wait3A_690] : memref<256x64xf32, #tpu.memory_space<vmem>> -> memref<128x64xf32, #tpu.memory_space<vmem>>
    %dma_wait3A_692 = arith.constant 0 : i32
    %dma_wait3A_693 = arith.constant 0 : i32
    %dma_wait3A_694 = tpu.memref_slice %arg5[%dma_wait3A_692, %dma_wait3A_693] : memref<100000x64xf32, #tpu.memory_space<hbm>> -> memref<128x64xf32, #tpu.memory_space<hbm>>
    tpu.wait_dma2 semaphore(%arg19 : memref<!tpu.dma_semaphore, #tpu.memory_space<semaphore_mem>>) src(%dma_wait3A_694 : memref<128x64xf32, #tpu.memory_space<hbm>>) dst(%dma_wait3A_691 : memref<128x64xf32, #tpu.memory_space<vmem>>)
    %scan3A_695 = arith.constant 0 : i32
    %scan3A_696 = arith.constant 256 : i32
    %scan3A_697 = arith.addi %scan3A_695, %scan3A_696 : i32
    %scan3A_698 = arith.constant 1 : i32
    scf.for %scan3A_809 = %scan3A_695 to %scan3A_697 step %scan3A_698  : i32 {
      %get3A = arith.index_cast %scan3A_809 : i32 to index
      %get3A_810 = arith.constant 0 : index
      %get3A_811 = tpu.vector_load %arg13[%get3A, %get3A_810] {strides = array<i32>} : memref<256x64xf32, #tpu.memory_space<vmem>>, vector<1x16xf32>,
      %get3A_812 = vector.shape_cast %get3A_811 : vector<1x16xf32> to vector<16xf32>
      %get3A_813 = arith.index_cast %scan3A_809 : i32 to index
      %get3A_814 = arith.constant 0 : index
      %get3A_815 = tpu.vector_load %arg14[%get3A_813, %get3A_814] {strides = array<i32>} : memref<256x64xf32, #tpu.memory_space<vmem>>, vector<1x16xf32>,
      %get3A_816 = vector.shape_cast %get3A_815 : vector<1x16xf32> to vector<16xf32>
      %add3A_817 = arith.addf %get3A_812, %get3A_816 : vector<16xf32>
      %get3A_818 = arith.index_cast %scan3A_809 : i32 to index
      %get3A_819 = arith.constant 0 : index
      %get3A_820 = tpu.vector_load %arg15[%get3A_818, %get3A_819] {strides = array<i32>} : memref<256x64xf32, #tpu.memory_space<vmem>>, vector<1x16xf32>,
      %get3A_821 = vector.shape_cast %get3A_820 : vector<1x16xf32> to vector<16xf32>
      %add3A_822 = arith.addf %add3A_817, %get3A_821 : vector<16xf32>
      %mul3A_823 = arith.constant 2.66666675 : f32
      %mul3A_824 = vector.broadcast %mul3A_823 : f32 to vector<16xf32>
      %mul3A_825 = arith.mulf %add3A_822, %mul3A_824 : vector<16xf32>
      %swap3A = arith.index_cast %scan3A_809 : i32 to index
      %swap3A_826 = arith.constant 0 : index
      %swap3A_827 = tpu.vector_load %arg13[%swap3A, %swap3A_826] {strides = array<i32>} : memref<256x64xf32, #tpu.memory_space<vmem>>, vector<1x16xf32>,
      %swap3A_828 = vector.shape_cast %swap3A_827 : vector<1x16xf32> to vector<16xf32>
      %swap3A_829 = vector.shape_cast %mul3A_825 : vector<16xf32> to vector<1x16xf32>
      tpu.vector_store %arg13[%swap3A, %swap3A_826], %swap3A_829 {strides = array<i32>} : memref<256x64xf32, #tpu.memory_space<vmem>>, vector<1x16xf32>,
      %get3A_830 = arith.index_cast %scan3A_809 : i32 to index
      %get3A_831 = arith.constant 16 : index
      %get3A_832 = tpu.vector_load %arg13[%get3A_830, %get3A_831] {strides = array<i32>} : memref<256x64xf32, #tpu.memory_space<vmem>>, vector<1x16xf32>,
      %get3A_833 = vector.shape_cast %get3A_832 : vector<1x16xf32> to vector<16xf32>
      %get3A_834 = arith.index_cast %scan3A_809 : i32 to index
      %get3A_835 = arith.constant 16 : index
      %get3A_836 = tpu.vector_load %arg14[%get3A_834, %get3A_835] {strides = array<i32>} : memref<256x64xf32, #tpu.memory_space<vmem>>, vector<1x16xf32>,
      %get3A_837 = vector.shape_cast %get3A_836 : vector<1x16xf32> to vector<16xf32>
      %add3A_838 = arith.addf %get3A_833, %get3A_837 : vector<16xf32>
      %get3A_839 = arith.index_cast %scan3A_809 : i32 to index
      %get3A_840 = arith.constant 16 : index
      %get3A_841 = tpu.vector_load %arg15[%get3A_839, %get3A_840] {strides = array<i32>} : memref<256x64xf32, #tpu.memory_space<vmem>>, vector<1x16xf32>,
      %get3A_842 = vector.shape_cast %get3A_841 : vector<1x16xf32> to vector<16xf32>
      %add3A_843 = arith.addf %add3A_838, %get3A_842 : vector<16xf32>
      %mul3A_844 = arith.constant 2.66666675 : f32
      %mul3A_845 = vector.broadcast %mul3A_844 : f32 to vector<16xf32>
      %mul3A_846 = arith.mulf %add3A_843, %mul3A_845 : vector<16xf32>
      %swap3A_847 = arith.index_cast %scan3A_809 : i32 to index
      %swap3A_848 = arith.constant 16 : index
      %swap3A_849 = tpu.vector_load %arg13[%swap3A_847, %swap3A_848] {strides = array<i32>} : memref<256x64xf32, #tpu.memory_space<vmem>>, vector<1x16xf32>,
      %swap3A_850 = vector.shape_cast %swap3A_849 : vector<1x16xf32> to vector<16xf32>
      %swap3A_851 = vector.shape_cast %mul3A_846 : vector<16xf32> to vector<1x16xf32>
      tpu.vector_store %arg13[%swap3A_847, %swap3A_848], %swap3A_851 {strides = array<i32>} : memref<256x64xf32, #tpu.memory_space<vmem>>, vector<1x16xf32>,
      %get3A_852 = arith.index_cast %scan3A_809 : i32 to index
      %get3A_853 = arith.constant 32 : index
      %get3A_854 = tpu.vector_load %arg13[%get3A_852, %get3A_853] {strides = array<i32>} : memref<256x64xf32, #tpu.memory_space<vmem>>, vector<1x16xf32>,
      %get3A_855 = vector.shape_cast %get3A_854 : vector<1x16xf32> to vector<16xf32>
      %get3A_856 = arith.index_cast %scan3A_809 : i32 to index
      %get3A_857 = arith.constant 32 : index
      %get3A_858 = tpu.vector_load %arg14[%get3A_856, %get3A_857] {strides = array<i32>} : memref<256x64xf32, #tpu.memory_space<vmem>>, vector<1x16xf32>,
      %get3A_859 = vector.shape_cast %get3A_858 : vector<1x16xf32> to vector<16xf32>
      %add3A_860 = arith.addf %get3A_855, %get3A_859 : vector<16xf32>
      %get3A_861 = arith.index_cast %scan3A_809 : i32 to index
      %get3A_862 = arith.constant 32 : index
      %get3A_863 = tpu.vector_load %arg15[%get3A_861, %get3A_862] {strides = array<i32>} : memref<256x64xf32, #tpu.memory_space<vmem>>, vector<1x16xf32>,
      %get3A_864 = vector.shape_cast %get3A_863 : vector<1x16xf32> to vector<16xf32>
      %add3A_865 = arith.addf %add3A_860, %get3A_864 : vector<16xf32>
      %mul3A_866 = arith.constant 2.66666675 : f32
      %mul3A_867 = vector.broadcast %mul3A_866 : f32 to vector<16xf32>
      %mul3A_868 = arith.mulf %add3A_865, %mul3A_867 : vector<16xf32>
      %swap3A_869 = arith.index_cast %scan3A_809 : i32 to index
      %swap3A_870 = arith.constant 32 : index
      %swap3A_871 = tpu.vector_load %arg13[%swap3A_869, %swap3A_870] {strides = array<i32>} : memref<256x64xf32, #tpu.memory_space<vmem>>, vector<1x16xf32>,
      %swap3A_872 = vector.shape_cast %swap3A_871 : vector<1x16xf32> to vector<16xf32>
      %swap3A_873 = vector.shape_cast %mul3A_868 : vector<16xf32> to vector<1x16xf32>
      tpu.vector_store %arg13[%swap3A_869, %swap3A_870], %swap3A_873 {strides = array<i32>} : memref<256x64xf32, #tpu.memory_space<vmem>>, vector<1x16xf32>,
      %get3A_874 = arith.index_cast %scan3A_809 : i32 to index
      %get3A_875 = arith.constant 48 : index
      %get3A_876 = tpu.vector_load %arg13[%get3A_874, %get3A_875] {strides = array<i32>} : memref<256x64xf32, #tpu.memory_space<vmem>>, vector<1x16xf32>,
      %get3A_877 = vector.shape_cast %get3A_876 : vector<1x16xf32> to vector<16xf32>
      %get3A_878 = arith.index_cast %scan3A_809 : i32 to index
      %get3A_879 = arith.constant 48 : index
      %get3A_880 = tpu.vector_load %arg14[%get3A_878, %get3A_879] {strides = array<i32>} : memref<256x64xf32, #tpu.memory_space<vmem>>, vector<1x16xf32>,
      %get3A_881 = vector.shape_cast %get3A_880 : vector<1x16xf32> to vector<16xf32>
      %add3A_882 = arith.addf %get3A_877, %get3A_881 : vector<16xf32>
      %get3A_883 = arith.index_cast %scan3A_809 : i32 to index
      %get3A_884 = arith.constant 48 : index
      %get3A_885 = tpu.vector_load %arg15[%get3A_883, %get3A_884] {strides = array<i32>} : memref<256x64xf32, #tpu.memory_space<vmem>>, vector<1x16xf32>,
      %get3A_886 = vector.shape_cast %get3A_885 : vector<1x16xf32> to vector<16xf32>
      %add3A_887 = arith.addf %add3A_882, %get3A_886 : vector<16xf32>
      %mul3A_888 = arith.constant 2.66666675 : f32
      %mul3A_889 = vector.broadcast %mul3A_888 : f32 to vector<16xf32>
      %mul3A_890 = arith.mulf %add3A_887, %mul3A_889 : vector<16xf32>
      %swap3A_891 = arith.index_cast %scan3A_809 : i32 to index
      %swap3A_892 = arith.constant 48 : index
      %swap3A_893 = tpu.vector_load %arg13[%swap3A_891, %swap3A_892] {strides = array<i32>} : memref<256x64xf32, #tpu.memory_space<vmem>>, vector<1x16xf32>,
      %swap3A_894 = vector.shape_cast %swap3A_893 : vector<1x16xf32> to vector<16xf32>
      %swap3A_895 = vector.shape_cast %mul3A_890 : vector<16xf32> to vector<1x16xf32>
      tpu.vector_store %arg13[%swap3A_891, %swap3A_892], %swap3A_895 {strides = array<i32>} : memref<256x64xf32, #tpu.memory_space<vmem>>, vector<1x16xf32>,
    }
    %scan3A_699 = arith.constant 256 : i32
    %mul3A_700 = arith.constant 200 : i32
    %mul3A_701 = arith.muli %add3A, %mul3A_700 : i32
    %add3A_702 = arith.constant 196 : i32
    %add3A_703 = arith.addi %mul3A_701, %add3A_702 : i32
    %mul3A_704 = arith.constant 128 : i32
    %mul3A_705 = arith.muli %add3A_703, %mul3A_704 : i32
    %dma_start3A_706 = arith.constant 0 : i32
    %dma_start3A_707 = tpu.memref_slice %arg6[%mul3A_705, %dma_start3A_706] : memref<819200x64xf32, #tpu.memory_space<hbm>> -> memref<256x64xf32, #tpu.memory_space<hbm>>
    %dma_start3A_708 = arith.constant 0 : i32
    %dma_start3A_709 = tpu.memref_slice %arg6[%mul3A_705, %dma_start3A_708] : memref<819200x64xf32, #tpu.memory_space<hbm>> -> memref<256x64xf32, #tpu.memory_space<hbm>>
    tpu.enqueue_dma source(%arg13 : memref<256x64xf32, #tpu.memory_space<vmem>>) target(%dma_start3A_709 : memref<256x64xf32, #tpu.memory_space<hbm>>) target_semaphore(%arg21 : memref<!tpu.dma_semaphore, #tpu.memory_space<semaphore_mem>>)
    %dma_wait3A_710 = arith.constant 0 : i32
    %dma_wait3A_711 = arith.constant 0 : i32
    %dma_wait3A_712 = tpu.memref_slice %arg6[%dma_wait3A_710, %dma_wait3A_711] : memref<819200x64xf32, #tpu.memory_space<hbm>> -> memref<256x64xf32, #tpu.memory_space<hbm>>
    %dma_wait3A_713 = arith.constant 0 : i32
    %dma_wait3A_714 = arith.constant 0 : i32
    %dma_wait3A_715 = tpu.memref_slice %arg6[%dma_wait3A_713, %dma_wait3A_714] : memref<819200x64xf32, #tpu.memory_space<hbm>> -> memref<256x64xf32, #tpu.memory_space<hbm>>
    tpu.wait_dma2 semaphore(%arg21 : memref<!tpu.dma_semaphore, #tpu.memory_space<semaphore_mem>>) src(%arg13 : memref<256x64xf32, #tpu.memory_space<vmem>>) dst(%dma_wait3A_715 : memref<256x64xf32, #tpu.memory_space<hbm>>)
    %dma_wait3A_716 = arith.constant 0 : i32
    %dma_wait3A_717 = arith.constant 0 : i32
    %dma_wait3A_718 = tpu.memref_slice %arg16[%dma_wait3A_716, %dma_wait3A_717] : memref<256x64xf32, #tpu.memory_space<vmem>> -> memref<128x64xf32, #tpu.memory_space<vmem>>
    %dma_wait3A_719 = arith.constant 0 : i32
    %dma_wait3A_720 = arith.constant 0 : i32
    %dma_wait3A_721 = tpu.memref_slice %arg3[%dma_wait3A_719, %dma_wait3A_720] : memref<100000x64xf32, #tpu.memory_space<hbm>> -> memref<128x64xf32, #tpu.memory_space<hbm>>
    %dma_wait3A_722 = arith.constant 0 : i32
    %dma_wait3A_723 = arith.constant 0 : i32
    %dma_wait3A_724 = tpu.memref_slice %arg16[%dma_wait3A_722, %dma_wait3A_723] : memref<256x64xf32, #tpu.memory_space<vmem>> -> memref<128x64xf32, #tpu.memory_space<vmem>>
    %dma_wait3A_725 = arith.constant 0 : i32
    %dma_wait3A_726 = arith.constant 0 : i32
    %dma_wait3A_727 = tpu.memref_slice %arg3[%dma_wait3A_725, %dma_wait3A_726] : memref<100000x64xf32, #tpu.memory_space<hbm>> -> memref<128x64xf32, #tpu.memory_space<hbm>>
    tpu.wait_dma2 semaphore(%arg20 : memref<!tpu.dma_semaphore, #tpu.memory_space<semaphore_mem>>) src(%dma_wait3A_727 : memref<128x64xf32, #tpu.memory_space<hbm>>) dst(%dma_wait3A_724 : memref<128x64xf32, #tpu.memory_space<vmem>>)
    %dma_wait3A_728 = arith.constant 128 : i32
    %dma_wait3A_729 = arith.constant 0 : i32
    %dma_wait3A_730 = tpu.memref_slice %arg16[%dma_wait3A_728, %dma_wait3A_729] : memref<256x64xf32, #tpu.memory_space<vmem>> -> memref<128x64xf32, #tpu.memory_space<vmem>>
    %dma_wait3A_731 = arith.constant 0 : i32
    %dma_wait3A_732 = arith.constant 0 : i32
    %dma_wait3A_733 = tpu.memref_slice %arg3[%dma_wait3A_731, %dma_wait3A_732] : memref<100000x64xf32, #tpu.memory_space<hbm>> -> memref<128x64xf32, #tpu.memory_space<hbm>>
    %dma_wait3A_734 = arith.constant 128 : i32
    %dma_wait3A_735 = arith.constant 0 : i32
    %dma_wait3A_736 = tpu.memref_slice %arg16[%dma_wait3A_734, %dma_wait3A_735] : memref<256x64xf32, #tpu.memory_space<vmem>> -> memref<128x64xf32, #tpu.memory_space<vmem>>
    %dma_wait3A_737 = arith.constant 0 : i32
    %dma_wait3A_738 = arith.constant 0 : i32
    %dma_wait3A_739 = tpu.memref_slice %arg3[%dma_wait3A_737, %dma_wait3A_738] : memref<100000x64xf32, #tpu.memory_space<hbm>> -> memref<128x64xf32, #tpu.memory_space<hbm>>
    tpu.wait_dma2 semaphore(%arg20 : memref<!tpu.dma_semaphore, #tpu.memory_space<semaphore_mem>>) src(%dma_wait3A_739 : memref<128x64xf32, #tpu.memory_space<hbm>>) dst(%dma_wait3A_736 : memref<128x64xf32, #tpu.memory_space<vmem>>)
    %dma_wait3A_740 = arith.constant 0 : i32
    %dma_wait3A_741 = arith.constant 0 : i32
    %dma_wait3A_742 = tpu.memref_slice %arg17[%dma_wait3A_740, %dma_wait3A_741] : memref<256x64xf32, #tpu.memory_space<vmem>> -> memref<128x64xf32, #tpu.memory_space<vmem>>
    %dma_wait3A_743 = arith.constant 0 : i32
    %dma_wait3A_744 = arith.constant 0 : i32
    %dma_wait3A_745 = tpu.memref_slice %arg4[%dma_wait3A_743, %dma_wait3A_744] : memref<100000x64xf32, #tpu.memory_space<hbm>> -> memref<128x64xf32, #tpu.memory_space<hbm>>
    %dma_wait3A_746 = arith.constant 0 : i32
    %dma_wait3A_747 = arith.constant 0 : i32
    %dma_wait3A_748 = tpu.memref_slice %arg17[%dma_wait3A_746, %dma_wait3A_747] : memref<256x64xf32, #tpu.memory_space<vmem>> -> memref<128x64xf32, #tpu.memory_space<vmem>>
    %dma_wait3A_749 = arith.constant 0 : i32
    %dma_wait3A_750 = arith.constant 0 : i32
    %dma_wait3A_751 = tpu.memref_slice %arg4[%dma_wait3A_749, %dma_wait3A_750] : memref<100000x64xf32, #tpu.memory_space<hbm>> -> memref<128x64xf32, #tpu.memory_space<hbm>>
    tpu.wait_dma2 semaphore(%arg20 : memref<!tpu.dma_semaphore, #tpu.memory_space<semaphore_mem>>) src(%dma_wait3A_751 : memref<128x64xf32, #tpu.memory_space<hbm>>) dst(%dma_wait3A_748 : memref<128x64xf32, #tpu.memory_space<vmem>>)
    %dma_wait3A_752 = arith.constant 128 : i32
    %dma_wait3A_753 = arith.constant 0 : i32
    %dma_wait3A_754 = tpu.memref_slice %arg17[%dma_wait3A_752, %dma_wait3A_753] : memref<256x64xf32, #tpu.memory_space<vmem>> -> memref<128x64xf32, #tpu.memory_space<vmem>>
    %dma_wait3A_755 = arith.constant 0 : i32
    %dma_wait3A_756 = arith.constant 0 : i32
    %dma_wait3A_757 = tpu.memref_slice %arg4[%dma_wait3A_755, %dma_wait3A_756] : memref<100000x64xf32, #tpu.memory_space<hbm>> -> memref<128x64xf32, #tpu.memory_space<hbm>>
    %dma_wait3A_758 = arith.constant 128 : i32
    %dma_wait3A_759 = arith.constant 0 : i32
    %dma_wait3A_760 = tpu.memref_slice %arg17[%dma_wait3A_758, %dma_wait3A_759] : memref<256x64xf32, #tpu.memory_space<vmem>> -> memref<128x64xf32, #tpu.memory_space<vmem>>
    %dma_wait3A_761 = arith.constant 0 : i32
    %dma_wait3A_762 = arith.constant 0 : i32
    %dma_wait3A_763 = tpu.memref_slice %arg4[%dma_wait3A_761, %dma_wait3A_762] : memref<100000x64xf32, #tpu.memory_space<hbm>> -> memref<128x64xf32, #tpu.memory_space<hbm>>
    tpu.wait_dma2 semaphore(%arg20 : memref<!tpu.dma_semaphore, #tpu.memory_space<semaphore_mem>>) src(%dma_wait3A_763 : memref<128x64xf32, #tpu.memory_space<hbm>>) dst(%dma_wait3A_760 : memref<128x64xf32, #tpu.memory_space<vmem>>)
    %dma_wait3A_764 = arith.constant 0 : i32
    %dma_wait3A_765 = arith.constant 0 : i32
    %dma_wait3A_766 = tpu.memref_slice %arg18[%dma_wait3A_764, %dma_wait3A_765] : memref<256x64xf32, #tpu.memory_space<vmem>> -> memref<128x64xf32, #tpu.memory_space<vmem>>
    %dma_wait3A_767 = arith.constant 0 : i32
    %dma_wait3A_768 = arith.constant 0 : i32
    %dma_wait3A_769 = tpu.memref_slice %arg5[%dma_wait3A_767, %dma_wait3A_768] : memref<100000x64xf32, #tpu.memory_space<hbm>> -> memref<128x64xf32, #tpu.memory_space<hbm>>
    %dma_wait3A_770 = arith.constant 0 : i32
    %dma_wait3A_771 = arith.constant 0 : i32
    %dma_wait3A_772 = tpu.memref_slice %arg18[%dma_wait3A_770, %dma_wait3A_771] : memref<256x64xf32, #tpu.memory_space<vmem>> -> memref<128x64xf32, #tpu.memory_space<vmem>>
    %dma_wait3A_773 = arith.constant 0 : i32
    %dma_wait3A_774 = arith.constant 0 : i32
    %dma_wait3A_775 = tpu.memref_slice %arg5[%dma_wait3A_773, %dma_wait3A_774] : memref<100000x64xf32, #tpu.memory_space<hbm>> -> memref<128x64xf32, #tpu.memory_space<hbm>>
    tpu.wait_dma2 semaphore(%arg20 : memref<!tpu.dma_semaphore, #tpu.memory_space<semaphore_mem>>) src(%dma_wait3A_775 : memref<128x64xf32, #tpu.memory_space<hbm>>) dst(%dma_wait3A_772 : memref<128x64xf32, #tpu.memory_space<vmem>>)
    %dma_wait3A_776 = arith.constant 128 : i32
    %dma_wait3A_777 = arith.constant 0 : i32
    %dma_wait3A_778 = tpu.memref_slice %arg18[%dma_wait3A_776, %dma_wait3A_777] : memref<256x64xf32, #tpu.memory_space<vmem>> -> memref<128x64xf32, #tpu.memory_space<vmem>>
    %dma_wait3A_779 = arith.constant 0 : i32
    %dma_wait3A_780 = arith.constant 0 : i32
    %dma_wait3A_781 = tpu.memref_slice %arg5[%dma_wait3A_779, %dma_wait3A_780] : memref<100000x64xf32, #tpu.memory_space<hbm>> -> memref<128x64xf32, #tpu.memory_space<hbm>>
    %dma_wait3A_782 = arith.constant 128 : i32
    %dma_wait3A_783 = arith.constant 0 : i32
    %dma_wait3A_784 = tpu.memref_slice %arg18[%dma_wait3A_782, %dma_wait3A_783] : memref<256x64xf32, #tpu.memory_space<vmem>> -> memref<128x64xf32, #tpu.memory_space<vmem>>
    %dma_wait3A_785 = arith.constant 0 : i32
    %dma_wait3A_786 = arith.constant 0 : i32
    %dma_wait3A_787 = tpu.memref_slice %arg5[%dma_wait3A_785, %dma_wait3A_786] : memref<100000x64xf32, #tpu.memory_space<hbm>> -> memref<128x64xf32, #tpu.memory_space<hbm>>
    tpu.wait_dma2 semaphore(%arg20 : memref<!tpu.dma_semaphore, #tpu.memory_space<semaphore_mem>>) src(%dma_wait3A_787 : memref<128x64xf32, #tpu.memory_space<hbm>>) dst(%dma_wait3A_784 : memref<128x64xf32, #tpu.memory_space<vmem>>)
    %scan3A_788 = arith.constant 0 : i32
    %scan3A_789 = arith.constant 256 : i32
    %scan3A_790 = arith.addi %scan3A_788, %scan3A_789 : i32
    %scan3A_791 = arith.constant 1 : i32
    scf.for %scan3A_809 = %scan3A_788 to %scan3A_790 step %scan3A_791  : i32 {
      %get3A = arith.index_cast %scan3A_809 : i32 to index
      %get3A_810 = arith.constant 0 : index
      %get3A_811 = tpu.vector_load %arg16[%get3A, %get3A_810] {strides = array<i32>} : memref<256x64xf32, #tpu.memory_space<vmem>>, vector<1x16xf32>,
      %get3A_812 = vector.shape_cast %get3A_811 : vector<1x16xf32> to vector<16xf32>
      %get3A_813 = arith.index_cast %scan3A_809 : i32 to index
      %get3A_814 = arith.constant 0 : index
      %get3A_815 = tpu.vector_load %arg17[%get3A_813, %get3A_814] {strides = array<i32>} : memref<256x64xf32, #tpu.memory_space<vmem>>, vector<1x16xf32>,
      %get3A_816 = vector.shape_cast %get3A_815 : vector<1x16xf32> to vector<16xf32>
      %add3A_817 = arith.addf %get3A_812, %get3A_816 : vector<16xf32>
      %get3A_818 = arith.index_cast %scan3A_809 : i32 to index
      %get3A_819 = arith.constant 0 : index
      %get3A_820 = tpu.vector_load %arg18[%get3A_818, %get3A_819] {strides = array<i32>} : memref<256x64xf32, #tpu.memory_space<vmem>>, vector<1x16xf32>,
      %get3A_821 = vector.shape_cast %get3A_820 : vector<1x16xf32> to vector<16xf32>
      %add3A_822 = arith.addf %add3A_817, %get3A_821 : vector<16xf32>
      %mul3A_823 = arith.constant 2.66666675 : f32
      %mul3A_824 = vector.broadcast %mul3A_823 : f32 to vector<16xf32>
      %mul3A_825 = arith.mulf %add3A_822, %mul3A_824 : vector<16xf32>
      %swap3A = arith.index_cast %scan3A_809 : i32 to index
      %swap3A_826 = arith.constant 0 : index
      %swap3A_827 = tpu.vector_load %arg16[%swap3A, %swap3A_826] {strides = array<i32>} : memref<256x64xf32, #tpu.memory_space<vmem>>, vector<1x16xf32>,
      %swap3A_828 = vector.shape_cast %swap3A_827 : vector<1x16xf32> to vector<16xf32>
      %swap3A_829 = vector.shape_cast %mul3A_825 : vector<16xf32> to vector<1x16xf32>
      tpu.vector_store %arg16[%swap3A, %swap3A_826], %swap3A_829 {strides = array<i32>} : memref<256x64xf32, #tpu.memory_space<vmem>>, vector<1x16xf32>,
      %get3A_830 = arith.index_cast %scan3A_809 : i32 to index
      %get3A_831 = arith.constant 16 : index
      %get3A_832 = tpu.vector_load %arg16[%get3A_830, %get3A_831] {strides = array<i32>} : memref<256x64xf32, #tpu.memory_space<vmem>>, vector<1x16xf32>,
      %get3A_833 = vector.shape_cast %get3A_832 : vector<1x16xf32> to vector<16xf32>
      %get3A_834 = arith.index_cast %scan3A_809 : i32 to index
      %get3A_835 = arith.constant 16 : index
      %get3A_836 = tpu.vector_load %arg17[%get3A_834, %get3A_835] {strides = array<i32>} : memref<256x64xf32, #tpu.memory_space<vmem>>, vector<1x16xf32>,
      %get3A_837 = vector.shape_cast %get3A_836 : vector<1x16xf32> to vector<16xf32>
      %add3A_838 = arith.addf %get3A_833, %get3A_837 : vector<16xf32>
      %get3A_839 = arith.index_cast %scan3A_809 : i32 to index
      %get3A_840 = arith.constant 16 : index
      %get3A_841 = tpu.vector_load %arg18[%get3A_839, %get3A_840] {strides = array<i32>} : memref<256x64xf32, #tpu.memory_space<vmem>>, vector<1x16xf32>,
      %get3A_842 = vector.shape_cast %get3A_841 : vector<1x16xf32> to vector<16xf32>
      %add3A_843 = arith.addf %add3A_838, %get3A_842 : vector<16xf32>
      %mul3A_844 = arith.constant 2.66666675 : f32
      %mul3A_845 = vector.broadcast %mul3A_844 : f32 to vector<16xf32>
      %mul3A_846 = arith.mulf %add3A_843, %mul3A_845 : vector<16xf32>
      %swap3A_847 = arith.index_cast %scan3A_809 : i32 to index
      %swap3A_848 = arith.constant 16 : index
      %swap3A_849 = tpu.vector_load %arg16[%swap3A_847, %swap3A_848] {strides = array<i32>} : memref<256x64xf32, #tpu.memory_space<vmem>>, vector<1x16xf32>,
      %swap3A_850 = vector.shape_cast %swap3A_849 : vector<1x16xf32> to vector<16xf32>
      %swap3A_851 = vector.shape_cast %mul3A_846 : vector<16xf32> to vector<1x16xf32>
      tpu.vector_store %arg16[%swap3A_847, %swap3A_848], %swap3A_851 {strides = array<i32>} : memref<256x64xf32, #tpu.memory_space<vmem>>, vector<1x16xf32>,
      %get3A_852 = arith.index_cast %scan3A_809 : i32 to index
      %get3A_853 = arith.constant 32 : index
      %get3A_854 = tpu.vector_load %arg16[%get3A_852, %get3A_853] {strides = array<i32>} : memref<256x64xf32, #tpu.memory_space<vmem>>, vector<1x16xf32>,
      %get3A_855 = vector.shape_cast %get3A_854 : vector<1x16xf32> to vector<16xf32>
      %get3A_856 = arith.index_cast %scan3A_809 : i32 to index
      %get3A_857 = arith.constant 32 : index
      %get3A_858 = tpu.vector_load %arg17[%get3A_856, %get3A_857] {strides = array<i32>} : memref<256x64xf32, #tpu.memory_space<vmem>>, vector<1x16xf32>,
      %get3A_859 = vector.shape_cast %get3A_858 : vector<1x16xf32> to vector<16xf32>
      %add3A_860 = arith.addf %get3A_855, %get3A_859 : vector<16xf32>
      %get3A_861 = arith.index_cast %scan3A_809 : i32 to index
      %get3A_862 = arith.constant 32 : index
      %get3A_863 = tpu.vector_load %arg18[%get3A_861, %get3A_862] {strides = array<i32>} : memref<256x64xf32, #tpu.memory_space<vmem>>, vector<1x16xf32>,
      %get3A_864 = vector.shape_cast %get3A_863 : vector<1x16xf32> to vector<16xf32>
      %add3A_865 = arith.addf %add3A_860, %get3A_864 : vector<16xf32>
      %mul3A_866 = arith.constant 2.66666675 : f32
      %mul3A_867 = vector.broadcast %mul3A_866 : f32 to vector<16xf32>
      %mul3A_868 = arith.mulf %add3A_865, %mul3A_867 : vector<16xf32>
      %swap3A_869 = arith.index_cast %scan3A_809 : i32 to index
      %swap3A_870 = arith.constant 32 : index
      %swap3A_871 = tpu.vector_load %arg16[%swap3A_869, %swap3A_870] {strides = array<i32>} : memref<256x64xf32, #tpu.memory_space<vmem>>, vector<1x16xf32>,
      %swap3A_872 = vector.shape_cast %swap3A_871 : vector<1x16xf32> to vector<16xf32>
      %swap3A_873 = vector.shape_cast %mul3A_868 : vector<16xf32> to vector<1x16xf32>
      tpu.vector_store %arg16[%swap3A_869, %swap3A_870], %swap3A_873 {strides = array<i32>} : memref<256x64xf32, #tpu.memory_space<vmem>>, vector<1x16xf32>,
      %get3A_874 = arith.index_cast %scan3A_809 : i32 to index
      %get3A_875 = arith.constant 48 : index
      %get3A_876 = tpu.vector_load %arg16[%get3A_874, %get3A_875] {strides = array<i32>} : memref<256x64xf32, #tpu.memory_space<vmem>>, vector<1x16xf32>,
      %get3A_877 = vector.shape_cast %get3A_876 : vector<1x16xf32> to vector<16xf32>
      %get3A_878 = arith.index_cast %scan3A_809 : i32 to index
      %get3A_879 = arith.constant 48 : index
      %get3A_880 = tpu.vector_load %arg17[%get3A_878, %get3A_879] {strides = array<i32>} : memref<256x64xf32, #tpu.memory_space<vmem>>, vector<1x16xf32>,
      %get3A_881 = vector.shape_cast %get3A_880 : vector<1x16xf32> to vector<16xf32>
      %add3A_882 = arith.addf %get3A_877, %get3A_881 : vector<16xf32>
      %get3A_883 = arith.index_cast %scan3A_809 : i32 to index
      %get3A_884 = arith.constant 48 : index
      %get3A_885 = tpu.vector_load %arg18[%get3A_883, %get3A_884] {strides = array<i32>} : memref<256x64xf32, #tpu.memory_space<vmem>>, vector<1x16xf32>,
      %get3A_886 = vector.shape_cast %get3A_885 : vector<1x16xf32> to vector<16xf32>
      %add3A_887 = arith.addf %add3A_882, %get3A_886 : vector<16xf32>
      %mul3A_888 = arith.constant 2.66666675 : f32
      %mul3A_889 = vector.broadcast %mul3A_888 : f32 to vector<16xf32>
      %mul3A_890 = arith.mulf %add3A_887, %mul3A_889 : vector<16xf32>
      %swap3A_891 = arith.index_cast %scan3A_809 : i32 to index
      %swap3A_892 = arith.constant 48 : index
      %swap3A_893 = tpu.vector_load %arg16[%swap3A_891, %swap3A_892] {strides = array<i32>} : memref<256x64xf32, #tpu.memory_space<vmem>>, vector<1x16xf32>,
      %swap3A_894 = vector.shape_cast %swap3A_893 : vector<1x16xf32> to vector<16xf32>
      %swap3A_895 = vector.shape_cast %mul3A_890 : vector<16xf32> to vector<1x16xf32>
      tpu.vector_store %arg16[%swap3A_891, %swap3A_892], %swap3A_895 {strides = array<i32>} : memref<256x64xf32, #tpu.memory_space<vmem>>, vector<1x16xf32>,
    }
    %scan3A_792 = arith.constant 256 : i32
    %mul3A_793 = arith.constant 200 : i32
    %mul3A_794 = arith.muli %add3A, %mul3A_793 : i32
    %add3A_795 = arith.constant 198 : i32
    %add3A_796 = arith.addi %mul3A_794, %add3A_795 : i32
    %mul3A_797 = arith.constant 128 : i32
    %mul3A_798 = arith.muli %add3A_796, %mul3A_797 : i32
    %dma_start3A_799 = arith.constant 0 : i32
    %dma_start3A_800 = tpu.memref_slice %arg6[%mul3A_798, %dma_start3A_799] : memref<819200x64xf32, #tpu.memory_space<hbm>> -> memref<256x64xf32, #tpu.memory_space<hbm>>
    %dma_start3A_801 = arith.constant 0 : i32
    %dma_start3A_802 = tpu.memref_slice %arg6[%mul3A_798, %dma_start3A_801] : memref<819200x64xf32, #tpu.memory_space<hbm>> -> memref<256x64xf32, #tpu.memory_space<hbm>>
    tpu.enqueue_dma source(%arg16 : memref<256x64xf32, #tpu.memory_space<vmem>>) target(%dma_start3A_802 : memref<256x64xf32, #tpu.memory_space<hbm>>) target_semaphore(%arg22 : memref<!tpu.dma_semaphore, #tpu.memory_space<semaphore_mem>>)
    %dma_wait3A_803 = arith.constant 0 : i32
    %dma_wait3A_804 = arith.constant 0 : i32
    %dma_wait3A_805 = tpu.memref_slice %arg6[%dma_wait3A_803, %dma_wait3A_804] : memref<819200x64xf32, #tpu.memory_space<hbm>> -> memref<256x64xf32, #tpu.memory_space<hbm>>
    %dma_wait3A_806 = arith.constant 0 : i32
    %dma_wait3A_807 = arith.constant 0 : i32
    %dma_wait3A_808 = tpu.memref_slice %arg6[%dma_wait3A_806, %dma_wait3A_807] : memref<819200x64xf32, #tpu.memory_space<hbm>> -> memref<256x64xf32, #tpu.memory_space<hbm>>
    tpu.wait_dma2 semaphore(%arg22 : memref<!tpu.dma_semaphore, #tpu.memory_space<semaphore_mem>>) src(%arg16 : memref<256x64xf32, #tpu.memory_space<vmem>>) dst(%dma_wait3A_808 : memref<256x64xf32, #tpu.memory_space<hbm>>)
    return
  }
}

</mosaic_0001>

<sc_bundles>
// kernel: _three_hot_sc.3.cloned.1.call-start
scs
__scs_entry_jumppad:
0x0: {  	(pc) =	sbr.rel $0x88, $3  }
0x1: {  	(tag) =	ssettag $0x0;
	lr =	simm.s32 $0x1  }
0x2: {  	[smem:$0x3F9D] =	sst lr;
	_ =	strace $0xD0000000  }
0x3: {  	_ = 	snop  }
0x4: {  	_ = 	snop  }
0x5: {  	_ = 	snop  }
0x6: {  	_ = 	snop  }
0x7: {  	_ = 	snop  }
__scs_overlays_trampoline_lowered:
0x8: {  	[smem:$0x3FAC] =	sst s0  }
0x9: {  	[smem:$0x3FAD] =	sst s1  }
0xa: {  	[smem:$0x3FAE] =	sst s2  }
0xb: {  	[smem:$0x3FAF] =	sst s3  }
0xc: {  	[smem:$0x3FB0] =	sst s4  }
0xd: {  	[smem:$0x3FB1] =	sst s5  }
0xe: {  	[smem:$0x3FB2] =	sst s6  }
0xf: {  	[smem:$0x3FB3] =	sst s7  }
0x10: {  	[smem:$0x3FB4] =	sst s8  }
0x11: {  	[smem:$0x3FB5] =	sst s9;
	s0 =	simm.s32 @!p0 $0x0  }
0x12: {  	s1 =	sld [smem:$0x3F9B];
	s0 =	simm.s32 @p0 $0x1  }
0x13: {  	[smem:$0x3FB6] =	sst s0;
	s0 =	simm.s32 @!p1 $0x0  }
0x14: {  	s2 =	sld [smem:$0x3F9A];
	s0 =	simm.s32 @p1 $0x1  }
0x15: {  	[smem:$0x3FB7] =	sst s0;
	s0 =	simm.s32 @!p2 $0x0  }
0x16: {  	s3 =	sld [smem:$0x3FDB];
	s0 =	simm.s32 @p2 $0x1  }
0x17: {  	s4 =	simm.s32 $0x1BF5;
	[smem:$0x3FB9] =	sst s0  }
0x18: {  	s0 =	sld [smem:$0x3F9C];
	_ =	swait.ge [sflag:s4], $0x0  }
0x19: {  	s7 =	sld [smem:$0x3F9D]  }
0x1a: {  	s8 =	sadd.s32 $0xFFFFE003, lr  }
0x1b: {  	s9 =	sadd.s32 $0xFFFFFEF7, lr;
	s5 =	simm.s32 $0xFFFFFFFF;
	p2 =	slt.u32 s8, $0xFFFFF086  }
0x1c: {  	p1 =	slt.u32 s9, $0xF7A;
	s5 =	simm.s32 @!p2 $0x0  }
0x1d: {  	s5 =	simm.s32 @p1 $0x1;
	p0 =	seq.s32 s7, s2  }
0x1e: {  	s7 =	smul.u32 @!p0 $0xF7A, s2;
	p2 =	seq.s32 @!p0 s5, $0x0  }
0x1f: {  	s9 =	smul.u32 $0xF7A, s1;
	s8 =	simm.s32 @!p0 $0x1BF5;
	p2 =	por !p2, p0  }
0x20: {  	[sflag:s8] =	ssyncset.s32 @!p0 $0xFFFFF086;
	s6 =	sadd.s32 @!p0 s3, s7;
	s7 =	simm.s32 @!p0 $0x108  }
0x21: {  	s3 =	sadd.s32 s3, s9;
	s6 =	sadd.s32 @!p0 $0x88, s6;
	s7 =	simm.s32 @p2 $0x1082  }
0x22: {  	[simem:s7], [sflag:s8] =	dma.local @!p0 [hbm:s6], $0xF7A  }
0x23: {  	s9 =	sor.u32 $0xD0000000, s2;
	s6 =	simm.s32 $0x108;
	_ =	swait.ge @!p0 [sflag:s8], $0x0  }
0x24: {  	s3 =	sadd.s32 $0x88, s3;
	s6 =	simm.s32 @!p1 $0x1082;
	[sflag:s4] =	ssyncset.s32 $0xFFFFF086  }
0x25: {  	[simem:s6], [sflag:s4] =	dma.local [hbm:s3], $0xF7A  }
0x26: {  	[smem:$0x3F9D] =	sst s1;
	(tag) =	ssettag s2;
	_ =	strace s9  }
0x27: {  	s1 =	sld [smem:$0x3FAD]  }
0x28: {  	s2 =	sld [smem:$0x3FAE]  }
0x29: {  	s4 =	sld [smem:$0x3FB0]  }
0x2a: {  	p0 =	seq.s32 s5, $0x0;
	s5 =	sld [smem:$0x3FB1]  }
0x2b: {  	s6 =	sld [smem:$0x3FB2]  }
0x2c: {  	s7 =	sld [smem:$0x3FB3]  }
0x2d: {  	s3 =	simm.s32 $0x108;
	s8 =	sld [smem:$0x3FB4]  }
0x2e: {  	s3 =	simm.s32 @!p0 $0x1082;
	s9 =	sld [smem:$0x3FB5]  }
0x2f: {  	lr =	sadd.s32 s0, s3;
	s0 =	sld [smem:$0x3FAC]  }
0x30: {  	s3 =	sld [smem:$0x3FAF]  }
0x31: {  	[smem:$0x3FB8] =	sst s10  }
0x32: {  	s10 =	sld [smem:$0x3FB6];
	_ =	sdelay $0x3  }
0x33: {  	p0 =	seq.s32 s10, $0x1;
	s10 =	sld [smem:$0x3FB8];
	_ =	sdelay $0x3  }
0x34: {  	[smem:$0x3FB8] =	sst s10  }
0x35: {  	s10 =	sld [smem:$0x3FB7];
	_ =	sdelay $0x3  }
0x36: {  	p1 =	seq.s32 s10, $0x1;
	s10 =	sld [smem:$0x3FB8];
	_ =	sdelay $0x3  }
0x37: {  	[smem:$0x3FB8] =	sst s10  }
0x38: {  	s10 =	sld [smem:$0x3FB9]  }
0x39: {  	_ = 	snop;
	(pc) =	sbr.ind lr, $3  }
0x3a: {  	_ = 	snop  }
0x3b: {  	_ = 	snop  }
0x3c: {  	p2 =	seq.s32 s10, $0x1;
	s10 =	sld [smem:$0x3FB8]  }
0x3d: {  	_ =	shalt  }
0x3e: {  	_ =	shalt  }
0x3f: {  	_ =	shalt  }
0x40: {  	_ =	shalt  }
0x41: {  	_ =	shalt  }
0x42: {  	_ =	shalt  }
0x43: {  	_ =	shalt  }
0x44: {  	_ =	shalt  }
0x45: {  	_ =	shalt  }
0x46: {  	_ =	shalt  }
0x47: {  	_ =	shalt  }
0x48: {  	_ =	shalt  }
0x49: {  	_ =	shalt  }
0x4a: {  	_ =	shalt  }
0x4b: {  	_ =	shalt  }
0x4c: {  	_ =	shalt  }
0x4d: {  	_ =	shalt  }
0x4e: {  	_ =	shalt  }
0x4f: {  	_ =	shalt  }
0x50: {  	_ =	shalt  }
0x51: {  	_ =	shalt  }
0x52: {  	_ =	shalt  }
0x53: {  	_ =	shalt  }
0x54: {  	_ =	shalt  }
0x55: {  	_ =	shalt  }
0x56: {  	_ =	shalt  }
0x57: {  	_ =	shalt  }
0x58: {  	_ =	shalt  }
0x59: {  	_ =	shalt  }
0x5a: {  	_ =	shalt  }
0x5b: {  	_ =	shalt  }
0x5c: {  	_ =	shalt  }
0x5d: {  	_ =	shalt  }
0x5e: {  	_ =	shalt  }
0x5f: {  	_ =	shalt  }
0x60: {  	_ =	shalt  }
0x61: {  	_ =	shalt  }
0x62: {  	_ =	shalt  }
0x63: {  	_ =	shalt  }
0x64: {  	_ =	shalt  }
0x65: {  	_ =	shalt  }
0x66: {  	_ =	shalt  }
0x67: {  	_ =	shalt  }
0x68: {  	_ =	shalt  }
0x69: {  	_ =	shalt  }
0x6a: {  	_ =	shalt  }
0x6b: {  	_ =	shalt  }
0x6c: {  	_ =	shalt  }
0x6d: {  	_ =	shalt  }
0x6e: {  	_ =	shalt  }
0x6f: {  	_ =	shalt  }
0x70: {  	_ =	shalt  }
0x71: {  	_ =	shalt  }
0x72: {  	_ =	shalt  }
0x73: {  	_ =	shalt  }
0x74: {  	_ =	shalt  }
0x75: {  	_ =	shalt  }
0x76: {  	_ =	shalt  }
0x77: {  	_ =	shalt  }
0x78: {  	_ =	shalt  }
0x79: {  	_ =	shalt  }
0x7a: {  	_ =	shalt  }
0x7b: {  	_ =	shalt  }
0x7c: {  	_ =	shalt  }
0x7d: {  	_ =	shalt  }
0x7e: {  	_ =	shalt  }
0x7f: {  	_ =	shalt  }
0x80: {  	_ =	shalt  }
0x81: {  	_ =	shalt  }
0x82: {  	_ =	shalt  }
0x83: {  	_ =	shalt  }
0x84: {  	_ =	shalt  }
0x85: {  	_ =	shalt  }
0x86: {  	_ =	shalt  }
0x87: {  	_ =	shalt  }
.Lfunc_end0:
.L_simem_size_0:
called_computation.1_lowered:
.L_overlay_start_0:
0x88: {  	s2 =	sld [smem:$0x3FD9]  }
0x89: {  	s3 =	sld [smem:$0x3FFE];
	_ =	sdelay $0x1  }
0x8a: {  	s1 =	srdreg.scid  }
0x8b: {  	s0 =	sand.u32 $0x1, s1  }
0x8c: {  	s17 =	sshll.u32 s0, $0xA;
	s2 =	sadd.s32 s3, s2  }
0x8d: {  	s2 =	sadd.s32 s2, s17  }
0x8e: {  	[smem:$0x3FC4] =	sst s2  }
0x8f: {  	_ = 	snop  }
0x90: {  	s2 =	sld [smem:$0x3FC9]  }
0x91: {  	s18 =	sld [smem:$0x3FD0];
	(tm) =	ssettm $0x1  }
0x92: {  	s4 =	sld [smem:$0x3FFB];
	_ =	sdelay $0x3  }
0x93: {  	_ =	strace s4  }
0x94: {  	s4 =	sld [smem:$0x3FFC];
	_ =	sdelay $0x3  }
0x95: {  	_ =	strace s4  }
0x96: {  	s4 =	sld [smem:$0x3FFD];
	_ =	sdelay $0x3  }
0x97: {  	_ =	strace s4  }
0x98: {  	_ =	strace $0x8FFFFFFF  }
0x99: {  	s19 =	sld [smem:$0x3FDB];
	_ =	sdelay $0x1  }
0x9a: {  	s5 =	simm.s32 $_scs_section_size  }
0x9b: {  	s6 =	simm.s32 $_size__tile_overlayer_lowered;
	s7 =	simm.s32 $_tile_overlayer_lowered  }
0x9c: {  	s22 =	simm.s32 $0x1BFF;
	s21 =	sshll.u32 s7, $0x1;
	s4 =	sadd.s32 s5, s19  }
0x9d: {  	s8 =	simm.s32 $0x0;
	s20 =	sshll.u32 s6, $0x1;
	s6 =	sadd.s32 s21, s4  }
0x9e: {  	[timem:s8], [sflag:s22] =	dma.local [hbm:s6], s20  }
0x9f: {  	_ =	swait.ge [sflag:s22], s20  }
0xa0: {  	s5 =	ssub.s32 $0x0, s20;
	[sflag:s22] =	ssyncset.done $0x0  }
0xa1: {  	[sflag:s22] =	ssyncadd.s32 s5;
	_ =	sdelay $0x1  }
0xa2: {  	s23 =	simm.s32 $0x1B8B  }
0xa3: {  	_ =	swait.ge [sflag:s23], $0x1  }
0xa4: {  	[sflag:s23] =	ssyncset.done $0x0  }
0xa5: {  	s25 =	simm.s32 $0x1B8E;
	s24 =	sld [smem:$0x3FFE];
	[sflag:s23] =	ssyncadd.s32 $0xFFFFFFFF  }
0xa6: {  	s26 =	simm.s32 $execute0_lowered;
	[smem:$0x3FD2] =	sst s25  }
0xa7: {  	s6 =	sshll.u32 s26, $0x1;
	_ =	strace $0x80000046;
	[dreg:$0x1] =	wrdreg $0xFFFFFFFF  }
0xa8: {  	s28 =	simm.s32 $_size_execute0_lowered;
	s4 =	sadd.s32 s4, s6;
	[dreg:$0x0] =	wrdreg $0x0  }
0xa9: {  	s6 =	sshll.u32 s28, $0x1;
	[dreg:$0x2] =	wrdreg s4  }
0xaa: {  	[dreg:$0x3] =	wrdreg s6  }
0xab: {  	[dreg:$0x4] =	wrdreg $0xC0  }
0xac: {  	_ =	task [dreg:s8], $0x5FFFF  }
0xad: {  	[dreg:$0x1] =	wrdreg $0xFFFFFFFF  }
0xae: {  	[dreg:$0x0] =	wrdreg $0x60  }
0xaf: {  	[dreg:$0x2] =	wrdreg s2  }
0xb0: {  	[dreg:$0x3] =	wrdreg s24  }
0xb1: {  	[dreg:$0x4] =	wrdreg s18  }
0xb2: {  	[dreg:$0x5] =	wrdreg $0x9  }
0xb3: {  	_ =	task.clear_ibuf [dreg:s8], $0x6FFFF;
	_ =	strace $0x90000046  }
0xb4: {  	s29 =	simm.s32 $0x9;
	_ =	strace $0x80000048  }
0xb5: {  	_ =	swait.ge [sflag:s29], $0x1  }
0xb6: {  	[sflag:s29] =	ssyncadd.s32 $0xFFFFFFFF  }
0xb7: {  	_ =	strace $0x90000048  }
0xb8: {  	_ =	sfence  }
0xb9: {  	s30 =	sld [smem:$0x0];
	_ =	sdelay $0x2  }
0xba: {  	s31 =	sshll.u32 s1, $0xD;
	s1 =	sshrl.u32 s1, $0x2  }
0xbb: {  	s3 =	sand.u32 $0x4000, s31;
	s1 =	sadd.s32 s1, s30  }
0xbc: {  	s0 =	sor.u32 s3, s0;
	s1 =	sshll.u32 s1, $0x11  }
0xbd: {  	s0 =	sor.u32 s1, s0  }
0xbe: {  	s0 =	sadd.s32 $0x8F2B, s0  }
0xbf: {  	[sflag:s0] =	ssyncadd.remote.s32 $0x1  }
0xc0: {  	_ =	sfence.sel $0xFFFF  }
0xc1: {  	[dreg:$0x0] =	wrdreg $0xFFFFFFFF;
	(pc) =	sbr.abs _section_cstart, $3  }
0xc2: {  	[dreg:$0x1] =	wrdreg $0xFFFFFFFF  }
0xc3: {  	_ =	task.clear_ibuf [dreg:s8], $0x2FFFF;
	_ =	strace $0x9FFFFFFF  }
0xc4: {  	(tm) =	ssettm $0x7FFFFFFF  }
0xc5: {  	_ =	shalt  }
tec
execute0_lowered:
.L_overlay_start_1:
0x0: {  	(tag) =	ssettag $0x1  }
0x1: {  	s1 =	rddreg [dreg:$0x0]  }
0x2: {  	s0 =	rddreg [dreg:$0x1]  }
0x3: {  	s3 =	rddreg [dreg:$0x2]  }
0x4: {  	s2 =	srdreg.scid;
	s5 =	stileid.u32;
	s4 =	simm.s32 $0x0  }
0x5: {  	s31 =	simm.s32 $0x100;
	s2 =	sand.u32 $0x1, s2;
	s5 =	sshll.u32 s5, $0x1  }
0x6: {  	s13 =	simm.s32 $0x1;
	s14 =	simm.s32 $0x3;
	s8 =	sor.u32 s2, s5  }
0x7: {  	[smem:$0x7FF] =	sst s4;
	s6 =	sadd.s32 $0xC5A00, s0;
	s9 =	smul.u32 $0x6400, s8  }
0x8: {  	s7 =	sadd.s32 $0x189000, s0;
	s2 =	ssub.s32 $0x2, s2;
	s17 =	smul.u32 $0xC8, s8  }
0x9: {  	_ =	strace $0x80000047;
	s15 =	sshrl.u32 s2, $0x1;
	s22 =	smul.u32 $0x32000, s8  }
0xa: {  	s5 =	sadd.s32 $0x2400, s0;
	s8 =	smul.u32 $0x190000, s8;
	s0 =	ssub.s32 s2, s15  }
0xb: {  	s15 =	simm.s32 $0x2;
	s10 =	sshrl.u32 s9, $0x3;
	s0 =	smax.u32 s0, $0x1  }
0xc: {  	s16 =	sor.u32 $0x100, s9;
	s11 =	sadd.s32 s1, s10;
	[dreg:$0x11] =	wrdreg s0  }
0xd: {  	s25 =	sshrl.u32 s8, $0x3;
	s10 =	sadd.s32 $0x19000, s11;
	[dreg:$0x4] =	wrdreg s11  }
0xe: {  	s9 =	simm.s32 $0x600;
	s12 =	sadd.s32 $0x32000, s11;
	[dreg:$0x5] =	wrdreg s10  }
0xf: {  	s18 =	sshrl.u32 s16, $0x3;
	s19 =	sadd.s32 $0x19020, s11;
	[dreg:$0x6] =	wrdreg s12  }
0x10: {  	s2 =	sshll.u32 s16, $0x3;
	s20 =	sadd.s32 $0x32020, s11;
	[dreg:$0x8] =	wrdreg s19  }
0x11: {  	s0 =	simm.s32 $0x200;
	s21 =	sadd.s32 $0x40, s11;
	[dreg:$0x9] =	wrdreg s20  }
0x12: {  	s16 =	simm.s32 $0x4;
	s23 =	sadd.s32 $0x19040, s11;
	[dreg:$0xa] =	wrdreg s21  }
0x13: {  	s24 =	sadd.s32 $0x32040, s11;
	s2 =	sadd.s32 s3, s2;
	[dreg:$0xb] =	wrdreg s23  }
0x14: {  	s28 =	sadd.s32 $0x60, s11;
	s29 =	sadd.s32 $0x19060, s11;
	[dreg:$0xc] =	wrdreg s24  }
0x15: {  	s30 =	sadd.s32 $0x32060, s11;
	s11 =	simm.s32 $0x580;
	[dreg:$0xe] =	wrdreg s2  }
0x16: {  	s10 =	sadd.s32 s1, s18;
	s19 =	sadd.s32 $0x8, s17;
	[dreg:$0x12] =	wrdreg s28  }
0x17: {  	s20 =	sor.u32 $0x4, s17;
	s21 =	sadd.s32 $0xA, s17;
	[dreg:$0x13] =	wrdreg s29  }
0x18: {  	s2 =	sadd.s32 s3, s25;
	[dreg:$0x14] =	wrdreg s30;
	s18 =	simm.s32 $0x400  }
0x19: {  	s23 =	simm.s32 $0x500;
	s24 =	simm.s32 $0x5;
	s25 =	simm.s32 $0xC600  }
0x1a: {  	s12 =	simm.s32 $0x16600;
	[dreg:$0x7] =	wrdreg s10;
	s10 =	sadd.s32 s3, s22  }
0x1b: {  	s22 =	sor.u32 $0x6, s17;
	s26 =	sadd.s32 $0x31000, s2;
	[dreg:$0xd] =	wrdreg s10  }
0x1c: {  	s2 =	sadd.s32 $0x31800, s2;
	s17 =	simm.s32 $0x300;
	[dreg:$0xf] =	wrdreg s26  }
0x1d: {  	[dreg:$0x10] =	wrdreg s2;
	s2 =	simm.s32 $0x80;
	s10 =	simm.s32 $0x0  }
.LBB2_1:
0x1e: {  	[dreg:$0x15] =	wrdreg s10  }
0x1f: {  	s8 =	rddreg [dreg:$0x4];
	s28 =	simm.s32 $0x6  }
0x20: {  	[tilespmem:s4], [sflag:$0x6] =	stream.linear.gather [hbm4b:s8+s4], $0x100, $0x38;
	[tilespmem:$0x18600] =	vst v63  }
0x21: {  	_ =	swait.ge [sflag:s28], $0x100  }
0x22: {  	[sflag:s28] =	ssyncset.done $0x0  }
0x23: {  	s29 =	rddreg [dreg:$0x5];
	[sflag:s28] =	ssyncadd.s32 $0xFFFFFF00  }
0x24: {  	[tilespmem:s31], [sflag:$0x6] =	stream.linear.gather [hbm4b:s29+s4], $0x100, $0x38;
	[tilespmem:$0x18600] =	vst v63  }
0x25: {  	_ =	swait.ge [sflag:s28], $0x100  }
0x26: {  	[sflag:s28] =	ssyncset.done $0x0  }
0x27: {  	s30 =	rddreg [dreg:$0x6];
	[sflag:s28] =	ssyncadd.s32 $0xFFFFFF00  }
0x28: {  	[tilespmem:s0], [sflag:$0x6] =	stream.linear.gather [hbm4b:s30+s4], $0x100, $0x38;
	[tilespmem:$0x18600] =	vst v63  }
0x29: {  	_ =	swait.ge [sflag:s28], $0x100  }
0x2a: {  	[sflag:s28] =	ssyncset.done $0x0  }
0x2b: {  	[sflag:s28] =	ssyncadd.s32 $0xFFFFFF00  }
0x2c: {  	[tilespmem:s9], [sflag:$0x1] =	stream.indirect.gather [hbm4b:s5+s2], $0x40, s4, s2, $0xb8;
	[tilespmem:$0x18600] =	vst v63  }
0x2d: {  	s10 =	simm.s32 $0x2600  }
0x2e: {  	[tilespmem:s10], [sflag:$0x1] =	stream.indirect.gather [hbm4b:s5+s2], $0x40, s2, s2, $0xb8;
	[tilespmem:$0x18600] =	vst v63  }
0x2f: {  	s26 =	simm.s32 $0x4600  }
0x30: {  	[tilespmem:s26], [sflag:$0x1] =	stream.indirect.gather [hbm4b:s6+s2], $0x40, s31, s2, $0xb8;
	[tilespmem:$0x18600] =	vst v63  }
0x31: {  	s29 =	simm.s32 $0x6600;
	s28 =	simm.s32 $0x180  }
0x32: {  	[tilespmem:s29], [sflag:$0x1] =	stream.indirect.gather [hbm4b:s6+s2], $0x40, s28, s2, $0xb8;
	[tilespmem:$0x18600] =	vst v63  }
0x33: {  	s30 =	simm.s32 $0x8600  }
0x34: {  	[tilespmem:s30], [sflag:$0x1] =	stream.indirect.gather [hbm4b:s7+s2], $0x40, s0, s2, $0xb8;
	[tilespmem:$0x18600] =	vst v63  }
0x35: {  	s10 =	simm.s32 $0x280;
	s26 =	simm.s32 $0xA600  }
0x36: {  	[tilespmem:s26], [sflag:$0x1] =	stream.indirect.gather [hbm4b:s7+s2], $0x40, s10, s2, $0xb8;
	[tilespmem:$0x18600] =	vst v63  }
0x37: {  	s28 =	rddreg [dreg:$0x7]  }
0x38: {  	[tilespmem:s17], [sflag:$0x5] =	stream.linear.gather [hbm4b:s28+s4], $0x100, $0x38;
	[tilespmem:$0x18600] =	vst v63  }
0x39: {  	s29 =	rddreg [dreg:$0x8]  }
0x3a: {  	[tilespmem:s18], [sflag:$0x5] =	stream.linear.gather [hbm4b:s29+s4], $0x100, $0x38;
	[tilespmem:$0x18600] =	vst v63  }
0x3b: {  	s30 =	rddreg [dreg:$0x9]  }
0x3c: {  	[tilespmem:s23], [sflag:$0x5] =	stream.linear.gather [hbm4b:s30+s4], $0x100, $0x38;
	[tilespmem:$0x18600] =	vst v63  }
0x3d: {  	_ =	swait.ge [sflag:s24], $0x100  }
0x3e: {  	[sflag:s24] =	ssyncset.done $0x0  }
0x3f: {  	[sflag:s24] =	ssyncadd.s32 $0xFFFFFF00  }
0x40: {  	_ =	swait.ge [sflag:s24], $0x100  }
0x41: {  	[sflag:s24] =	ssyncset.done $0x0  }
0x42: {  	[sflag:s24] =	ssyncadd.s32 $0xFFFFFF00  }
0x43: {  	_ =	swait.ge [sflag:s24], $0x100  }
0x44: {  	[sflag:s24] =	ssyncset.done $0x0  }
0x45: {  	[sflag:s24] =	ssyncadd.s32 $0xFFFFFF00  }
0x46: {  	[tilespmem:s25], [sflag:$0x2] =	stream.indirect.gather [hbm4b:s5+s2], $0x40, s17, s2, $0xb8;
	[tilespmem:$0x18600] =	vst v63  }
0x47: {  	s10 =	simm.s32 $0x380;
	s26 =	simm.s32 $0xE600  }
0x48: {  	[tilespmem:s26], [sflag:$0x2] =	stream.indirect.gather [hbm4b:s5+s2], $0x40, s10, s2, $0xb8;
	[tilespmem:$0x18600] =	vst v63  }
0x49: {  	s28 =	simm.s32 $0x10600  }
0x4a: {  	[tilespmem:s28], [sflag:$0x2] =	stream.indirect.gather [hbm4b:s6+s2], $0x40, s18, s2, $0xb8;
	[tilespmem:$0x18600] =	vst v63  }
0x4b: {  	s29 =	simm.s32 $0x480;
	s30 =	simm.s32 $0x12600  }
0x4c: {  	[tilespmem:s30], [sflag:$0x2] =	stream.indirect.gather [hbm4b:s6+s2], $0x40, s29, s2, $0xb8;
	[tilespmem:$0x18600] =	vst v63  }
0x4d: {  	s26 =	simm.s32 $0x14600  }
0x4e: {  	[tilespmem:s26], [sflag:$0x2] =	stream.indirect.gather [hbm4b:s7+s2], $0x40, s23, s2, $0xb8;
	[tilespmem:$0x18600] =	vst v63  }
0x4f: {  	_ = 	snop  }
0x50: {  	[tilespmem:s12], [sflag:$0x2] =	stream.indirect.gather [hbm4b:s7+s2], $0x40, s11, s2, $0xb8;
	[tilespmem:$0x18600] =	vst v63  }
0x51: {  	_ =	swait.ge [sflag:s13], $0x2000  }
0x52: {  	[sflag:s13] =	ssyncset.done $0x0  }
0x53: {  	[sflag:s13] =	ssyncadd.s32 $0xFFFFE000  }
0x54: {  	_ =	swait.ge [sflag:s13], $0x2000  }
0x55: {  	[sflag:s13] =	ssyncset.done $0x0  }
0x56: {  	[sflag:s13] =	ssyncadd.s32 $0xFFFFE000  }
0x57: {  	_ =	swait.ge [sflag:s13], $0x2000  }
0x58: {  	[sflag:s13] =	ssyncset.done $0x0  }
0x59: {  	[sflag:s13] =	ssyncadd.s32 $0xFFFFE000  }
0x5a: {  	_ =	swait.ge [sflag:s13], $0x2000  }
0x5b: {  	[sflag:s13] =	ssyncset.done $0x0  }
0x5c: {  	[sflag:s13] =	ssyncadd.s32 $0xFFFFE000  }
0x5d: {  	_ =	swait.ge [sflag:s13], $0x2000  }
0x5e: {  	[sflag:s13] =	ssyncset.done $0x0  }
0x5f: {  	[sflag:s13] =	ssyncadd.s32 $0xFFFFE000  }
0x60: {  	_ =	swait.ge [sflag:s13], $0x2000  }
0x61: {  	[sflag:s13] =	ssyncset.done $0x0  }
0x62: {  	s28 =	rddreg [dreg:$0xa];
	[sflag:s13] =	ssyncadd.s32 $0xFFFFE000  }
0x63: {  	[tilespmem:s4], [sflag:$0x5] =	stream.linear.gather [hbm4b:s28+s4], $0x100, $0x38;
	[tilespmem:$0x18600] =	vst v63  }
0x64: {  	s29 =	rddreg [dreg:$0xb]  }
0x65: {  	[tilespmem:s31], [sflag:$0x5] =	stream.linear.gather [hbm4b:s29+s4], $0x100, $0x38;
	[tilespmem:$0x18600] =	vst v63  }
0x66: {  	s8 =	simm.s32 $0x0;
	s30 =	rddreg [dreg:$0xc]  }
0x67: {  	[tilespmem:s0], [sflag:$0x5] =	stream.linear.gather [hbm4b:s30+s4], $0x100, $0x38;
	[tilespmem:$0x18600] =	vst v63  }
0x68: {  	v4 =	vld [tilespmem:s8+$0x8600]  }
0x69: {  	v5 =	vld [tilespmem:s8+$0x8610]  }
0x6a: {  	v3 =	vld [tilespmem:s8+$0x4600]  }
0x6b: {  	v2 =	vld [tilespmem:s8+$0x4610]  }
0x6c: {  	v1 =	vld [tilespmem:s8+$0x4620]  }
0x6d: {  	v0 =	vld [tilespmem:s8+$0x4630]  }
0x6e: {  	v7 =	vld [tilespmem:s8+$0x600]  }
0x6f: {  	v8 =	vld [tilespmem:s8+$0x610]  }
0x70: {  	s26 =	simm.s32 $0x100;
	v6 =	vld [tilespmem:s8+$0x620]  }
.LBB2_2:
0x71: {  	p0 =	sne.s32 s26, $0xFF00;
	v9 =	vld [tilespmem:s8+$0x630]  }
0x72: {  	v10 =	vld [tilespmem:s8+$0x8620]  }
0x73: {  	s28 =	sshra.s32 s26, $0x2;
	v3 =	vadd.f32 v3, v7;
	v7 =	vld [tilespmem:s8+$0x8630]  }
0x74: {  	v11 =	vld [tilespmem:s28+$0x8600];
	v2 =	vadd.f32 v2, v8  }
0x75: {  	v8 =	vld [tilespmem:s28+$0x8610];
	v4 =	vadd.f32 v4, v3;
	v1 =	vadd.f32 v1, v6  }
0x76: {  	v3 =	vld [tilespmem:s28+$0x4600];
	v5 =	vadd.f32 v5, v2;
	v0 =	vadd.f32 v0, v9  }
0x77: {  	v2 =	vld [tilespmem:s28+$0x4610];
	v12 =	vmul.f32 $2.666666750e+00, v4;
	v6 =	vadd.f32 v10, v1  }
.Ltmp0:
0x78: {  	v1 =	vld [tilespmem:s28+$0x4620];
	v10 =	vmul.f32 $2.666666750e+00, v5;
	v9 =	vadd.f32 v7, v0;
	(pc) =	sbr.rel @p0 .LBB2_2-.Ltmp0, $4  }
0x79: {  	v0 =	vld [tilespmem:s28+$0x4630];
	[tilespmem:s8+$0x600] =	vst v12;
	v6 =	vmul.f32 $2.666666750e+00, v6;
	v4 =	vmov v11  }
0x7a: {  	v7 =	vld [tilespmem:s28+$0x600];
	[tilespmem:s8+$0x610] =	vst v10;
	v9 =	vmul.f32 $2.666666750e+00, v9;
	v5 =	vmov v8  }
0x7b: {  	v8 =	vld [tilespmem:s28+$0x610];
	[tilespmem:s8+$0x620] =	vst v6  }
0x7c: {  	s26 =	sadd.s32 $0x100, s26;
	v6 =	vld [tilespmem:s28+$0x620];
	[tilespmem:s8+$0x630] =	vst v9;
	s8 =	smov.u32 s28  }
0x7d: {  	v9 =	vld [tilespmem:s8+$0x630]  }
0x7e: {  	v10 =	vld [tilespmem:s8+$0x8620]  }
0x7f: {  	v3 =	vadd.f32 v3, v7;
	v7 =	vld [tilespmem:s8+$0x8630]  }
0x80: {  	v2 =	vadd.f32 v2, v8  }
0x81: {  	v3 =	vadd.f32 v4, v3;
	v1 =	vadd.f32 v1, v6  }
0x82: {  	v2 =	vadd.f32 v5, v2;
	v0 =	vadd.f32 v0, v9  }
0x83: {  	v3 =	vmul.f32 $2.666666750e+00, v3;
	v1 =	vadd.f32 v10, v1  }
0x84: {  	v2 =	vmul.f32 $2.666666750e+00, v2;
	v0 =	vadd.f32 v7, v0  }
0x85: {  	[tilespmem:s8+$0x600] =	vst v3;
	v1 =	vmul.f32 $2.666666750e+00, v1  }
0x86: {  	[tilespmem:s8+$0x610] =	vst v2;
	v0 =	vmul.f32 $2.666666750e+00, v0  }
0x87: {  	[tilespmem:s8+$0x620] =	vst v1  }
0x88: {  	s10 =	rddreg [dreg:$0xd];
	[tilespmem:s8+$0x630] =	vst v0;
	s8 =	simm.s32 $0x0  }
0x89: {  	[hbm4b:s10+s8] =	stream.linear.scatter [tilespmem:s9], [sflag:$0x3], $0x4000, $0x38;
	[tilespmem:$0x18600] =	vst v63  }
0x8a: {  	_ =	swait.ge [sflag:s14], $0x4000  }
0x8b: {  	[sflag:s14] =	ssyncset.done $0x0  }
0x8c: {  	[sflag:s14] =	ssyncadd.s32 $0xFFFFC000  }
0x8d: {  	_ =	swait.ge [sflag:s24], $0x100  }
0x8e: {  	[sflag:s24] =	ssyncset.done $0x0  }
0x8f: {  	[sflag:s24] =	ssyncadd.s32 $0xFFFFFF00  }
0x90: {  	_ =	swait.ge [sflag:s24], $0x100  }
0x91: {  	[sflag:s24] =	ssyncset.done $0x0  }
0x92: {  	[sflag:s24] =	ssyncadd.s32 $0xFFFFFF00  }
0x93: {  	_ =	swait.ge [sflag:s24], $0x100  }
0x94: {  	[sflag:s24] =	ssyncset.done $0x0  }
0x95: {  	[sflag:s24] =	ssyncadd.s32 $0xFFFFFF00  }
0x96: {  	[tilespmem:s9], [sflag:$0x1] =	stream.indirect.gather [hbm4b:s5+s2], $0x40, s8, s2, $0xb8;
	[tilespmem:$0x18600] =	vst v63  }
0x97: {  	s28 =	simm.s32 $0x2600  }
0x98: {  	[tilespmem:s28], [sflag:$0x1] =	stream.indirect.gather [hbm4b:s5+s2], $0x40, s2, s2, $0xb8;
	[tilespmem:$0x18600] =	vst v63  }
0x99: {  	s29 =	simm.s32 $0x4600  }
0x9a: {  	[tilespmem:s29], [sflag:$0x1] =	stream.indirect.gather [hbm4b:s6+s2], $0x40, s31, s2, $0xb8;
	[tilespmem:$0x18600] =	vst v63  }
0x9b: {  	s30 =	simm.s32 $0x180;
	s26 =	simm.s32 $0x6600  }
0x9c: {  	[tilespmem:s26], [sflag:$0x1] =	stream.indirect.gather [hbm4b:s6+s2], $0x40, s30, s2, $0xb8;
	[tilespmem:$0x18600] =	vst v63  }
0x9d: {  	s28 =	simm.s32 $0x8600  }
0x9e: {  	[tilespmem:s28], [sflag:$0x1] =	stream.indirect.gather [hbm4b:s7+s2], $0x40, s0, s2, $0xb8;
	[tilespmem:$0x18600] =	vst v63  }
0x9f: {  	s29 =	simm.s32 $0x280;
	s30 =	simm.s32 $0xA600  }
0xa0: {  	[tilespmem:s30], [sflag:$0x1] =	stream.indirect.gather [hbm4b:s7+s2], $0x40, s29, s2, $0xb8;
	[tilespmem:$0x18600] =	vst v63  }
0xa1: {  	_ =	swait.ge [sflag:s15], $0x2000  }
0xa2: {  	[sflag:s15] =	ssyncset.done $0x0  }
0xa3: {  	[sflag:s15] =	ssyncadd.s32 $0xFFFFE000  }
0xa4: {  	_ =	swait.ge [sflag:s15], $0x2000  }
0xa5: {  	[sflag:s15] =	ssyncset.done $0x0  }
0xa6: {  	[sflag:s15] =	ssyncadd.s32 $0xFFFFE000  }
0xa7: {  	_ =	swait.ge [sflag:s15], $0x2000  }
0xa8: {  	[sflag:s15] =	ssyncset.done $0x0  }
0xa9: {  	[sflag:s15] =	ssyncadd.s32 $0xFFFFE000  }
0xaa: {  	_ =	swait.ge [sflag:s15], $0x2000  }
0xab: {  	[sflag:s15] =	ssyncset.done $0x0  }
0xac: {  	[sflag:s15] =	ssyncadd.s32 $0xFFFFE000  }
0xad: {  	_ =	swait.ge [sflag:s15], $0x2000  }
0xae: {  	[sflag:s15] =	ssyncset.done $0x0  }
0xaf: {  	[sflag:s15] =	ssyncadd.s32 $0xFFFFE000  }
0xb0: {  	_ =	swait.ge [sflag:s15], $0x2000  }
0xb1: {  	[sflag:s15] =	ssyncset.done $0x0  }
0xb2: {  	s28 =	rddreg [dreg:$0x12];
	[sflag:s15] =	ssyncadd.s32 $0xFFFFE000  }
0xb3: {  	[tilespmem:s17], [sflag:$0x5] =	stream.linear.gather [hbm4b:s28+s8], $0x100, $0x38;
	[tilespmem:$0x18600] =	vst v63  }
0xb4: {  	s29 =	rddreg [dreg:$0x13]  }
0xb5: {  	[tilespmem:s18], [sflag:$0x5] =	stream.linear.gather [hbm4b:s29+s8], $0x100, $0x38;
	[tilespmem:$0x18600] =	vst v63  }
0xb6: {  	s30 =	rddreg [dreg:$0x14]  }
0xb7: {  	[tilespmem:s23], [sflag:$0x5] =	stream.linear.gather [hbm4b:s30+s8], $0x100, $0x38;
	[tilespmem:$0x18600] =	vst v63  }
0xb8: {  	s8 =	simm.s32 $0x0  }
0xb9: {  	v4 =	vld [tilespmem:s8+$0x14600]  }
0xba: {  	v5 =	vld [tilespmem:s8+$0x14610]  }
0xbb: {  	v3 =	vld [tilespmem:s8+$0x10600]  }
0xbc: {  	v2 =	vld [tilespmem:s8+$0x10610]  }
0xbd: {  	v1 =	vld [tilespmem:s8+$0x10620]  }
0xbe: {  	v0 =	vld [tilespmem:s8+$0x10630]  }
0xbf: {  	v7 =	vld [tilespmem:s8+$0xC600]  }
0xc0: {  	v8 =	vld [tilespmem:s8+$0xC610]  }
0xc1: {  	s26 =	simm.s32 $0x100;
	v6 =	vld [tilespmem:s8+$0xC620]  }
.LBB2_4:
0xc2: {  	p0 =	sne.s32 s26, $0xFF00;
	v9 =	vld [tilespmem:s8+$0xC630]  }
0xc3: {  	v10 =	vld [tilespmem:s8+$0x14620]  }
0xc4: {  	s28 =	sshra.s32 s26, $0x2;
	v3 =	vadd.f32 v3, v7;
	v7 =	vld [tilespmem:s8+$0x14630]  }
0xc5: {  	v11 =	vld [tilespmem:s28+$0x14600];
	v2 =	vadd.f32 v2, v8  }
0xc6: {  	v8 =	vld [tilespmem:s28+$0x14610];
	v4 =	vadd.f32 v4, v3;
	v1 =	vadd.f32 v1, v6  }
0xc7: {  	v3 =	vld [tilespmem:s28+$0x10600];
	v5 =	vadd.f32 v5, v2;
	v0 =	vadd.f32 v0, v9  }
0xc8: {  	v2 =	vld [tilespmem:s28+$0x10610];
	v12 =	vmul.f32 $2.666666750e+00, v4;
	v6 =	vadd.f32 v10, v1  }
.Ltmp1:
0xc9: {  	v1 =	vld [tilespmem:s28+$0x10620];
	v10 =	vmul.f32 $2.666666750e+00, v5;
	v9 =	vadd.f32 v7, v0;
	(pc) =	sbr.rel @p0 .LBB2_4-.Ltmp1, $4  }
0xca: {  	v0 =	vld [tilespmem:s28+$0x10630];
	[tilespmem:s8+$0xC600] =	vst v12;
	v6 =	vmul.f32 $2.666666750e+00, v6;
	v4 =	vmov v11  }
0xcb: {  	v7 =	vld [tilespmem:s28+$0xC600];
	[tilespmem:s8+$0xC610] =	vst v10;
	v9 =	vmul.f32 $2.666666750e+00, v9;
	v5 =	vmov v8  }
0xcc: {  	v8 =	vld [tilespmem:s28+$0xC610];
	[tilespmem:s8+$0xC620] =	vst v6  }
0xcd: {  	s26 =	sadd.s32 $0x100, s26;
	v6 =	vld [tilespmem:s28+$0xC620];
	[tilespmem:s8+$0xC630] =	vst v9;
	s8 =	smov.u32 s28  }
0xce: {  	v9 =	vld [tilespmem:s8+$0xC630]  }
0xcf: {  	v10 =	vld [tilespmem:s8+$0x14620]  }
0xd0: {  	v63 =	vld [tilespmem:s8+$0x14630];
	v3 =	vadd.f32 v3, v7  }
0xd1: {  	v2 =	vadd.f32 v2, v8  }
0xd2: {  	v3 =	vadd.f32 v4, v3;
	v1 =	vadd.f32 v1, v6  }
0xd3: {  	v2 =	vadd.f32 v5, v2;
	v0 =	vadd.f32 v0, v9  }
0xd4: {  	v3 =	vmul.f32 $2.666666750e+00, v3;
	v1 =	vadd.f32 v10, v1  }
0xd5: {  	v2 =	vmul.f32 $2.666666750e+00, v2;
	v0 =	vadd.f32 v63, v0  }
0xd6: {  	[tilespmem:s8+$0xC600] =	vst v3;
	v1 =	vmul.f32 $2.666666750e+00, v1  }
0xd7: {  	[tilespmem:s8+$0xC610] =	vst v2;
	v0 =	vmul.f32 $2.666666750e+00, v0  }
0xd8: {  	[tilespmem:s8+$0xC620] =	vst v1  }
0xd9: {  	s26 =	simm.s32 $0x0;
	s30 =	rddreg [dreg:$0xe];
	s28 =	simm.s32 $0x0;
	[tilespmem:s8+$0xC630] =	vst v0  }
0xda: {  	[hbm4b:s30+s26] =	stream.linear.scatter [tilespmem:s25], [sflag:$0x4], $0x4000, $0x38;
	[tilespmem:$0x18600] =	vst v63  }
.LBB2_6:
0xdb: {  	_ =	swait.ge [sflag:s16], $0x4000  }
0xdc: {  	[sflag:s16] =	ssyncset.done $0x0  }
0xdd: {  	[sflag:s16] =	ssyncadd.s32 $0xFFFFC000  }
0xde: {  	_ =	swait.ge [sflag:s24], $0x100  }
0xdf: {  	[sflag:s24] =	ssyncset.done $0x0  }
0xe0: {  	[sflag:s24] =	ssyncadd.s32 $0xFFFFFF00  }
0xe1: {  	_ =	swait.ge [sflag:s24], $0x100  }
0xe2: {  	[sflag:s24] =	ssyncset.done $0x0  }
0xe3: {  	[sflag:s24] =	ssyncadd.s32 $0xFFFFFF00  }
0xe4: {  	_ =	swait.ge [sflag:s24], $0x100  }
0xe5: {  	[sflag:s24] =	ssyncset.done $0x0  }
0xe6: {  	[sflag:s24] =	ssyncadd.s32 $0xFFFFFF00  }
0xe7: {  	[tilespmem:s25], [sflag:$0x2] =	stream.indirect.gather [hbm4b:s5+s2], $0x40, s17, s2, $0xb8;
	[tilespmem:$0x18600] =	vst v63  }
0xe8: {  	s8 =	simm.s32 $0x380;
	s10 =	simm.s32 $0xE600  }
0xe9: {  	[tilespmem:s10], [sflag:$0x2] =	stream.indirect.gather [hbm4b:s5+s2], $0x40, s8, s2, $0xb8;
	[tilespmem:$0x18600] =	vst v63  }
0xea: {  	s10 =	simm.s32 $0x10600  }
0xeb: {  	[tilespmem:s10], [sflag:$0x2] =	stream.indirect.gather [hbm4b:s6+s2], $0x40, s18, s2, $0xb8;
	[tilespmem:$0x18600] =	vst v63  }
0xec: {  	s8 =	simm.s32 $0x480;
	s10 =	simm.s32 $0x12600  }
0xed: {  	[tilespmem:s10], [sflag:$0x2] =	stream.indirect.gather [hbm4b:s6+s2], $0x40, s8, s2, $0xb8;
	[tilespmem:$0x18600] =	vst v63  }
0xee: {  	s10 =	simm.s32 $0x14600  }
0xef: {  	[tilespmem:s10], [sflag:$0x2] =	stream.indirect.gather [hbm4b:s7+s2], $0x40, s23, s2, $0xb8;
	[tilespmem:$0x18600] =	vst v63  }
0xf0: {  	_ = 	snop  }
0xf1: {  	[tilespmem:s12], [sflag:$0x2] =	stream.indirect.gather [hbm4b:s7+s2], $0x40, s11, s2, $0xb8;
	[tilespmem:$0x18600] =	vst v63  }
0xf2: {  	_ =	swait.ge [sflag:s13], $0x2000  }
0xf3: {  	[sflag:s13] =	ssyncset.done $0x0  }
0xf4: {  	[sflag:s13] =	ssyncadd.s32 $0xFFFFE000  }
0xf5: {  	_ =	swait.ge [sflag:s13], $0x2000  }
0xf6: {  	[sflag:s13] =	ssyncset.done $0x0  }
0xf7: {  	[sflag:s13] =	ssyncadd.s32 $0xFFFFE000  }
0xf8: {  	_ =	swait.ge [sflag:s13], $0x2000  }
0xf9: {  	[sflag:s13] =	ssyncset.done $0x0  }
0xfa: {  	[sflag:s13] =	ssyncadd.s32 $0xFFFFE000  }
0xfb: {  	_ =	swait.ge [sflag:s13], $0x2000  }
0xfc: {  	[sflag:s13] =	ssyncset.done $0x0  }
0xfd: {  	[sflag:s13] =	ssyncadd.s32 $0xFFFFE000  }
0xfe: {  	_ =	swait.ge [sflag:s13], $0x2000  }
0xff: {  	s29 =	sshll.u32 s28, $0x2;
	[sflag:s13] =	ssyncset.done $0x0  }
0x100: {  	s10 =	sadd.s32 s29, s19;
	[sflag:s13] =	ssyncadd.s32 $0xFFFFE000  }
0x101: {  	s8 =	sshll.u32 s10, $0x4;
	_ =	swait.ge [sflag:s13], $0x2000  }
0x102: {  	s30 =	sadd.s32 s1, s8;
	s8 =	sand.u32 $0x1FFFFFF0, s8;
	[sflag:s13] =	ssyncset.done $0x0  }
0x103: {  	s8 =	sadd.s32 s1, s8;
	[sflag:s13] =	ssyncadd.s32 $0xFFFFE000  }
0x104: {  	[tilespmem:s26], [sflag:$0x5] =	stream.linear.gather [hbm4b:s30+s26], $0x100, $0x38;
	[tilespmem:$0x18600] =	vst v63  }
0x105: {  	s30 =	sadd.s32 $0x19000, s8  }
0x106: {  	[tilespmem:s31], [sflag:$0x5] =	stream.linear.gather [hbm4b:s30+s26], $0x100, $0x38;
	[tilespmem:$0x18600] =	vst v63  }
0x107: {  	s8 =	sadd.s32 $0x32000, s8  }
0x108: {  	[tilespmem:s0], [sflag:$0x5] =	stream.linear.gather [hbm4b:s8+s26], $0x100, $0x38;
	[tilespmem:$0x18600] =	vst v63  }
0x109: {  	s8 =	simm.s32 $0x0  }
0x10a: {  	v4 =	vld [tilespmem:s8+$0x8600]  }
0x10b: {  	v5 =	vld [tilespmem:s8+$0x8610]  }
0x10c: {  	v3 =	vld [tilespmem:s8+$0x4600]  }
0x10d: {  	v2 =	vld [tilespmem:s8+$0x4610]  }
0x10e: {  	v1 =	vld [tilespmem:s8+$0x4620]  }
0x10f: {  	v0 =	vld [tilespmem:s8+$0x4630]  }
0x110: {  	v7 =	vld [tilespmem:s8+$0x600]  }
0x111: {  	v8 =	vld [tilespmem:s8+$0x610]  }
0x112: {  	s30 =	simm.s32 $0x100;
	v6 =	vld [tilespmem:s8+$0x620]  }
.LBB2_7:
0x113: {  	p0 =	sne.s32 s30, $0xFF00;
	v9 =	vld [tilespmem:s8+$0x630]  }
0x114: {  	v10 =	vld [tilespmem:s8+$0x8620]  }
0x115: {  	s10 =	sshra.s32 s30, $0x2;
	v3 =	vadd.f32 v3, v7;
	v7 =	vld [tilespmem:s8+$0x8630]  }
0x116: {  	v11 =	vld [tilespmem:s10+$0x8600];
	v2 =	vadd.f32 v2, v8  }
0x117: {  	v8 =	vld [tilespmem:s10+$0x8610];
	v4 =	vadd.f32 v4, v3;
	v1 =	vadd.f32 v1, v6  }
0x118: {  	v3 =	vld [tilespmem:s10+$0x4600];
	v5 =	vadd.f32 v5, v2;
	v0 =	vadd.f32 v0, v9  }
0x119: {  	v2 =	vld [tilespmem:s10+$0x4610];
	v12 =	vmul.f32 $2.666666750e+00, v4;
	v6 =	vadd.f32 v10, v1  }
.Ltmp2:
0x11a: {  	v1 =	vld [tilespmem:s10+$0x4620];
	v10 =	vmul.f32 $2.666666750e+00, v5;
	v9 =	vadd.f32 v7, v0;
	(pc) =	sbr.rel @p0 .LBB2_7-.Ltmp2, $4  }
0x11b: {  	v0 =	vld [tilespmem:s10+$0x4630];
	[tilespmem:s8+$0x600] =	vst v12;
	v6 =	vmul.f32 $2.666666750e+00, v6;
	v4 =	vmov v11  }
0x11c: {  	v7 =	vld [tilespmem:s10+$0x600];
	[tilespmem:s8+$0x610] =	vst v10;
	v9 =	vmul.f32 $2.666666750e+00, v9;
	v5 =	vmov v8  }
0x11d: {  	v8 =	vld [tilespmem:s10+$0x610];
	[tilespmem:s8+$0x620] =	vst v6  }
0x11e: {  	s30 =	sadd.s32 $0x100, s30;
	v6 =	vld [tilespmem:s10+$0x620];
	[tilespmem:s8+$0x630] =	vst v9;
	s8 =	smov.u32 s10  }
0x11f: {  	v9 =	vld [tilespmem:s8+$0x630]  }
0x120: {  	v10 =	vld [tilespmem:s8+$0x8620]  }
0x121: {  	v3 =	vadd.f32 v3, v7;
	v7 =	vld [tilespmem:s8+$0x8630]  }
0x122: {  	v2 =	vadd.f32 v2, v8  }
0x123: {  	v3 =	vadd.f32 v4, v3;
	v1 =	vadd.f32 v1, v6  }
0x124: {  	v2 =	vadd.f32 v5, v2;
	v0 =	vadd.f32 v0, v9  }
0x125: {  	v3 =	vmul.f32 $2.666666750e+00, v3;
	v1 =	vadd.f32 v10, v1  }
0x126: {  	v2 =	vmul.f32 $2.666666750e+00, v2;
	v0 =	vadd.f32 v7, v0  }
0x127: {  	s10 =	sadd.s32 s29, s20;
	[tilespmem:s8+$0x600] =	vst v3;
	v1 =	vmul.f32 $2.666666750e+00, v1  }
0x128: {  	s10 =	sshll.u32 s10, $0xA;
	[tilespmem:s8+$0x610] =	vst v2;
	v0 =	vmul.f32 $2.666666750e+00, v0  }
0x129: {  	s10 =	sand.u32 $0x1FFFF000, s10;
	[tilespmem:s8+$0x620] =	vst v1  }
0x12a: {  	[tilespmem:s8+$0x630] =	vst v0;
	s8 =	sadd.s32 s3, s10;
	s10 =	simm.s32 $0x0  }
0x12b: {  	[hbm4b:s8+s10] =	stream.linear.scatter [tilespmem:s9], [sflag:$0x3], $0x4000, $0x38;
	[tilespmem:$0x18600] =	vst v63  }
0x12c: {  	_ =	swait.ge [sflag:s14], $0x4000  }
0x12d: {  	[sflag:s14] =	ssyncset.done $0x0  }
0x12e: {  	[sflag:s14] =	ssyncadd.s32 $0xFFFFC000  }
0x12f: {  	_ =	swait.ge [sflag:s24], $0x100  }
0x130: {  	[sflag:s24] =	ssyncset.done $0x0  }
0x131: {  	[sflag:s24] =	ssyncadd.s32 $0xFFFFFF00  }
0x132: {  	_ =	swait.ge [sflag:s24], $0x100  }
0x133: {  	[sflag:s24] =	ssyncset.done $0x0  }
0x134: {  	[sflag:s24] =	ssyncadd.s32 $0xFFFFFF00  }
0x135: {  	_ =	swait.ge [sflag:s24], $0x100  }
0x136: {  	[sflag:s24] =	ssyncset.done $0x0  }
0x137: {  	[sflag:s24] =	ssyncadd.s32 $0xFFFFFF00  }
0x138: {  	[tilespmem:s9], [sflag:$0x1] =	stream.indirect.gather [hbm4b:s5+s2], $0x40, s10, s2, $0xb8;
	[tilespmem:$0x18600] =	vst v63  }
0x139: {  	s8 =	simm.s32 $0x2600  }
0x13a: {  	[tilespmem:s8], [sflag:$0x1] =	stream.indirect.gather [hbm4b:s5+s2], $0x40, s2, s2, $0xb8;
	[tilespmem:$0x18600] =	vst v63  }
0x13b: {  	s8 =	simm.s32 $0x4600  }
0x13c: {  	[tilespmem:s8], [sflag:$0x1] =	stream.indirect.gather [hbm4b:s6+s2], $0x40, s31, s2, $0xb8;
	[tilespmem:$0x18600] =	vst v63  }
0x13d: {  	s30 =	simm.s32 $0x6600;
	s8 =	simm.s32 $0x180  }
0x13e: {  	[tilespmem:s30], [sflag:$0x1] =	stream.indirect.gather [hbm4b:s6+s2], $0x40, s8, s2, $0xb8;
	[tilespmem:$0x18600] =	vst v63  }
0x13f: {  	s8 =	simm.s32 $0x8600  }
0x140: {  	[tilespmem:s8], [sflag:$0x1] =	stream.indirect.gather [hbm4b:s7+s2], $0x40, s0, s2, $0xb8;
	[tilespmem:$0x18600] =	vst v63  }
0x141: {  	s30 =	simm.s32 $0xA600;
	s8 =	simm.s32 $0x280  }
0x142: {  	[tilespmem:s30], [sflag:$0x1] =	stream.indirect.gather [hbm4b:s7+s2], $0x40, s8, s2, $0xb8;
	[tilespmem:$0x18600] =	vst v63  }
0x143: {  	_ =	swait.ge [sflag:s15], $0x2000  }
0x144: {  	[sflag:s15] =	ssyncset.done $0x0  }
0x145: {  	[sflag:s15] =	ssyncadd.s32 $0xFFFFE000  }
0x146: {  	_ =	swait.ge [sflag:s15], $0x2000  }
0x147: {  	[sflag:s15] =	ssyncset.done $0x0  }
0x148: {  	[sflag:s15] =	ssyncadd.s32 $0xFFFFE000  }
0x149: {  	_ =	swait.ge [sflag:s15], $0x2000  }
0x14a: {  	[sflag:s15] =	ssyncset.done $0x0  }
0x14b: {  	[sflag:s15] =	ssyncadd.s32 $0xFFFFE000  }
0x14c: {  	_ =	swait.ge [sflag:s15], $0x2000  }
0x14d: {  	[sflag:s15] =	ssyncset.done $0x0  }
0x14e: {  	[sflag:s15] =	ssyncadd.s32 $0xFFFFE000  }
0x14f: {  	_ =	swait.ge [sflag:s15], $0x2000  }
0x150: {  	[sflag:s15] =	ssyncset.done $0x0  }
0x151: {  	s8 =	sadd.s32 s29, s21;
	[sflag:s15] =	ssyncadd.s32 $0xFFFFE000  }
0x152: {  	s8 =	sshll.u32 s8, $0x4;
	_ =	swait.ge [sflag:s15], $0x2000  }
0x153: {  	s30 =	sadd.s32 s1, s8;
	s8 =	sand.u32 $0x1FFFFFF0, s8;
	[sflag:s15] =	ssyncset.done $0x0  }
0x154: {  	s8 =	sadd.s32 s1, s8;
	[sflag:s15] =	ssyncadd.s32 $0xFFFFE000  }
0x155: {  	[tilespmem:s17], [sflag:$0x5] =	stream.linear.gather [hbm4b:s30+s10], $0x100, $0x38;
	[tilespmem:$0x18600] =	vst v63  }
0x156: {  	s30 =	sadd.s32 $0x19000, s8  }
0x157: {  	[tilespmem:s18], [sflag:$0x5] =	stream.linear.gather [hbm4b:s30+s10], $0x100, $0x38;
	[tilespmem:$0x18600] =	vst v63  }
0x158: {  	s8 =	sadd.s32 $0x32000, s8  }
0x159: {  	[tilespmem:s23], [sflag:$0x5] =	stream.linear.gather [hbm4b:s8+s10], $0x100, $0x38;
	[tilespmem:$0x18600] =	vst v63  }
0x15a: {  	s8 =	simm.s32 $0x0  }
0x15b: {  	v4 =	vld [tilespmem:s8+$0x14600]  }
0x15c: {  	v5 =	vld [tilespmem:s8+$0x14610]  }
0x15d: {  	v3 =	vld [tilespmem:s8+$0x10600]  }
0x15e: {  	v2 =	vld [tilespmem:s8+$0x10610]  }
0x15f: {  	v1 =	vld [tilespmem:s8+$0x10620]  }
0x160: {  	v0 =	vld [tilespmem:s8+$0x10630]  }
0x161: {  	v7 =	vld [tilespmem:s8+$0xC600]  }
0x162: {  	v8 =	vld [tilespmem:s8+$0xC610]  }
0x163: {  	s30 =	simm.s32 $0x100;
	v6 =	vld [tilespmem:s8+$0xC620]  }
.LBB2_9:
0x164: {  	p0 =	sne.s32 s30, $0xFF00;
	v9 =	vld [tilespmem:s8+$0xC630]  }
0x165: {  	v10 =	vld [tilespmem:s8+$0x14620]  }
0x166: {  	s10 =	sshra.s32 s30, $0x2;
	v3 =	vadd.f32 v3, v7;
	v7 =	vld [tilespmem:s8+$0x14630]  }
0x167: {  	v11 =	vld [tilespmem:s10+$0x14600];
	v2 =	vadd.f32 v2, v8  }
0x168: {  	v8 =	vld [tilespmem:s10+$0x14610];
	v4 =	vadd.f32 v4, v3;
	v1 =	vadd.f32 v1, v6  }
0x169: {  	v3 =	vld [tilespmem:s10+$0x10600];
	v5 =	vadd.f32 v5, v2;
	v0 =	vadd.f32 v0, v9  }
0x16a: {  	v2 =	vld [tilespmem:s10+$0x10610];
	v12 =	vmul.f32 $2.666666750e+00, v4;
	v6 =	vadd.f32 v10, v1  }
.Ltmp3:
0x16b: {  	v1 =	vld [tilespmem:s10+$0x10620];
	v10 =	vmul.f32 $2.666666750e+00, v5;
	v9 =	vadd.f32 v7, v0;
	(pc) =	sbr.rel @p0 .LBB2_9-.Ltmp3, $4  }
0x16c: {  	v0 =	vld [tilespmem:s10+$0x10630];
	[tilespmem:s8+$0xC600] =	vst v12;
	v6 =	vmul.f32 $2.666666750e+00, v6;
	v4 =	vmov v11  }
0x16d: {  	v7 =	vld [tilespmem:s10+$0xC600];
	[tilespmem:s8+$0xC610] =	vst v10;
	v9 =	vmul.f32 $2.666666750e+00, v9;
	v5 =	vmov v8  }
0x16e: {  	v8 =	vld [tilespmem:s10+$0xC610];
	[tilespmem:s8+$0xC620] =	vst v6  }
0x16f: {  	s30 =	sadd.s32 $0x100, s30;
	v6 =	vld [tilespmem:s10+$0xC620];
	[tilespmem:s8+$0xC630] =	vst v9;
	s8 =	smov.u32 s10  }
0x170: {  	v9 =	vld [tilespmem:s8+$0xC630]  }
0x171: {  	v10 =	vld [tilespmem:s8+$0x14620]  }
0x172: {  	v63 =	vld [tilespmem:s8+$0x14630];
	v3 =	vadd.f32 v3, v7  }
0x173: {  	v2 =	vadd.f32 v2, v8  }
0x174: {  	v3 =	vadd.f32 v4, v3;
	v1 =	vadd.f32 v1, v6  }
0x175: {  	v2 =	vadd.f32 v5, v2;
	v0 =	vadd.f32 v0, v9  }
0x176: {  	s28 =	sadd.s32 $0x1, s28;
	v3 =	vmul.f32 $2.666666750e+00, v3;
	v1 =	vadd.f32 v10, v1  }
0x177: {  	p0 =	sne.s32 s28, $0x30;
	v2 =	vmul.f32 $2.666666750e+00, v2;
	v0 =	vadd.f32 v63, v0  }
.Ltmp4:
0x178: {  	s10 =	sadd.s32 s29, s22;
	[tilespmem:s8+$0xC600] =	vst v3;
	v1 =	vmul.f32 $2.666666750e+00, v1;
	(pc) =	sbr.rel @p0 .LBB2_6-.Ltmp4, $4  }
0x179: {  	s10 =	sshll.u32 s10, $0xA;
	[tilespmem:s8+$0xC610] =	vst v2;
	v0 =	vmul.f32 $2.666666750e+00, v0  }
0x17a: {  	s10 =	sand.u32 $0x1FFFF800, s10;
	[tilespmem:s8+$0xC620] =	vst v1  }
0x17b: {  	s30 =	sadd.s32 s3, s10;
	[tilespmem:s8+$0xC630] =	vst v0  }
0x17c: {  	[hbm4b:s30+s4] =	stream.linear.scatter [tilespmem:s25], [sflag:$0x4], $0x4000, $0x38;
	[tilespmem:$0x18600] =	vst v63  }
0x17d: {  	_ =	swait.ge [sflag:s16], $0x4000  }
0x17e: {  	[sflag:s16] =	ssyncset.done $0x0  }
0x17f: {  	[sflag:s16] =	ssyncadd.s32 $0xFFFFC000  }
0x180: {  	_ =	swait.ge [sflag:s24], $0x100  }
0x181: {  	[sflag:s24] =	ssyncset.done $0x0  }
0x182: {  	[sflag:s24] =	ssyncadd.s32 $0xFFFFFF00  }
0x183: {  	_ =	swait.ge [sflag:s24], $0x100  }
0x184: {  	[sflag:s24] =	ssyncset.done $0x0  }
0x185: {  	[sflag:s24] =	ssyncadd.s32 $0xFFFFFF00  }
0x186: {  	_ =	swait.ge [sflag:s24], $0x100  }
0x187: {  	[sflag:s24] =	ssyncset.done $0x0  }
0x188: {  	[sflag:s24] =	ssyncadd.s32 $0xFFFFFF00  }
0x189: {  	[tilespmem:s25], [sflag:$0x2] =	stream.indirect.gather [hbm4b:s5+s2], $0x40, s17, s2, $0xb8;
	[tilespmem:$0x18600] =	vst v63  }
0x18a: {  	s8 =	simm.s32 $0x380;
	s10 =	simm.s32 $0xE600  }
0x18b: {  	[tilespmem:s10], [sflag:$0x2] =	stream.indirect.gather [hbm4b:s5+s2], $0x40, s8, s2, $0xb8;
	[tilespmem:$0x18600] =	vst v63  }
0x18c: {  	s26 =	simm.s32 $0x10600  }
0x18d: {  	[tilespmem:s26], [sflag:$0x2] =	stream.indirect.gather [hbm4b:s6+s2], $0x40, s18, s2, $0xb8;
	[tilespmem:$0x18600] =	vst v63  }
0x18e: {  	s28 =	simm.s32 $0x480;
	s29 =	simm.s32 $0x12600  }
0x18f: {  	[tilespmem:s29], [sflag:$0x2] =	stream.indirect.gather [hbm4b:s6+s2], $0x40, s28, s2, $0xb8;
	[tilespmem:$0x18600] =	vst v63  }
0x190: {  	s30 =	simm.s32 $0x14600  }
0x191: {  	[tilespmem:s30], [sflag:$0x2] =	stream.indirect.gather [hbm4b:s7+s2], $0x40, s23, s2, $0xb8;
	[tilespmem:$0x18600] =	vst v63  }
0x192: {  	_ = 	snop  }
0x193: {  	[tilespmem:s12], [sflag:$0x2] =	stream.indirect.gather [hbm4b:s7+s2], $0x40, s11, s2, $0xb8;
	[tilespmem:$0x18600] =	vst v63  }
0x194: {  	_ =	swait.ge [sflag:s13], $0x2000  }
0x195: {  	[sflag:s13] =	ssyncset.done $0x0  }
0x196: {  	[sflag:s13] =	ssyncadd.s32 $0xFFFFE000  }
0x197: {  	_ =	swait.ge [sflag:s13], $0x2000  }
0x198: {  	[sflag:s13] =	ssyncset.done $0x0  }
0x199: {  	[sflag:s13] =	ssyncadd.s32 $0xFFFFE000  }
0x19a: {  	_ =	swait.ge [sflag:s13], $0x2000  }
0x19b: {  	[sflag:s13] =	ssyncset.done $0x0  }
0x19c: {  	[sflag:s13] =	ssyncadd.s32 $0xFFFFE000  }
0x19d: {  	_ =	swait.ge [sflag:s13], $0x2000  }
0x19e: {  	[sflag:s13] =	ssyncset.done $0x0  }
0x19f: {  	[sflag:s13] =	ssyncadd.s32 $0xFFFFE000  }
0x1a0: {  	_ =	swait.ge [sflag:s13], $0x2000  }
0x1a1: {  	[sflag:s13] =	ssyncset.done $0x0  }
0x1a2: {  	[sflag:s13] =	ssyncadd.s32 $0xFFFFE000  }
0x1a3: {  	_ =	swait.ge [sflag:s13], $0x2000  }
0x1a4: {  	[sflag:s13] =	ssyncset.done $0x0  }
0x1a5: {  	s8 =	simm.s32 $0x0;
	[sflag:s13] =	ssyncadd.s32 $0xFFFFE000  }
0x1a6: {  	v4 =	vld [tilespmem:s8+$0x8600]  }
0x1a7: {  	v5 =	vld [tilespmem:s8+$0x8610]  }
0x1a8: {  	v3 =	vld [tilespmem:s8+$0x4600]  }
0x1a9: {  	v2 =	vld [tilespmem:s8+$0x4610]  }
0x1aa: {  	v1 =	vld [tilespmem:s8+$0x4620]  }
0x1ab: {  	v0 =	vld [tilespmem:s8+$0x4630]  }
0x1ac: {  	v7 =	vld [tilespmem:s8+$0x600]  }
0x1ad: {  	v8 =	vld [tilespmem:s8+$0x610]  }
0x1ae: {  	s26 =	simm.s32 $0x100;
	v6 =	vld [tilespmem:s8+$0x620]  }
.LBB2_12:
0x1af: {  	p0 =	sne.s32 s26, $0xFF00;
	v9 =	vld [tilespmem:s8+$0x630]  }
0x1b0: {  	v10 =	vld [tilespmem:s8+$0x8620]  }
0x1b1: {  	s10 =	sshra.s32 s26, $0x2;
	v3 =	vadd.f32 v3, v7;
	v7 =	vld [tilespmem:s8+$0x8630]  }
0x1b2: {  	v11 =	vld [tilespmem:s10+$0x8600];
	v2 =	vadd.f32 v2, v8  }
0x1b3: {  	v8 =	vld [tilespmem:s10+$0x8610];
	v4 =	vadd.f32 v4, v3;
	v1 =	vadd.f32 v1, v6  }
0x1b4: {  	v3 =	vld [tilespmem:s10+$0x4600];
	v5 =	vadd.f32 v5, v2;
	v0 =	vadd.f32 v0, v9  }
0x1b5: {  	v2 =	vld [tilespmem:s10+$0x4610];
	v12 =	vmul.f32 $2.666666750e+00, v4;
	v6 =	vadd.f32 v10, v1  }
.Ltmp5:
0x1b6: {  	v1 =	vld [tilespmem:s10+$0x4620];
	v10 =	vmul.f32 $2.666666750e+00, v5;
	v9 =	vadd.f32 v7, v0;
	(pc) =	sbr.rel @p0 .LBB2_12-.Ltmp5, $4  }
0x1b7: {  	v0 =	vld [tilespmem:s10+$0x4630];
	[tilespmem:s8+$0x600] =	vst v12;
	v6 =	vmul.f32 $2.666666750e+00, v6;
	v4 =	vmov v11  }
0x1b8: {  	v7 =	vld [tilespmem:s10+$0x600];
	[tilespmem:s8+$0x610] =	vst v10;
	v9 =	vmul.f32 $2.666666750e+00, v9;
	v5 =	vmov v8  }
0x1b9: {  	v8 =	vld [tilespmem:s10+$0x610];
	[tilespmem:s8+$0x620] =	vst v6  }
0x1ba: {  	s26 =	sadd.s32 $0x100, s26;
	v6 =	vld [tilespmem:s10+$0x620];
	[tilespmem:s8+$0x630] =	vst v9;
	s8 =	smov.u32 s10  }
0x1bb: {  	v9 =	vld [tilespmem:s8+$0x630]  }
0x1bc: {  	v10 =	vld [tilespmem:s8+$0x8620]  }
0x1bd: {  	v3 =	vadd.f32 v3, v7;
	v7 =	vld [tilespmem:s8+$0x8630]  }
0x1be: {  	v2 =	vadd.f32 v2, v8  }
0x1bf: {  	v3 =	vadd.f32 v4, v3;
	v1 =	vadd.f32 v1, v6  }
0x1c0: {  	v2 =	vadd.f32 v5, v2;
	v0 =	vadd.f32 v0, v9  }
0x1c1: {  	v3 =	vmul.f32 $2.666666750e+00, v3;
	v1 =	vadd.f32 v10, v1  }
0x1c2: {  	v2 =	vmul.f32 $2.666666750e+00, v2;
	v0 =	vadd.f32 v7, v0  }
0x1c3: {  	[tilespmem:s8+$0x600] =	vst v3;
	v1 =	vmul.f32 $2.666666750e+00, v1  }
0x1c4: {  	[tilespmem:s8+$0x610] =	vst v2;
	v0 =	vmul.f32 $2.666666750e+00, v0  }
0x1c5: {  	[tilespmem:s8+$0x620] =	vst v1  }
0x1c6: {  	s30 =	simm.s32 $0x0;
	s10 =	rddreg [dreg:$0xf];
	[tilespmem:s8+$0x630] =	vst v0  }
0x1c7: {  	[hbm4b:s10+s30] =	stream.linear.scatter [tilespmem:s9], [sflag:$0x3], $0x4000, $0x38;
	[tilespmem:$0x18600] =	vst v63  }
0x1c8: {  	_ =	swait.ge [sflag:s14], $0x4000  }
0x1c9: {  	[sflag:s14] =	ssyncset.done $0x0  }
0x1ca: {  	[sflag:s14] =	ssyncadd.s32 $0xFFFFC000  }
0x1cb: {  	_ =	swait.ge [sflag:s15], $0x2000  }
0x1cc: {  	[sflag:s15] =	ssyncset.done $0x0  }
0x1cd: {  	[sflag:s15] =	ssyncadd.s32 $0xFFFFE000  }
0x1ce: {  	_ =	swait.ge [sflag:s15], $0x2000  }
0x1cf: {  	[sflag:s15] =	ssyncset.done $0x0  }
0x1d0: {  	[sflag:s15] =	ssyncadd.s32 $0xFFFFE000  }
0x1d1: {  	_ =	swait.ge [sflag:s15], $0x2000  }
0x1d2: {  	[sflag:s15] =	ssyncset.done $0x0  }
0x1d3: {  	[sflag:s15] =	ssyncadd.s32 $0xFFFFE000  }
0x1d4: {  	_ =	swait.ge [sflag:s15], $0x2000  }
0x1d5: {  	[sflag:s15] =	ssyncset.done $0x0  }
0x1d6: {  	[sflag:s15] =	ssyncadd.s32 $0xFFFFE000  }
0x1d7: {  	_ =	swait.ge [sflag:s15], $0x2000  }
0x1d8: {  	[sflag:s15] =	ssyncset.done $0x0  }
0x1d9: {  	[sflag:s15] =	ssyncadd.s32 $0xFFFFE000  }
0x1da: {  	_ =	swait.ge [sflag:s15], $0x2000  }
0x1db: {  	[sflag:s15] =	ssyncset.done $0x0  }
0x1dc: {  	s8 =	simm.s32 $0x0;
	[sflag:s15] =	ssyncadd.s32 $0xFFFFE000  }
0x1dd: {  	v4 =	vld [tilespmem:s8+$0x14600]  }
0x1de: {  	v5 =	vld [tilespmem:s8+$0x14610]  }
0x1df: {  	v3 =	vld [tilespmem:s8+$0x10600]  }
0x1e0: {  	v2 =	vld [tilespmem:s8+$0x10610]  }
0x1e1: {  	v1 =	vld [tilespmem:s8+$0x10620]  }
0x1e2: {  	v0 =	vld [tilespmem:s8+$0x10630]  }
0x1e3: {  	v7 =	vld [tilespmem:s8+$0xC600]  }
0x1e4: {  	v8 =	vld [tilespmem:s8+$0xC610]  }
0x1e5: {  	s26 =	simm.s32 $0x100;
	v6 =	vld [tilespmem:s8+$0xC620]  }
.LBB2_14:
0x1e6: {  	p0 =	sne.s32 s26, $0xFF00;
	v9 =	vld [tilespmem:s8+$0xC630]  }
0x1e7: {  	v10 =	vld [tilespmem:s8+$0x14620]  }
0x1e8: {  	s10 =	sshra.s32 s26, $0x2;
	v3 =	vadd.f32 v3, v7;
	v7 =	vld [tilespmem:s8+$0x14630]  }
0x1e9: {  	v11 =	vld [tilespmem:s10+$0x14600];
	v2 =	vadd.f32 v2, v8  }
0x1ea: {  	v8 =	vld [tilespmem:s10+$0x14610];
	v4 =	vadd.f32 v4, v3;
	v1 =	vadd.f32 v1, v6  }
0x1eb: {  	v3 =	vld [tilespmem:s10+$0x10600];
	v5 =	vadd.f32 v5, v2;
	v0 =	vadd.f32 v0, v9  }
0x1ec: {  	v2 =	vld [tilespmem:s10+$0x10610];
	v12 =	vmul.f32 $2.666666750e+00, v4;
	v6 =	vadd.f32 v10, v1  }
.Ltmp6:
0x1ed: {  	v1 =	vld [tilespmem:s10+$0x10620];
	v10 =	vmul.f32 $2.666666750e+00, v5;
	v9 =	vadd.f32 v7, v0;
	(pc) =	sbr.rel @p0 .LBB2_14-.Ltmp6, $4  }
0x1ee: {  	v0 =	vld [tilespmem:s10+$0x10630];
	[tilespmem:s8+$0xC600] =	vst v12;
	v6 =	vmul.f32 $2.666666750e+00, v6;
	v4 =	vmov v11  }
0x1ef: {  	v7 =	vld [tilespmem:s10+$0xC600];
	[tilespmem:s8+$0xC610] =	vst v10;
	v9 =	vmul.f32 $2.666666750e+00, v9;
	v5 =	vmov v8  }
0x1f0: {  	v8 =	vld [tilespmem:s10+$0xC610];
	[tilespmem:s8+$0xC620] =	vst v6  }
0x1f1: {  	s26 =	sadd.s32 $0x100, s26;
	v6 =	vld [tilespmem:s10+$0xC620];
	[tilespmem:s8+$0xC630] =	vst v9;
	s8 =	smov.u32 s10  }
0x1f2: {  	v9 =	vld [tilespmem:s8+$0xC630]  }
0x1f3: {  	v10 =	vld [tilespmem:s8+$0x14620]  }
0x1f4: {  	v63 =	vld [tilespmem:s8+$0x14630];
	v3 =	vadd.f32 v3, v7  }
0x1f5: {  	v2 =	vadd.f32 v2, v8  }
0x1f6: {  	v3 =	vadd.f32 v4, v3;
	v1 =	vadd.f32 v1, v6  }
0x1f7: {  	v2 =	vadd.f32 v5, v2;
	v0 =	vadd.f32 v0, v9  }
0x1f8: {  	v3 =	vmul.f32 $2.666666750e+00, v3;
	v1 =	vadd.f32 v10, v1  }
0x1f9: {  	v2 =	vmul.f32 $2.666666750e+00, v2;
	v0 =	vadd.f32 v63, v0  }
0x1fa: {  	[tilespmem:s8+$0xC600] =	vst v3;
	v1 =	vmul.f32 $2.666666750e+00, v1  }
0x1fb: {  	[tilespmem:s8+$0xC610] =	vst v2;
	v0 =	vmul.f32 $2.666666750e+00, v0  }
0x1fc: {  	[tilespmem:s8+$0xC620] =	vst v1  }
0x1fd: {  	s29 =	rddreg [dreg:$0x10];
	[tilespmem:s8+$0xC630] =	vst v0  }
0x1fe: {  	[hbm4b:s29+s4] =	stream.linear.scatter [tilespmem:s25], [sflag:$0x4], $0x4000, $0x38;
	[tilespmem:$0x18600] =	vst v63  }
0x1ff: {  	_ =	swait.ge [sflag:s16], $0x4000  }
0x200: {  	s10 =	rddreg [dreg:$0x15]  }
0x201: {  	s30 =	rddreg [dreg:$0x11];
	s10 =	sadd.s32 $0x1, s10  }
0x202: {  	p0 =	sne.s32 s10, s30  }
.Ltmp7:
0x203: {  	_ = 	snop;
	(pc) =	sbr.rel @p0 .LBB2_1-.Ltmp7, $3  }
0x204: {  	_ =	sdelay $0x1  }
0x205: {  	[sflag:s16] =	ssyncset.done $0x0  }
0x206: {  	[sflag:s16] =	ssyncadd.s32 $0xFFFFC000  }
0x207: {  	_ =	sfence.sel $0x180000  }
0x208: {  	[bflag:$0x0] =	sbarrier.arrive $0xFFFF  }
0x209: {  	_ =	strace $0x90000047  }
0x20a: {  	s0 =	stileid.u32;
	[bflag:$0x2] =	sbarrier.arrive $0xFFFF  }
0x20b: {  	p0 =	sne.s32 s0, $0x0;
	s0 =	rddreg [dreg:$0x3]  }
0x20c: {  	s0 =	sadd.s32 @!p0 $0x100000, s0  }
0x20d: {  	[sflag:s0] =	ssyncadd.tile.s32 @!p0 $0x1;
	_ =	shalt  }
.Lfunc_end2:
_tile_overlayer_lowered:
.L_overlay_start_2:
0x20e: {  	(tag) =	ssettag $0x2  }
0x20f: {  	s0 =	rddreg [dreg:$0x0];
	s2 =	stileid.u32  }
0x210: {  	s1 =	rddreg [dreg:$0x1];
	p0 =	sne.s32 s2, $0x0  }
0x211: {  	s3 =	rddreg [dreg:$0x2];
	[bflag:$0x3] =	sbarrier.arrive $0xFFFF;
	s2 =	simm.s32 @!p0 $0x1C06  }
0x212: {  	[timem:s3], [sflag:s2] =	dma.local @!p0 [hbm:s0], s1  }
0x213: {  	s0 =	simm.s32 @!p0 $0x6  }
0x214: {  	_ =	swait.ge @!p0 [sflag:s0], s1  }
0x215: {  	s1 =	ssub.s32 @!p0 $0x0, s1;
	[sflag:s0] =	ssyncset.done @!p0 $0x0  }
0x216: {  	[sflag:s0] =	ssyncadd.s32 @!p0 s1  }
0x217: {  	[bflag:$0x3] =	sbarrier.arrive $0xFFFF  }
0x218: {  	_ =	shalt  }

// kernel: sparse-core-data-format-call.cloned.1.call-start
scs
called_computation_lowered:
.L_overlay_start_0:
0x0: {  	s2 =	sld [smem:$0x3FD9]  }
0x1: {  	s3 =	sld [smem:$0x3FFE];
	_ =	sdelay $0x1  }
0x2: {  	s1 =	srdreg.scid  }
0x3: {  	s0 =	sand.u32 $0x1, s1  }
0x4: {  	s18 =	sshll.u32 s0, $0xA;
	s2 =	sadd.s32 s3, s2  }
0x5: {  	s2 =	sadd.s32 s2, s18  }
0x6: {  	[smem:$0x3FC4] =	sst s2  }
0x7: {  	_ = 	snop  }
0x8: {  	s2 =	sld [smem:$0x3FD0];
	(tm) =	ssettm $0x1  }
0x9: {  	s19 =	sld [smem:$0x3FFB];
	_ =	sdelay $0x3  }
0xa: {  	_ =	strace s19  }
0xb: {  	s3 =	sld [smem:$0x3FFC];
	_ =	sdelay $0x3  }
0xc: {  	_ =	strace s3  }
0xd: {  	s3 =	sld [smem:$0x3FFD];
	_ =	sdelay $0x3  }
0xe: {  	_ =	strace s3  }
0xf: {  	_ =	strace $0x8FFFFFFF  }
0x10: {  	s20 =	sld [smem:$0x3FDB];
	_ =	sdelay $0x1  }
0x11: {  	s4 =	simm.s32 $_scs_section_size  }
0x12: {  	s5 =	simm.s32 $_size__tile_overlayer_lowered;
	s6 =	simm.s32 $_tile_overlayer_lowered  }
0x13: {  	s23 =	simm.s32 $0x1BFF;
	s22 =	sshll.u32 s6, $0x1;
	s3 =	sadd.s32 s4, s20  }
0x14: {  	s7 =	simm.s32 $0x0;
	s21 =	sshll.u32 s5, $0x1;
	s5 =	sadd.s32 s22, s3  }
0x15: {  	[timem:s7], [sflag:s23] =	dma.local [hbm:s5], s21  }
0x16: {  	_ =	swait.ge [sflag:s23], s21  }
0x17: {  	s4 =	ssub.s32 $0x0, s21;
	[sflag:s23] =	ssyncset.done $0x0  }
0x18: {  	[sflag:s23] =	ssyncadd.s32 s4;
	_ =	sdelay $0x1  }
0x19: {  	s24 =	simm.s32 $0x1B8B  }
0x1a: {  	_ =	swait.ge [sflag:s24], $0x1  }
0x1b: {  	[sflag:s24] =	ssyncset.done $0x0  }
0x1c: {  	s26 =	simm.s32 $0x1B8E;
	s25 =	sld [smem:$0x3FFE];
	[sflag:s24] =	ssyncadd.s32 $0xFFFFFFFF  }
0x1d: {  	s27 =	simm.s32 $execute0_lowered;
	[smem:$0x3FD2] =	sst s26  }
0x1e: {  	s5 =	sshll.u32 s27, $0x1;
	_ =	strace $0x80000049;
	[dreg:$0x1] =	wrdreg $0xFFFFFFFF  }
0x1f: {  	s28 =	simm.s32 $_size_execute0_lowered;
	s3 =	sadd.s32 s3, s5;
	[dreg:$0x0] =	wrdreg $0x0  }
0x20: {  	s5 =	sshll.u32 s28, $0x1;
	[dreg:$0x2] =	wrdreg s3  }
0x21: {  	[dreg:$0x3] =	wrdreg s5  }
0x22: {  	[dreg:$0x4] =	wrdreg $0xC0  }
0x23: {  	_ =	task [dreg:s7], $0x5FFFF  }
0x24: {  	[dreg:$0x1] =	wrdreg $0xFFFFFFFF  }
0x25: {  	[dreg:$0x0] =	wrdreg $0x60  }
0x26: {  	[dreg:$0x2] =	wrdreg s25  }
0x27: {  	[dreg:$0x3] =	wrdreg s2  }
0x28: {  	[dreg:$0x4] =	wrdreg $0x9  }
0x29: {  	_ =	task.clear_ibuf [dreg:s7], $0x5FFFF;
	_ =	strace $0x90000049  }
0x2a: {  	s29 =	simm.s32 $0x9;
	_ =	strace $0x8000004B  }
0x2b: {  	_ =	swait.ge [sflag:s29], $0x1  }
0x2c: {  	[sflag:s29] =	ssyncadd.s32 $0xFFFFFFFF  }
0x2d: {  	_ =	strace $0x9000004B  }
0x2e: {  	_ =	sfence  }
0x2f: {  	s30 =	sld [smem:$0x0];
	_ =	sdelay $0x2  }
0x30: {  	s31 =	sshll.u32 s1, $0xD;
	s1 =	sshrl.u32 s1, $0x2  }
0x31: {  	s3 =	sand.u32 $0x4000, s31;
	s1 =	sadd.s32 s1, s30  }
0x32: {  	s0 =	sor.u32 s3, s0;
	s1 =	sshll.u32 s1, $0x11  }
0x33: {  	s0 =	sor.u32 s1, s0  }
0x34: {  	s0 =	sadd.s32 $0x8F2B, s0  }
0x35: {  	[sflag:s0] =	ssyncadd.remote.s32 $0x1  }
0x36: {  	_ =	sfence.sel $0xFFFF  }
0x37: {  	[dreg:$0x0] =	wrdreg $0xFFFFFFFF;
	(pc) =	sbr.abs _section_cstart, $3  }
0x38: {  	[dreg:$0x1] =	wrdreg $0xFFFFFFFF  }
0x39: {  	_ =	task.clear_ibuf [dreg:s7], $0x2FFFF;
	_ =	strace $0x9FFFFFFF  }
0x3a: {  	(tm) =	ssettm $0x7FFFFFFF  }
0x3b: {  	_ =	shalt  }
tec
execute0_lowered:
.L_overlay_start_1:
0x0: {  	(tag) =	ssettag $0x1  }
0x1: {  	s0 =	srdreg.scid  }
0x2: {  	s1 =	sshll.u32 s0, $0x4  }
0x3: {  	s4 =	rddreg [dreg:$0x0];
	s0 =	stileid.u32;
	s1 =	sand.u32 $0x10, s1  }
0x4: {  	s2 =	rddreg [dreg:$0x1];
	s7 =	simm.s32 $0x1;
	s1 =	sor.u32 s0, s1  }
0x5: {  	s8 =	simm.s32 $0x2;
	s11 =	simm.s32 $0x0;
	s3 =	sshll.u32 s1, $0x7  }
0x6: {  	s10 =	simm.s32 $0x0;
	s4 =	sadd.s32 $0x2400, s4;
	s6 =	ssub.s32 $0xC8000, s3  }
.Ltmp0:
0x7: {  	s1 =	rddreg [dreg:$0x2];
	s5 =	sand.u32 $0xF80, s6;
	(pc) =	sbr.rel .LBB1_1-.Ltmp0, $4  }
0x8: {  	_ =	strace $0x8000004A;
	s9 =	smov.u32 s3;
	p0 =	sne.s32 s5, $0x0  }
0x9: {  	s6 =	sshrl.u32 s6, $0xC;
	s5 =	simm.s32 $0x1;
	s7 =	simm.s32 @!p0 $0x0  }
0xa: {  	[sflag:s5] =	ssyncpa.u1 $0x0;
	p0 =	por $0x0, $0x0;
	s6 =	sadd.s32 s7, s6  }
0xb: {  	[sflag:s8] =	ssyncpa.u1 $0x0;
	s8 =	simm.s32 $0x640000;
	s7 =	sadd.s32 $0x1, s6  }
.LBB1_4:
0xc: {  	s14 =	sshll.u32 s11, $0x3  }
0xd: {  	s30 =	sand.u32 $0x7F, s11;
	s15 =	sand.u32 $0xFFFFFC00, s14  }
0xe: {  	s11 =	sor.u32 s30, s15  }
0xf: {  	s15 =	smulhi.u32 $0x51EB851F, s11  }
0x10: {  	s14 =	smulhi.u32 $0x51EB851F, s14  }
0x11: {  	s15 =	sshrl.u32 s15, $0x12  }
0x12: {  	s14 =	sshrl.u32 s14, $0x12;
	s15 =	smul.u32 $0xC8000, s15  }
0x13: {  	s14 =	sand.u32 $0x3F, s14  }
0x14: {  	s14 =	smul.u32 $0x19000, s14;
	s11 =	ssub.s32 s11, s15  }
0x15: {  	[tilespmem:s13+$0x810 ss:$0x81] =	vst.msk $0xffff, v2;
	s15 =	sand.u32 $0x7, s11  }
0x16: {  	[tilespmem:s13+$0x1020 ss:$0x81] =	vst.msk $0xffff, v0;
	s14 =	sadd.s32 s2, s14;
	s11 =	sshrl.u32 s11, $0x3;
	s15 =	sshll.u32 s15, $0x12  }
0x17: {  	[tilespmem:s13+$0x0 ss:$0x81] =	vst.msk $0xffff, v1;
	s11 =	sadd.s32 s11, s14;
	s31 =	sor.u32 $0x400, s15  }
0x18: {  	[hbm4b:s11+s31] =	stream.strided.scatter [tilespmem:s12], [sflag:$0x2], $0x2000, s8, s31, $0x20;
	[tilespmem:$0x8080] =	vst v63  }
.LBB1_5:
0x19: {  	s13 =	sadd.s32 $0x1000, s9  }
0x1a: {  	p2 =	sgt.s32 s13, $0xC7FFF  }
0x1b: {  	s13 =	smov.u32 @p2 s3;
	p2 =	sne.s32 s10, s7  }
.Ltmp1:
0x1c: {  	p1 =	slt.u32 s10, $0x2;
	(pc) =	sbr.rel @!p2 .LBB1_6-.Ltmp1, $4  }
0x1d: {  	s12 =	simm.s32 @!p1 $0x2  }
0x1e: {  	s14 =	sadd.s32 $0x1, s10;
	_ =	swait.ge @!p1 [sflag:s12], $0x2000  }
0x1f: {  	s11 =	smov.u32 s9;
	p0 =	por !p0, !p0;
	[sflag:s12] =	ssyncset.done @!p1 $0x0  }
0x20: {  	s10 =	smov.u32 s14;
	s9 =	smov.u32 s13;
	[sflag:s12] =	ssyncadd.s32 @!p1 $0xFFFFE000  }
.LBB1_1:
0x21: {  	p1 =	sge.u32 s10, s6  }
0x22: {  	s12 =	sand.u32 @!p1 $0x1FFFFFF, s9  }
0x23: {  	s13 =	smulhi.u32 @!p1 $0x147AE15, s12;
	_ =	sdelay $0x1  }
0x24: {  	s13 =	sshrl.u32 @!p1 s13, $0xC  }
0x25: {  	s13 =	smul.u32 @!p1 $0xC8000, s13;
	_ =	sdelay $0x1  }
0x26: {  	s31 =	sadd.s32 $0xFFFFFFFF, s10;
	s14 =	sxor.u32 @!p1 $0xFFFFFFFF, s10;
	s12 =	ssub.s32 @!p1 s12, s13  }
0x27: {  	s15 =	simm.s32 @!p1 $0x80;
	s14 =	sshll.u32 @!p1 s14, $0xD;
	s12 =	sshll.u32 @!p1 s12, $0x4  }
0x28: {  	s13 =	sand.u32 @!p1 $0x2000, s14;
	s14 =	simm.s32 @!p1 $0x40;
	s12 =	sadd.s32 @!p1 s4, s12  }
0x29: {  	[tilespmem:s13], [sflag:$0x1] =	stream.strided.gather @!p1 [hbm4b:s12+s14], $0x2000, s15, s14, $0x38;
	[tilespmem:$0x8080] =	vst v63  }
0x2a: {  	p1 =	sge.u32 s31, s6  }
.Ltmp2:
0x2b: {  	_ = 	snop;
	(pc) =	sbr.rel @p1 .LBB1_5-.Ltmp2, $1  }
0x2c: {  	_ =	sdelay $0x3  }
0x2d: {  	s12 =	simm.s32 $0x1  }
0x2e: {  	_ =	swait.ge [sflag:s5], $0x2000;
	s12 =	simm.s32 @!p0 $0x0  }
0x2f: {  	[sflag:s5] =	ssyncset.done $0x0;
	s13 =	sshll.u32 s12, $0xD  }
0x30: {  	[sflag:s5] =	ssyncadd.s32 $0xFFFFE000;
	s16 =	sor.u32 $0x20, s13  }
0x31: {  	s12 =	smul.u32 $0x8100, s12;
	v3 =	vld [tilespmem:s16+$0x10]  }
0x32: {  	s30 =	sand.u32 $0x1, s10;
	v2 =	vld [tilespmem:s16+$0xFFFFFFF0]  }
0x33: {  	s13 =	smul.u32 $0x8100, s30;
	s12 =	sshrl.u32 s12, $0x2;
	v0 =	vld [tilespmem:s16+$0x0]  }
0x34: {  	v1 =	vld [tilespmem:s16+$0xFFFFFFE0];
	s14 =	sor.u32 $0x4000, s12  }
0x35: {  	s31 =	sshrl.u32 s13, $0x2;
	s13 =	sadd.s32 $0x0, s14  }
0x36: {  	s15 =	simm.s32 $0x4;
	s16 =	sadd.s32 $0x40, s16;
	s12 =	sor.u32 $0x4000, s31;
	[tilespmem:s13+$0x1830 ss:$0x81] =	vst.msk $0xffff, v3  }
.LBB1_3:
0x37: {  	v3 =	vld [tilespmem:s16+$0x10];
	p1 =	sne.s32 s15, $0x1FC;
	[tilespmem:s13+$0x810 ss:$0x81] =	vst.msk $0xffff, v2;
	s17 =	smov.u32 s15;
	s15 =	sadd.s32 $0x4, s15  }
.Ltmp3:
0x38: {  	v2 =	vld [tilespmem:s16+$0xFFFFFFF0];
	[tilespmem:s13+$0x1020 ss:$0x81] =	vst.msk $0xffff, v0;
	(pc) =	sbr.rel @p1 .LBB1_3-.Ltmp3, $4  }
0x39: {  	v0 =	vld [tilespmem:s16+$0x0];
	[tilespmem:s13+$0x0 ss:$0x81] =	vst.msk $0xffff, v1  }
0x3a: {  	s13 =	sshra.s32 s17, $0x2;
	v1 =	vld [tilespmem:s16+$0xFFFFFFE0]  }
0x3b: {  	s13 =	sadd.s32 s13, s14  }
0x3c: {  	s16 =	sadd.s32 $0x40, s16;
	[tilespmem:s13+$0x1830 ss:$0x81] =	vst.msk $0xffff, v3  }
.Ltmp4:
0x3d: {  	_ = 	snop;
	(pc) =	sbr.rel .LBB1_4-.Ltmp4, $1  }
0x3e: {  	_ =	sdelay $0x3  }
.LBB1_6:
0x3f: {  	_ =	sfence.sel $0x180000  }
0x40: {  	s2 =	simm.s32 $0x1;
	[bflag:$0x0] =	sbarrier.arrive $0xFFFF  }
0x41: {  	s31 =	simm.s32 $0x2;
	[sflag:s2] =	ssyncpa.u1 $0x1  }
0x42: {  	[sflag:s31] =	ssyncpa.u1 $0x1  }
0x43: {  	p0 =	sne.s32 s0, $0x0;
	_ =	strace $0x9000004A  }
0x44: {  	s0 =	sadd.s32 @!p0 $0x100000, s1;
	[bflag:$0x2] =	sbarrier.arrive $0xFFFF  }
0x45: {  	[sflag:s0] =	ssyncadd.tile.s32 @!p0 $0x1;
	_ =	shalt  }
.Lfunc_end1:
_tile_overlayer_lowered:
.L_overlay_start_2:
0x46: {  	(tag) =	ssettag $0x2  }
0x47: {  	s0 =	rddreg [dreg:$0x0];
	s2 =	stileid.u32  }
0x48: {  	s1 =	rddreg [dreg:$0x1];
	p0 =	sne.s32 s2, $0x0  }
0x49: {  	s3 =	rddreg [dreg:$0x2];
	[bflag:$0x3] =	sbarrier.arrive $0xFFFF;
	s2 =	simm.s32 @!p0 $0x1C01  }
0x4a: {  	[timem:s3], [sflag:s2] =	dma.local @!p0 [hbm:s0], s1  }
0x4b: {  	s0 =	simm.s32 @!p0 $0x1  }
0x4c: {  	_ =	swait.ge @!p0 [sflag:s0], s1  }
0x4d: {  	s1 =	ssub.s32 @!p0 $0x0, s1;
	[sflag:s0] =	ssyncset.done @!p0 $0x0  }
0x4e: {  	[sflag:s0] =	ssyncadd.s32 @!p0 s1  }
0x4f: {  	[bflag:$0x3] =	sbarrier.arrive $0xFFFF  }
0x50: {  	_ =	shalt  }

</sc_bundles>
